<compile_context>
chip_gen: v7x
topology: tpu7x:2x2x1
jax: 0.10.2.dev20260603
libtpu: 0.0.44.dev20260713+nightly
codegen_flags: <defaults>
</compile_context>

<pallas_src>
import functools

import jax
import jax.numpy as jnp
from jax import lax
from jax.experimental import pallas as pl
from jax.experimental.pallas import tpu as pltpu
from jax.experimental.pallas import tpu_sc as plsc

B = 2
N = 10000
E = 160000
C = 128
O = 128
K = 8

NS = 16
CW = 96
SUB = CW // 16
EPB = E + N
CH = 112
EPAD = NS * CH * CW
RP = 640

_BLK = 5000
_GRID = (B * N) // _BLK



def _prep_body(x_ref, w_ref, ws_ref, wd_ref, h_ref, as_ref, ad_ref, gm_ref):
    i = pl.program_id(0)
    h = jnp.dot(x_ref[...], w_ref[...], preferred_element_type=jnp.float32)
    h_ref[...] = h
    a_s = jnp.sum(h * ws_ref[...], axis=1, keepdims=True)
    a_d = jnp.sum(h * wd_ref[...], axis=1, keepdims=True)
    as_ref[...] = a_s
    ad_ref[...] = a_d
    bm = jnp.max(a_s).reshape(1, 1)

    @pl.when(i == 0)
    def _():
        gm_ref[...] = bm

    @pl.when(i > 0)
    def _():
        gm_ref[...] = jnp.maximum(gm_ref[...], bm)


def _prep(x_flat, W, ws, wd):
    return pl.pallas_call(
        _prep_body,
        grid=(_GRID,),
        in_specs=[
            pl.BlockSpec((_BLK, C), lambda i: (i, 0)),
            pl.BlockSpec((C, O), lambda i: (0, 0)),
            pl.BlockSpec((1, O), lambda i: (0, 0)),
            pl.BlockSpec((1, O), lambda i: (0, 0)),
        ],
        out_specs=[
            pl.BlockSpec((_BLK, O), lambda i: (i, 0)),
            pl.BlockSpec((_BLK, 1), lambda i: (i, 0)),
            pl.BlockSpec((_BLK, 1), lambda i: (i, 0)),
            pl.BlockSpec((1, 1), lambda i: (0, 0)),
        ],
        out_shape=[
            jax.ShapeDtypeStruct((B * N, O), jnp.float32),
            jax.ShapeDtypeStruct((B * N, 1), jnp.float32),
            jax.ShapeDtypeStruct((B * N, 1), jnp.float32),
            jax.ShapeDtypeStruct((1, 1), jnp.float32),
        ],
    )(x_flat, W, ws, wd)



def _gat_sc_body(h_hbm, asrc_hbm, adst_hbm, gmax_hbm, srcg_hbm, dstl_hbm,
                 acc_hbm, den_hbm,
                 acc_s, den_s, asrc_t, adst_t,
                 stA, dtA, dscA, pbA, hrA,
                 stB, dtB, dscB, pbB, hrB, g_t,
                 semGA, semGB, semIA, semIB, semSA, semSB):
    c = lax.axis_index("c")
    s = lax.axis_index("s")
    pltpu.sync_copy(asrc_hbm.at[c], asrc_t)
    pltpu.sync_copy(adst_hbm.at[c], adst_t)
    pltpu.sync_copy(gmax_hbm, g_t)
    rb = pl.multiple_of(jnp.minimum(s * RP, N - RP), 8)

    zv = jnp.zeros((16,), jnp.float32)

    @plsc.parallel_loop(0, CW, unroll=4)
    def _(r):
        for k in range(8):
            hrA[r, pl.ds(k * 16, 16)] = zv

    for k in range(SUB):
        pbA[pl.ds(k * 16, 16)] = zv
    for q in range(RP // CW):
        pltpu.sync_copy(hrA, acc_s.at[pl.ds(rb + q * CW, CW)])
        pltpu.sync_copy(pbA, den_s.at[pl.ds(rb + q * CW, CW)])
    _TAIL = RP - (RP // CW) * CW
    pltpu.sync_copy(hrA.at[pl.ds(0, _TAIL)],
                    acc_s.at[pl.ds(rb + RP - _TAIL, _TAIL)])
    pltpu.sync_copy(pbA.at[pl.ds(0, _TAIL)],
                    den_s.at[pl.ds(rb + RP - _TAIL, _TAIL)])
    plsc.subcore_barrier()

    g = g_t[...]
    lane = lax.broadcasted_iota(jnp.int32, (16,), 0)
    coff = c * N

    pltpu.sync_copy(srcg_hbm.at[c, s, 0], stA)
    pltpu.sync_copy(dstl_hbm.at[s, 0], dtA)
    pltpu.sync_copy(srcg_hbm.at[c, s, 1], stB)
    pltpu.sync_copy(dstl_hbm.at[s, 1], dtB)
    pltpu.async_copy(h_hbm.at[stA], hrA, semGA)

    def half(j, i, first,
             st, dt, dsc, pb, hr, semG, semI, semS,
             stn, dtn, dscn, pbn, hrn, semGn, semIn, semSn):
        base = (s * CH + j) * CW
        for k in range(SUB):
            srcv = st[pl.ds(k * 16, 16)] - coff
            dstv = dt[pl.ds(k * 16, 16)]
            a_s = plsc.load_gather(asrc_t, [srcv])
            a_d = plsc.load_gather(adst_t, [dstv])
            t16 = a_s + a_d
            e16 = jnp.maximum(t16, 0.2 * t16)
            mg = g + a_d
            m16 = jnp.maximum(mg, 0.2 * mg)
            gi = base + k * 16 + lane
            pb[pl.ds(k * 16, 16)] = jnp.where(gi < EPB, jnp.exp(e16 - m16), 0.0)
            dsc[pl.ds(k * 16, 16)] = dstv
        pltpu.make_async_copy(h_hbm.at[st], hr, semG).wait()
        jn = jnp.minimum(j + 2, CH - 1)
        pltpu.async_copy(srcg_hbm.at[c, s, jn], st, semI)
        pltpu.async_copy(dstl_hbm.at[s, jn], dt, semI)

        def issue_next():
            pltpu.make_async_copy(hrn, acc_s.at[dscn], semSn).wait()
            pltpu.make_async_copy(pbn, den_s.at[dscn], semSn).wait()
            pltpu.make_async_copy(srcg_hbm.at[c, s, 0], stn, semIn).wait()
            pltpu.make_async_copy(dstl_hbm.at[s, 0], dtn, semIn).wait()
            pltpu.async_copy(h_hbm.at[stn], hrn, semGn)

        if first:
            @pl.when(i > 0)
            def _():
                issue_next()

            @pl.when(i == 0)
            def _():
                pltpu.async_copy(h_hbm.at[stn], hrn, semGn)
        else:
            @pl.when(j + 1 < CH)
            def _():
                issue_next()

        @plsc.parallel_loop(0, CW, unroll=4)
        def _(r):
            pbv = plsc.load_gather(pb, [jnp.full((16,), r, jnp.int32)])
            for k in range(8):
                hr[r, pl.ds(k * 16, 16)] = hr[r, pl.ds(k * 16, 16)] * pbv

        pltpu.async_copy(hr, acc_s.at[dsc], semS, add=True)
        pltpu.async_copy(pb, den_s.at[dsc], semS, add=True)

    def body(i, carry):
        half(2 * i, i, True,
             stA, dtA, dscA, pbA, hrA, semGA, semIA, semSA,
             stB, dtB, dscB, pbB, hrB, semGB, semIB, semSB)
        half(2 * i + 1, i, False,
             stB, dtB, dscB, pbB, hrB, semGB, semIB, semSB,
             stA, dtA, dscA, pbA, hrA, semGA, semIA, semSA)
        return carry

    lax.fori_loop(0, CH // 2, body, 0)
    pltpu.make_async_copy(hrA, acc_s.at[dscA], semSA).wait()
    pltpu.make_async_copy(pbA, den_s.at[dscA], semSA).wait()
    pltpu.make_async_copy(hrB, acc_s.at[dscB], semSB).wait()
    pltpu.make_async_copy(pbB, den_s.at[dscB], semSB).wait()
    pltpu.make_async_copy(srcg_hbm.at[c, s, 0], stA, semIA).wait()
    pltpu.make_async_copy(dstl_hbm.at[s, 0], dtA, semIA).wait()
    pltpu.make_async_copy(srcg_hbm.at[c, s, 0], stB, semIB).wait()
    pltpu.make_async_copy(dstl_hbm.at[s, 0], dtB, semIB).wait()
    plsc.subcore_barrier()
    pltpu.sync_copy(acc_s.at[pl.ds(rb, RP)], acc_hbm.at[c, pl.ds(rb, RP)])
    pltpu.sync_copy(den_s.at[pl.ds(rb, RP)], den_hbm.at[c, pl.ds(rb, RP)])


def _gat_sc(h, asrc2, adst2, gmax16, srcg, dstl):
    mesh = plsc.VectorSubcoreMesh(core_axis_name="c", subcore_axis_name="s")
    idx = lambda: pltpu.VMEM((CW,), jnp.int32)
    fn = functools.partial(
        pl.kernel,
        mesh=mesh,
        out_type=(jax.ShapeDtypeStruct((B, N, O), jnp.float32),
                  jax.ShapeDtypeStruct((B, N), jnp.float32)),
        scratch_types=[
            pltpu.VMEM_SHARED((N, O), jnp.float32),
            pltpu.VMEM_SHARED((N,), jnp.float32),
            pltpu.VMEM((N,), jnp.float32),
            pltpu.VMEM((N,), jnp.float32),
            idx(), idx(), idx(), pltpu.VMEM((CW,), jnp.float32),
            pltpu.VMEM((CW, O), jnp.float32),
            idx(), idx(), idx(), pltpu.VMEM((CW,), jnp.float32),
            pltpu.VMEM((CW, O), jnp.float32),
            pltpu.VMEM((16,), jnp.float32),
            pltpu.SemaphoreType.DMA, pltpu.SemaphoreType.DMA,
            pltpu.SemaphoreType.DMA, pltpu.SemaphoreType.DMA,
            pltpu.SemaphoreType.DMA, pltpu.SemaphoreType.DMA,
        ],
        compiler_params=pltpu.CompilerParams(needs_layout_passes=False,
                                             use_tc_tiling_on_sc=False),
    )(_gat_sc_body)
    return fn(h, asrc2, adst2, gmax16, srcg, dstl)



def _dec_body(acc_ref, den_ref, tgt_ref, bias_ref, wdd_ref, bd_ref,
              val_ref, idx_ref, nll_ref, cnt_ref):
    i = pl.program_id(0)
    a = acc_ref[...]
    den = den_ref[...]
    out = a / (den + 1e-16) + bias_ref[...]
    logits = jnp.dot(out.astype(jnp.bfloat16), wdd_ref[...].astype(jnp.bfloat16),
                     preferred_element_type=jnp.float32)
    logits = logits + bd_ref[...]
    mx = jnp.max(logits, axis=1, keepdims=True)
    val_ref[...] = mx
    iota = lax.broadcasted_iota(jnp.int32, logits.shape, 1)
    idx_ref[...] = jnp.min(jnp.where(logits == mx, iota, K), axis=1,
                           keepdims=True)
    logz = mx[:, 0] + jnp.log(jnp.sum(jnp.exp(logits - mx), axis=1))
    t = tgt_ref[...][:, 0]
    valid = t >= 0
    safe = jnp.where(valid, t, 0)
    picked = jnp.sum(jnp.where(iota == safe[:, None], logits, 0.0), axis=1)
    nll = jnp.sum(jnp.where(valid, logz - picked, 0.0)).reshape(1, 1)
    vc = jnp.sum(valid.astype(jnp.float32)).reshape(1, 1)

    @pl.when(i == 0)
    def _():
        nll_ref[...] = nll
        cnt_ref[...] = vc

    @pl.when(i > 0)
    def _():
        nll_ref[...] = nll_ref[...] + nll
        cnt_ref[...] = cnt_ref[...] + vc


def _decode(acc_flat, den_flat, tgt, bias, Wd, bd):
    return pl.pallas_call(
        _dec_body,
        grid=(_GRID,),
        in_specs=[
            pl.BlockSpec((_BLK, O), lambda i: (i, 0)),
            pl.BlockSpec((_BLK, 1), lambda i: (i, 0)),
            pl.BlockSpec((_BLK, 1), lambda i: (i, 0)),
            pl.BlockSpec((1, O), lambda i: (0, 0)),
            pl.BlockSpec((O, K), lambda i: (0, 0)),
            pl.BlockSpec((1, K), lambda i: (0, 0)),
        ],
        out_specs=[
            pl.BlockSpec((_BLK, 1), lambda i: (i, 0)),
            pl.BlockSpec((_BLK, 1), lambda i: (i, 0)),
            pl.BlockSpec((1, 1), lambda i: (0, 0)),
            pl.BlockSpec((1, 1), lambda i: (0, 0)),
        ],
        out_shape=[
            jax.ShapeDtypeStruct((B * N, 1), jnp.float32),
            jax.ShapeDtypeStruct((B * N, 1), jnp.int32),
            jax.ShapeDtypeStruct((1, 1), jnp.float32),
            jax.ShapeDtypeStruct((1, 1), jnp.float32),
        ],
    )(acc_flat, den_flat, tgt, bias, Wd, bd)



def kernel(x, adjacency, targets, W, att_src, att_dst, bias, Wd, bd):
    x_flat = x.reshape(B * N, C)
    ws = att_src.reshape(1, O)
    wd = att_dst.reshape(1, O)
    h, asrc, adst, gmax = _prep(x_flat, W, ws, wd)

    sl = jnp.arange(N, dtype=jnp.int32)
    src = jnp.concatenate([adjacency[0].astype(jnp.int32), sl])
    dst = jnp.concatenate([adjacency[1].astype(jnp.int32), sl])
    src = jnp.pad(src, (0, EPAD - EPB))
    dst = jnp.pad(dst, (0, EPAD - EPB))
    srcg = jnp.stack([src, src + N]).reshape(B, NS, CH, CW)
    dstl = dst.reshape(NS, CH, CW)

    asrc2 = asrc.reshape(B, N)
    adst2 = adst.reshape(B, N)
    gmax16 = jnp.broadcast_to(gmax.reshape(1), (16,))

    acc, den = _gat_sc(h, asrc2, adst2, gmax16, srcg, dstl)

    vals, idxs, nll, cnt = _decode(acc.reshape(B * N, O),
                                   den.reshape(B * N, 1),
                                   targets.reshape(B * N, 1).astype(jnp.int32),
                                   bias.reshape(1, O), Wd, bd.reshape(1, K))
    loss = (nll[0, 0] / jnp.maximum(cnt[0, 0], 1.0)) / B
    return (vals.reshape(B, N, 1), idxs.reshape(B, N, 1), loss)

# --- scband reference (transcript-rebuilt; emitter-appended) ---
"""Pipeline reference for scband-gatdecoder1-40089224741039 (READ-ONLY COPY).

The authoritative reference and input builder live on the scoring server;
editing this copy changes nothing except your own understanding.
"""

import jax, jax.numpy as jnp
import numpy as np

B = 2
N = 10000
E = 160000
C = 128
H = 1
O = 128
K = 8


def setup_inputs(seed: int = 0) -> dict:
    key = jax.random.key(seed)
    ks = jax.random.split(key, 10)
    x = jax.random.normal(ks[0], (B, N, C), dtype=jnp.float32)
    adjacency = jax.random.randint(ks[1], (2, E), 0, N).astype(jnp.int64)
    targets = jax.random.randint(ks[2], (B, N), 0, K).astype(jnp.int64)
    W = jax.random.normal(ks[3], (C, H * O), dtype=jnp.float32) * 0.1
    att_src = jax.random.normal(ks[4], (H, O), dtype=jnp.float32) * 0.1
    att_dst = jax.random.normal(ks[5], (H, O), dtype=jnp.float32) * 0.1
    bias = jnp.zeros((H * O,), dtype=jnp.float32)
    Wd = jax.random.normal(ks[6], (O, K), dtype=jnp.float32) * 0.1
    bd = jnp.zeros((K,), dtype=jnp.float32)
    return {"x": x, "adjacency": adjacency, "targets": targets, "W": W,
            "att_src": att_src, "att_dst": att_dst, "bias": bias,
            "Wd": Wd, "bd": bd}


def _gat_forward(x, adjacency, W, att_src, att_dst, bias):
    # Batch.from_data_list: block-diagonal adjacency with per-graph node offsets
    x_flat = x.reshape(B * N, C)
    eis = [adjacency + i * N for i in range(B)]
    ei = jnp.concatenate(eis, axis=1)
    # GATConv default add_self_loops=True
    sl = jnp.arange(B * N, dtype=ei.dtype)
    src = jnp.concatenate([ei[0], sl])
    dst = jnp.concatenate([ei[1], sl])
    h = (x_flat @ W).reshape(B * N, H, O)
    a_src = jnp.sum(h * att_src[None, :, :], axis=-1)  # [BN, H]
    a_dst = jnp.sum(h * att_dst[None, :, :], axis=-1)  # [BN, H]
    e = jax.nn.leaky_relu(a_src[src] + a_dst[dst], 0.2)  # [Ne, H]
    e_max = jax.ops.segment_max(e, dst, num_segments=B * N)
    e_exp = jnp.exp(e - e_max[dst])
    denom = jax.ops.segment_sum(e_exp, dst, num_segments=B * N)
    alpha = e_exp / (denom[dst] + 1e-16)  # softmax over incoming edges per dst
    msg = alpha[:, :, None] * h[src]  # [Ne, H, O]
    out = jax.ops.segment_sum(msg, dst, num_segments=B * N)  # [BN, H, O]
    out = out.reshape(B * N, H * O) + bias
    return out


def _cross_entropy(logits, targets):
    # torch F.cross_entropy with ignore_index=-1, reduction='mean'
    valid = targets >= 0
    safe_t = jnp.where(valid, targets, 0)
    logz = jax.nn.logsumexp(logits, axis=-1)
    picked = jnp.take_along_axis(logits, safe_t[:, None], axis=-1)[:, 0]
    nll = (logz - picked) * valid.astype(logits.dtype)
    return jnp.sum(nll) / jnp.maximum(jnp.sum(valid.astype(logits.dtype)), 1.0)


def reference(x, adjacency, targets, W, att_src, att_dst, bias, Wd, bd):
    batch_dim = x.shape[0]
    out = _gat_forward(x, adjacency, W, att_src, att_dst, bias)
    out = out.reshape(-1, N, O)
    logits = out @ Wd + bd  # [B, N, K]
    cong_values = jnp.max(logits, axis=2, keepdims=True)
    cong_indices = jnp.argmax(logits, axis=2, keepdims=True)
    loss = _cross_entropy(logits.reshape(-1, K), targets.reshape(-1))
    return (cong_values, cong_indices, loss / batch_dim)

if __name__ == "__main__":
    import jax
    _d = setup_inputs()
    print(jax.jit(kernel)(*tuple(_d.values())))

</pallas_src>

<mosaic_0001>
#map = affine_map<(d0, d1) -> (0, 0)>
#map1 = affine_map<(d0, d1) -> (0)>
#map2 = affine_map<(d0, d1) -> (0, 0, 0, 0)>
#map3 = affine_map<(d0, d1) -> (0, 0, 0)>
module attributes {stable_mosaic.version = 14 : i64} {
  func.func @_gat_sc_body(%arg0: i32, %arg1: i32, %arg2: memref<20000x128xf32, #tpu.memory_space<hbm>>, %arg3: memref<2x10000xf32, #tpu.memory_space<hbm>>, %arg4: memref<2x10000xf32, #tpu.memory_space<hbm>>, %arg5: memref<16xf32, #tpu.memory_space<hbm>>, %arg6: memref<2x16x112x96xi32, #tpu.memory_space<hbm>>, %arg7: memref<16x112x96xi32, #tpu.memory_space<hbm>>, %arg8: memref<2x10000x128xf32, #tpu.memory_space<hbm>>, %arg9: memref<2x10000xf32, #tpu.memory_space<hbm>>, %arg10: memref<10000x128xf32, #tpu.memory_space<vmem_shared>>, %arg11: memref<10000xf32, #tpu.memory_space<vmem_shared>>, %arg12: memref<10000xf32, #tpu.memory_space<vmem>>, %arg13: memref<10000xf32, #tpu.memory_space<vmem>>, %arg14: memref<96xi32, #tpu.memory_space<vmem>>, %arg15: memref<96xi32, #tpu.memory_space<vmem>>, %arg16: memref<96xi32, #tpu.memory_space<vmem>>, %arg17: memref<96xf32, #tpu.memory_space<vmem>>, %arg18: memref<96x128xf32, #tpu.memory_space<vmem>>, %arg19: memref<96xi32, #tpu.memory_space<vmem>>, %arg20: memref<96xi32, #tpu.memory_space<vmem>>, %arg21: memref<96xi32, #tpu.memory_space<vmem>>, %arg22: memref<96xf32, #tpu.memory_space<vmem>>, %arg23: memref<96x128xf32, #tpu.memory_space<vmem>>, %arg24: memref<16xf32, #tpu.memory_space<vmem>>, %arg25: memref<!tpu.dma_semaphore, #tpu.memory_space<semaphore_mem>>, %arg26: memref<!tpu.dma_semaphore, #tpu.memory_space<semaphore_mem>>, %arg27: memref<!tpu.dma_semaphore, #tpu.memory_space<semaphore_mem>>, %arg28: memref<!tpu.dma_semaphore, #tpu.memory_space<semaphore_mem>>, %arg29: memref<!tpu.dma_semaphore, #tpu.memory_space<semaphore_mem>>, %arg30: memref<!tpu.dma_semaphore, #tpu.memory_space<semaphore_mem>>) attributes {dimension_semantics = [#tpu.dimension_semantics<core_parallel>, #tpu.dimension_semantics<subcore_parallel>], iteration_bounds = array<i64: 2, 16>, scalar_prefetch = 0 : i64, scratch_operands = 21 : i64, tpu.core_type = #tpu.core_type<sc_vector_subcore>, window_params = [{transform_indices = #map}, {transform_indices = #map}, {transform_indices = #map}, {transform_indices = #map1}, {transform_indices = #map2}, {transform_indices = #map3}, {transform_indices = #map3}, {transform_indices = #map}]} {
    "tpu.region"() ({
      %run_scoped3A_97 = tpu.sem_alloc : memref<!tpu.dma_semaphore, #tpu.memory_space<semaphore_mem>>
      %dma_start3A_98 = arith.constant 0 : i32
      %dma_start3A_99 = tpu.memref_slice %arg3[%arg0, %dma_start3A_98] : memref<2x10000xf32, #tpu.memory_space<hbm>> -> memref<1x10000xf32, #tpu.memory_space<hbm>>
      %dma_start3A_100 = tpu.memref_squeeze %dma_start3A_99 : memref<1x10000xf32, #tpu.memory_space<hbm>> -> memref<10000xf32, #tpu.memory_space<hbm>>
      %dma_start3A_101 = arith.constant 0 : i32
      %dma_start3A_102 = tpu.memref_slice %arg3[%arg0, %dma_start3A_101] : memref<2x10000xf32, #tpu.memory_space<hbm>> -> memref<1x10000xf32, #tpu.memory_space<hbm>>
      %dma_start3A_103 = tpu.memref_squeeze %dma_start3A_102 : memref<1x10000xf32, #tpu.memory_space<hbm>> -> memref<10000xf32, #tpu.memory_space<hbm>>
      tpu.enqueue_dma source(%dma_start3A_103 : memref<10000xf32, #tpu.memory_space<hbm>>) target(%arg12 : memref<10000xf32, #tpu.memory_space<vmem>>) target_semaphore(%run_scoped3A_97 : memref<!tpu.dma_semaphore, #tpu.memory_space<semaphore_mem>>)
      %dma_wait3A_104 = arith.constant 0 : i32
      %dma_wait3A_105 = tpu.memref_slice %arg3[%arg0, %dma_wait3A_104] : memref<2x10000xf32, #tpu.memory_space<hbm>> -> memref<1x10000xf32, #tpu.memory_space<hbm>>
      %dma_wait3A_106 = tpu.memref_squeeze %dma_wait3A_105 : memref<1x10000xf32, #tpu.memory_space<hbm>> -> memref<10000xf32, #tpu.memory_space<hbm>>
      %dma_wait3A_107 = arith.constant 0 : i32
      %dma_wait3A_108 = tpu.memref_slice %arg3[%arg0, %dma_wait3A_107] : memref<2x10000xf32, #tpu.memory_space<hbm>> -> memref<1x10000xf32, #tpu.memory_space<hbm>>
      %dma_wait3A_109 = tpu.memref_squeeze %dma_wait3A_108 : memref<1x10000xf32, #tpu.memory_space<hbm>> -> memref<10000xf32, #tpu.memory_space<hbm>>
      tpu.wait_dma2 semaphore(%run_scoped3A_97 : memref<!tpu.dma_semaphore, #tpu.memory_space<semaphore_mem>>) src(%dma_wait3A_109 : memref<10000xf32, #tpu.memory_space<hbm>>) dst(%arg12 : memref<10000xf32, #tpu.memory_space<vmem>>)
      tpu.yield
    }) : () -> ()
    "tpu.region"() ({
      %run_scoped3A_97 = tpu.sem_alloc : memref<!tpu.dma_semaphore, #tpu.memory_space<semaphore_mem>>
      %dma_start3A_98 = arith.constant 0 : i32
      %dma_start3A_99 = tpu.memref_slice %arg4[%arg0, %dma_start3A_98] : memref<2x10000xf32, #tpu.memory_space<hbm>> -> memref<1x10000xf32, #tpu.memory_space<hbm>>
      %dma_start3A_100 = tpu.memref_squeeze %dma_start3A_99 : memref<1x10000xf32, #tpu.memory_space<hbm>> -> memref<10000xf32, #tpu.memory_space<hbm>>
      %dma_start3A_101 = arith.constant 0 : i32
      %dma_start3A_102 = tpu.memref_slice %arg4[%arg0, %dma_start3A_101] : memref<2x10000xf32, #tpu.memory_space<hbm>> -> memref<1x10000xf32, #tpu.memory_space<hbm>>
      %dma_start3A_103 = tpu.memref_squeeze %dma_start3A_102 : memref<1x10000xf32, #tpu.memory_space<hbm>> -> memref<10000xf32, #tpu.memory_space<hbm>>
      tpu.enqueue_dma source(%dma_start3A_103 : memref<10000xf32, #tpu.memory_space<hbm>>) target(%arg13 : memref<10000xf32, #tpu.memory_space<vmem>>) target_semaphore(%run_scoped3A_97 : memref<!tpu.dma_semaphore, #tpu.memory_space<semaphore_mem>>)
      %dma_wait3A_104 = arith.constant 0 : i32
      %dma_wait3A_105 = tpu.memref_slice %arg4[%arg0, %dma_wait3A_104] : memref<2x10000xf32, #tpu.memory_space<hbm>> -> memref<1x10000xf32, #tpu.memory_space<hbm>>
      %dma_wait3A_106 = tpu.memref_squeeze %dma_wait3A_105 : memref<1x10000xf32, #tpu.memory_space<hbm>> -> memref<10000xf32, #tpu.memory_space<hbm>>
      %dma_wait3A_107 = arith.constant 0 : i32
      %dma_wait3A_108 = tpu.memref_slice %arg4[%arg0, %dma_wait3A_107] : memref<2x10000xf32, #tpu.memory_space<hbm>> -> memref<1x10000xf32, #tpu.memory_space<hbm>>
      %dma_wait3A_109 = tpu.memref_squeeze %dma_wait3A_108 : memref<1x10000xf32, #tpu.memory_space<hbm>> -> memref<10000xf32, #tpu.memory_space<hbm>>
      tpu.wait_dma2 semaphore(%run_scoped3A_97 : memref<!tpu.dma_semaphore, #tpu.memory_space<semaphore_mem>>) src(%dma_wait3A_109 : memref<10000xf32, #tpu.memory_space<hbm>>) dst(%arg13 : memref<10000xf32, #tpu.memory_space<vmem>>)
      tpu.yield
    }) : () -> ()
    "tpu.region"() ({
      %run_scoped3A_97 = tpu.sem_alloc : memref<!tpu.dma_semaphore, #tpu.memory_space<semaphore_mem>>
      tpu.enqueue_dma source(%arg5 : memref<16xf32, #tpu.memory_space<hbm>>) target(%arg24 : memref<16xf32, #tpu.memory_space<vmem>>) target_semaphore(%run_scoped3A_97 : memref<!tpu.dma_semaphore, #tpu.memory_space<semaphore_mem>>)
      tpu.wait_dma2 semaphore(%run_scoped3A_97 : memref<!tpu.dma_semaphore, #tpu.memory_space<semaphore_mem>>) src(%arg5 : memref<16xf32, #tpu.memory_space<hbm>>) dst(%arg24 : memref<16xf32, #tpu.memory_space<vmem>>)
      tpu.yield
    }) : () -> ()
    %mul3A = arith.constant 640 : i32
    %mul3A_0 = arith.muli %arg1, %mul3A : i32
    %min3A = arith.constant 9360 : i32
    %min3A_1 = arith.minsi %mul3A_0, %min3A : i32
    %multiple_of3A = tpu.assume_multiple %min3A_1, 8 : i32
    %broadcast_in_dim3A = arith.constant 0.000000e+00 : f32
    %broadcast_in_dim3A_2 = vector.broadcast %broadcast_in_dim3A : f32 to vector<16xf32>
    %parallel_loop3A = arith.constant 0 : i32
    %parallel_loop3A_3 = arith.constant 96 : i32
    %parallel_loop3A_4 = arith.constant 1 : i32
    scf.for %parallel_loop3A_97 = %parallel_loop3A to %parallel_loop3A_3 step %parallel_loop3A_4  : i32 {
      %parallel_loop3A_98 = arith.index_cast %parallel_loop3A_97 : i32 to index
      %parallel_loop3A_99 = arith.constant 0 : index
      %parallel_loop3A_100 = tpu.vector_load %arg18[%parallel_loop3A_98, %parallel_loop3A_99] {strides = array<i32>} : memref<96x128xf32, #tpu.memory_space<vmem>>, vector<16xf32>,
      tpu.vector_store %arg18[%parallel_loop3A_98, %parallel_loop3A_99], %broadcast_in_dim3A_2 {strides = array<i32>} : memref<96x128xf32, #tpu.memory_space<vmem>>, vector<16xf32>,
      %parallel_loop3A_101 = arith.index_cast %parallel_loop3A_97 : i32 to index
      %parallel_loop3A_102 = arith.constant 16 : index
      %parallel_loop3A_103 = tpu.vector_load %arg18[%parallel_loop3A_101, %parallel_loop3A_102] {strides = array<i32>} : memref<96x128xf32, #tpu.memory_space<vmem>>, vector<16xf32>,
      tpu.vector_store %arg18[%parallel_loop3A_101, %parallel_loop3A_102], %broadcast_in_dim3A_2 {strides = array<i32>} : memref<96x128xf32, #tpu.memory_space<vmem>>, vector<16xf32>,
      %parallel_loop3A_104 = arith.index_cast %parallel_loop3A_97 : i32 to index
      %parallel_loop3A_105 = arith.constant 32 : index
      %parallel_loop3A_106 = tpu.vector_load %arg18[%parallel_loop3A_104, %parallel_loop3A_105] {strides = array<i32>} : memref<96x128xf32, #tpu.memory_space<vmem>>, vector<16xf32>,
      tpu.vector_store %arg18[%parallel_loop3A_104, %parallel_loop3A_105], %broadcast_in_dim3A_2 {strides = array<i32>} : memref<96x128xf32, #tpu.memory_space<vmem>>, vector<16xf32>,
      %parallel_loop3A_107 = arith.index_cast %parallel_loop3A_97 : i32 to index
      %parallel_loop3A_108 = arith.constant 48 : index
      %parallel_loop3A_109 = tpu.vector_load %arg18[%parallel_loop3A_107, %parallel_loop3A_108] {strides = array<i32>} : memref<96x128xf32, #tpu.memory_space<vmem>>, vector<16xf32>,
      tpu.vector_store %arg18[%parallel_loop3A_107, %parallel_loop3A_108], %broadcast_in_dim3A_2 {strides = array<i32>} : memref<96x128xf32, #tpu.memory_space<vmem>>, vector<16xf32>,
      %parallel_loop3A_110 = arith.index_cast %parallel_loop3A_97 : i32 to index
      %parallel_loop3A_111 = arith.constant 64 : index
      %parallel_loop3A_112 = tpu.vector_load %arg18[%parallel_loop3A_110, %parallel_loop3A_111] {strides = array<i32>} : memref<96x128xf32, #tpu.memory_space<vmem>>, vector<16xf32>,
      tpu.vector_store %arg18[%parallel_loop3A_110, %parallel_loop3A_111], %broadcast_in_dim3A_2 {strides = array<i32>} : memref<96x128xf32, #tpu.memory_space<vmem>>, vector<16xf32>,
      %parallel_loop3A_113 = arith.index_cast %parallel_loop3A_97 : i32 to index
      %parallel_loop3A_114 = arith.constant 80 : index
      %parallel_loop3A_115 = tpu.vector_load %arg18[%parallel_loop3A_113, %parallel_loop3A_114] {strides = array<i32>} : memref<96x128xf32, #tpu.memory_space<vmem>>, vector<16xf32>,
      tpu.vector_store %arg18[%parallel_loop3A_113, %parallel_loop3A_114], %broadcast_in_dim3A_2 {strides = array<i32>} : memref<96x128xf32, #tpu.memory_space<vmem>>, vector<16xf32>,
      %parallel_loop3A_116 = arith.index_cast %parallel_loop3A_97 : i32 to index
      %parallel_loop3A_117 = arith.constant 96 : index
      %parallel_loop3A_118 = tpu.vector_load %arg18[%parallel_loop3A_116, %parallel_loop3A_117] {strides = array<i32>} : memref<96x128xf32, #tpu.memory_space<vmem>>, vector<16xf32>,
      tpu.vector_store %arg18[%parallel_loop3A_116, %parallel_loop3A_117], %broadcast_in_dim3A_2 {strides = array<i32>} : memref<96x128xf32, #tpu.memory_space<vmem>>, vector<16xf32>,
      %parallel_loop3A_119 = arith.index_cast %parallel_loop3A_97 : i32 to index
      %parallel_loop3A_120 = arith.constant 112 : index
      %parallel_loop3A_121 = tpu.vector_load %arg18[%parallel_loop3A_119, %parallel_loop3A_120] {strides = array<i32>} : memref<96x128xf32, #tpu.memory_space<vmem>>, vector<16xf32>,
      tpu.vector_store %arg18[%parallel_loop3A_119, %parallel_loop3A_120], %broadcast_in_dim3A_2 {strides = array<i32>} : memref<96x128xf32, #tpu.memory_space<vmem>>, vector<16xf32>,
    } {sc.loop_unroll_factor = 4 : i64, sc.parallel_access}
    %swap3A = arith.constant 0 : index
    %swap3A_5 = tpu.vector_load %arg17[%swap3A] {strides = array<i32>} : memref<96xf32, #tpu.memory_space<vmem>>, vector<16xf32>,
    tpu.vector_store %arg17[%swap3A], %broadcast_in_dim3A_2 {strides = array<i32>} : memref<96xf32, #tpu.memory_space<vmem>>, vector<16xf32>,
    %swap3A_6 = arith.constant 16 : index
    %swap3A_7 = tpu.vector_load %arg17[%swap3A_6] {strides = array<i32>} : memref<96xf32, #tpu.memory_space<vmem>>, vector<16xf32>,
    tpu.vector_store %arg17[%swap3A_6], %broadcast_in_dim3A_2 {strides = array<i32>} : memref<96xf32, #tpu.memory_space<vmem>>, vector<16xf32>,
    %swap3A_8 = arith.constant 32 : index
    %swap3A_9 = tpu.vector_load %arg17[%swap3A_8] {strides = array<i32>} : memref<96xf32, #tpu.memory_space<vmem>>, vector<16xf32>,
    tpu.vector_store %arg17[%swap3A_8], %broadcast_in_dim3A_2 {strides = array<i32>} : memref<96xf32, #tpu.memory_space<vmem>>, vector<16xf32>,
    %swap3A_10 = arith.constant 48 : index
    %swap3A_11 = tpu.vector_load %arg17[%swap3A_10] {strides = array<i32>} : memref<96xf32, #tpu.memory_space<vmem>>, vector<16xf32>,
    tpu.vector_store %arg17[%swap3A_10], %broadcast_in_dim3A_2 {strides = array<i32>} : memref<96xf32, #tpu.memory_space<vmem>>, vector<16xf32>,
    %swap3A_12 = arith.constant 64 : index
    %swap3A_13 = tpu.vector_load %arg17[%swap3A_12] {strides = array<i32>} : memref<96xf32, #tpu.memory_space<vmem>>, vector<16xf32>,
    tpu.vector_store %arg17[%swap3A_12], %broadcast_in_dim3A_2 {strides = array<i32>} : memref<96xf32, #tpu.memory_space<vmem>>, vector<16xf32>,
    %swap3A_14 = arith.constant 80 : index
    %swap3A_15 = tpu.vector_load %arg17[%swap3A_14] {strides = array<i32>} : memref<96xf32, #tpu.memory_space<vmem>>, vector<16xf32>,
    tpu.vector_store %arg17[%swap3A_14], %broadcast_in_dim3A_2 {strides = array<i32>} : memref<96xf32, #tpu.memory_space<vmem>>, vector<16xf32>,
    %add3A = arith.constant 0 : i32
    %add3A_16 = arith.addi %multiple_of3A, %add3A : i32
    "tpu.region"() ({
      %run_scoped3A_97 = tpu.sem_alloc : memref<!tpu.dma_semaphore, #tpu.memory_space<semaphore_mem>>
      %dma_start3A_98 = arith.constant 0 : i32
      %dma_start3A_99 = tpu.memref_slice %arg10[%add3A_16, %dma_start3A_98] : memref<10000x128xf32, #tpu.memory_space<vmem_shared>> -> memref<96x128xf32, #tpu.memory_space<vmem_shared>>
      %dma_start3A_100 = arith.constant 0 : i32
      %dma_start3A_101 = tpu.memref_slice %arg10[%add3A_16, %dma_start3A_100] : memref<10000x128xf32, #tpu.memory_space<vmem_shared>> -> memref<96x128xf32, #tpu.memory_space<vmem_shared>>
      tpu.enqueue_dma source(%arg18 : memref<96x128xf32, #tpu.memory_space<vmem>>) target(%dma_start3A_101 : memref<96x128xf32, #tpu.memory_space<vmem_shared>>) target_semaphore(%run_scoped3A_97 : memref<!tpu.dma_semaphore, #tpu.memory_space<semaphore_mem>>)
      %dma_wait3A_102 = arith.constant 0 : i32
      %dma_wait3A_103 = tpu.memref_slice %arg10[%add3A_16, %dma_wait3A_102] : memref<10000x128xf32, #tpu.memory_space<vmem_shared>> -> memref<96x128xf32, #tpu.memory_space<vmem_shared>>
      %dma_wait3A_104 = arith.constant 0 : i32
      %dma_wait3A_105 = tpu.memref_slice %arg10[%add3A_16, %dma_wait3A_104] : memref<10000x128xf32, #tpu.memory_space<vmem_shared>> -> memref<96x128xf32, #tpu.memory_space<vmem_shared>>
      tpu.wait_dma2 semaphore(%run_scoped3A_97 : memref<!tpu.dma_semaphore, #tpu.memory_space<semaphore_mem>>) src(%arg18 : memref<96x128xf32, #tpu.memory_space<vmem>>) dst(%dma_wait3A_105 : memref<96x128xf32, #tpu.memory_space<vmem_shared>>)
      tpu.yield
    }) : () -> ()
    %add3A_17 = arith.constant 0 : i32
    %add3A_18 = arith.addi %multiple_of3A, %add3A_17 : i32
    "tpu.region"() ({
      %run_scoped3A_97 = tpu.sem_alloc : memref<!tpu.dma_semaphore, #tpu.memory_space<semaphore_mem>>
      %dma_start3A_98 = tpu.memref_slice %arg11[%add3A_18] : memref<10000xf32, #tpu.memory_space<vmem_shared>> -> memref<96xf32, #tpu.memory_space<vmem_shared>>
      %dma_start3A_99 = tpu.memref_slice %arg11[%add3A_18] : memref<10000xf32, #tpu.memory_space<vmem_shared>> -> memref<96xf32, #tpu.memory_space<vmem_shared>>
      tpu.enqueue_dma source(%arg17 : memref<96xf32, #tpu.memory_space<vmem>>) target(%dma_start3A_99 : memref<96xf32, #tpu.memory_space<vmem_shared>>) target_semaphore(%run_scoped3A_97 : memref<!tpu.dma_semaphore, #tpu.memory_space<semaphore_mem>>)
      %dma_wait3A_100 = tpu.memref_slice %arg11[%add3A_18] : memref<10000xf32, #tpu.memory_space<vmem_shared>> -> memref<96xf32, #tpu.memory_space<vmem_shared>>
      %dma_wait3A_101 = tpu.memref_slice %arg11[%add3A_18] : memref<10000xf32, #tpu.memory_space<vmem_shared>> -> memref<96xf32, #tpu.memory_space<vmem_shared>>
      tpu.wait_dma2 semaphore(%run_scoped3A_97 : memref<!tpu.dma_semaphore, #tpu.memory_space<semaphore_mem>>) src(%arg17 : memref<96xf32, #tpu.memory_space<vmem>>) dst(%dma_wait3A_101 : memref<96xf32, #tpu.memory_space<vmem_shared>>)
      tpu.yield
    }) : () -> ()
    %add3A_19 = arith.constant 96 : i32
    %add3A_20 = arith.addi %multiple_of3A, %add3A_19 : i32
    "tpu.region"() ({
      %run_scoped3A_97 = tpu.sem_alloc : memref<!tpu.dma_semaphore, #tpu.memory_space<semaphore_mem>>
      %dma_start3A_98 = arith.constant 0 : i32
      %dma_start3A_99 = tpu.memref_slice %arg10[%add3A_20, %dma_start3A_98] : memref<10000x128xf32, #tpu.memory_space<vmem_shared>> -> memref<96x128xf32, #tpu.memory_space<vmem_shared>>
      %dma_start3A_100 = arith.constant 0 : i32
      %dma_start3A_101 = tpu.memref_slice %arg10[%add3A_20, %dma_start3A_100] : memref<10000x128xf32, #tpu.memory_space<vmem_shared>> -> memref<96x128xf32, #tpu.memory_space<vmem_shared>>
      tpu.enqueue_dma source(%arg18 : memref<96x128xf32, #tpu.memory_space<vmem>>) target(%dma_start3A_101 : memref<96x128xf32, #tpu.memory_space<vmem_shared>>) target_semaphore(%run_scoped3A_97 : memref<!tpu.dma_semaphore, #tpu.memory_space<semaphore_mem>>)
      %dma_wait3A_102 = arith.constant 0 : i32
      %dma_wait3A_103 = tpu.memref_slice %arg10[%add3A_20, %dma_wait3A_102] : memref<10000x128xf32, #tpu.memory_space<vmem_shared>> -> memref<96x128xf32, #tpu.memory_space<vmem_shared>>
      %dma_wait3A_104 = arith.constant 0 : i32
      %dma_wait3A_105 = tpu.memref_slice %arg10[%add3A_20, %dma_wait3A_104] : memref<10000x128xf32, #tpu.memory_space<vmem_shared>> -> memref<96x128xf32, #tpu.memory_space<vmem_shared>>
      tpu.wait_dma2 semaphore(%run_scoped3A_97 : memref<!tpu.dma_semaphore, #tpu.memory_space<semaphore_mem>>) src(%arg18 : memref<96x128xf32, #tpu.memory_space<vmem>>) dst(%dma_wait3A_105 : memref<96x128xf32, #tpu.memory_space<vmem_shared>>)
      tpu.yield
    }) : () -> ()
    %add3A_21 = arith.constant 96 : i32
    %add3A_22 = arith.addi %multiple_of3A, %add3A_21 : i32
    "tpu.region"() ({
      %run_scoped3A_97 = tpu.sem_alloc : memref<!tpu.dma_semaphore, #tpu.memory_space<semaphore_mem>>
      %dma_start3A_98 = tpu.memref_slice %arg11[%add3A_22] : memref<10000xf32, #tpu.memory_space<vmem_shared>> -> memref<96xf32, #tpu.memory_space<vmem_shared>>
      %dma_start3A_99 = tpu.memref_slice %arg11[%add3A_22] : memref<10000xf32, #tpu.memory_space<vmem_shared>> -> memref<96xf32, #tpu.memory_space<vmem_shared>>
      tpu.enqueue_dma source(%arg17 : memref<96xf32, #tpu.memory_space<vmem>>) target(%dma_start3A_99 : memref<96xf32, #tpu.memory_space<vmem_shared>>) target_semaphore(%run_scoped3A_97 : memref<!tpu.dma_semaphore, #tpu.memory_space<semaphore_mem>>)
      %dma_wait3A_100 = tpu.memref_slice %arg11[%add3A_22] : memref<10000xf32, #tpu.memory_space<vmem_shared>> -> memref<96xf32, #tpu.memory_space<vmem_shared>>
      %dma_wait3A_101 = tpu.memref_slice %arg11[%add3A_22] : memref<10000xf32, #tpu.memory_space<vmem_shared>> -> memref<96xf32, #tpu.memory_space<vmem_shared>>
      tpu.wait_dma2 semaphore(%run_scoped3A_97 : memref<!tpu.dma_semaphore, #tpu.memory_space<semaphore_mem>>) src(%arg17 : memref<96xf32, #tpu.memory_space<vmem>>) dst(%dma_wait3A_101 : memref<96xf32, #tpu.memory_space<vmem_shared>>)
      tpu.yield
    }) : () -> ()
    %add3A_23 = arith.constant 192 : i32
    %add3A_24 = arith.addi %multiple_of3A, %add3A_23 : i32
    "tpu.region"() ({
      %run_scoped3A_97 = tpu.sem_alloc : memref<!tpu.dma_semaphore, #tpu.memory_space<semaphore_mem>>
      %dma_start3A_98 = arith.constant 0 : i32
      %dma_start3A_99 = tpu.memref_slice %arg10[%add3A_24, %dma_start3A_98] : memref<10000x128xf32, #tpu.memory_space<vmem_shared>> -> memref<96x128xf32, #tpu.memory_space<vmem_shared>>
      %dma_start3A_100 = arith.constant 0 : i32
      %dma_start3A_101 = tpu.memref_slice %arg10[%add3A_24, %dma_start3A_100] : memref<10000x128xf32, #tpu.memory_space<vmem_shared>> -> memref<96x128xf32, #tpu.memory_space<vmem_shared>>
      tpu.enqueue_dma source(%arg18 : memref<96x128xf32, #tpu.memory_space<vmem>>) target(%dma_start3A_101 : memref<96x128xf32, #tpu.memory_space<vmem_shared>>) target_semaphore(%run_scoped3A_97 : memref<!tpu.dma_semaphore, #tpu.memory_space<semaphore_mem>>)
      %dma_wait3A_102 = arith.constant 0 : i32
      %dma_wait3A_103 = tpu.memref_slice %arg10[%add3A_24, %dma_wait3A_102] : memref<10000x128xf32, #tpu.memory_space<vmem_shared>> -> memref<96x128xf32, #tpu.memory_space<vmem_shared>>
      %dma_wait3A_104 = arith.constant 0 : i32
      %dma_wait3A_105 = tpu.memref_slice %arg10[%add3A_24, %dma_wait3A_104] : memref<10000x128xf32, #tpu.memory_space<vmem_shared>> -> memref<96x128xf32, #tpu.memory_space<vmem_shared>>
      tpu.wait_dma2 semaphore(%run_scoped3A_97 : memref<!tpu.dma_semaphore, #tpu.memory_space<semaphore_mem>>) src(%arg18 : memref<96x128xf32, #tpu.memory_space<vmem>>) dst(%dma_wait3A_105 : memref<96x128xf32, #tpu.memory_space<vmem_shared>>)
      tpu.yield
    }) : () -> ()
    %add3A_25 = arith.constant 192 : i32
    %add3A_26 = arith.addi %multiple_of3A, %add3A_25 : i32
    "tpu.region"() ({
      %run_scoped3A_97 = tpu.sem_alloc : memref<!tpu.dma_semaphore, #tpu.memory_space<semaphore_mem>>
      %dma_start3A_98 = tpu.memref_slice %arg11[%add3A_26] : memref<10000xf32, #tpu.memory_space<vmem_shared>> -> memref<96xf32, #tpu.memory_space<vmem_shared>>
      %dma_start3A_99 = tpu.memref_slice %arg11[%add3A_26] : memref<10000xf32, #tpu.memory_space<vmem_shared>> -> memref<96xf32, #tpu.memory_space<vmem_shared>>
      tpu.enqueue_dma source(%arg17 : memref<96xf32, #tpu.memory_space<vmem>>) target(%dma_start3A_99 : memref<96xf32, #tpu.memory_space<vmem_shared>>) target_semaphore(%run_scoped3A_97 : memref<!tpu.dma_semaphore, #tpu.memory_space<semaphore_mem>>)
      %dma_wait3A_100 = tpu.memref_slice %arg11[%add3A_26] : memref<10000xf32, #tpu.memory_space<vmem_shared>> -> memref<96xf32, #tpu.memory_space<vmem_shared>>
      %dma_wait3A_101 = tpu.memref_slice %arg11[%add3A_26] : memref<10000xf32, #tpu.memory_space<vmem_shared>> -> memref<96xf32, #tpu.memory_space<vmem_shared>>
      tpu.wait_dma2 semaphore(%run_scoped3A_97 : memref<!tpu.dma_semaphore, #tpu.memory_space<semaphore_mem>>) src(%arg17 : memref<96xf32, #tpu.memory_space<vmem>>) dst(%dma_wait3A_101 : memref<96xf32, #tpu.memory_space<vmem_shared>>)
      tpu.yield
    }) : () -> ()
    %add3A_27 = arith.constant 288 : i32
    %add3A_28 = arith.addi %multiple_of3A, %add3A_27 : i32
    "tpu.region"() ({
      %run_scoped3A_97 = tpu.sem_alloc : memref<!tpu.dma_semaphore, #tpu.memory_space<semaphore_mem>>
      %dma_start3A_98 = arith.constant 0 : i32
      %dma_start3A_99 = tpu.memref_slice %arg10[%add3A_28, %dma_start3A_98] : memref<10000x128xf32, #tpu.memory_space<vmem_shared>> -> memref<96x128xf32, #tpu.memory_space<vmem_shared>>
      %dma_start3A_100 = arith.constant 0 : i32
      %dma_start3A_101 = tpu.memref_slice %arg10[%add3A_28, %dma_start3A_100] : memref<10000x128xf32, #tpu.memory_space<vmem_shared>> -> memref<96x128xf32, #tpu.memory_space<vmem_shared>>
      tpu.enqueue_dma source(%arg18 : memref<96x128xf32, #tpu.memory_space<vmem>>) target(%dma_start3A_101 : memref<96x128xf32, #tpu.memory_space<vmem_shared>>) target_semaphore(%run_scoped3A_97 : memref<!tpu.dma_semaphore, #tpu.memory_space<semaphore_mem>>)
      %dma_wait3A_102 = arith.constant 0 : i32
      %dma_wait3A_103 = tpu.memref_slice %arg10[%add3A_28, %dma_wait3A_102] : memref<10000x128xf32, #tpu.memory_space<vmem_shared>> -> memref<96x128xf32, #tpu.memory_space<vmem_shared>>
      %dma_wait3A_104 = arith.constant 0 : i32
      %dma_wait3A_105 = tpu.memref_slice %arg10[%add3A_28, %dma_wait3A_104] : memref<10000x128xf32, #tpu.memory_space<vmem_shared>> -> memref<96x128xf32, #tpu.memory_space<vmem_shared>>
      tpu.wait_dma2 semaphore(%run_scoped3A_97 : memref<!tpu.dma_semaphore, #tpu.memory_space<semaphore_mem>>) src(%arg18 : memref<96x128xf32, #tpu.memory_space<vmem>>) dst(%dma_wait3A_105 : memref<96x128xf32, #tpu.memory_space<vmem_shared>>)
      tpu.yield
    }) : () -> ()
    %add3A_29 = arith.constant 288 : i32
    %add3A_30 = arith.addi %multiple_of3A, %add3A_29 : i32
    "tpu.region"() ({
      %run_scoped3A_97 = tpu.sem_alloc : memref<!tpu.dma_semaphore, #tpu.memory_space<semaphore_mem>>
      %dma_start3A_98 = tpu.memref_slice %arg11[%add3A_30] : memref<10000xf32, #tpu.memory_space<vmem_shared>> -> memref<96xf32, #tpu.memory_space<vmem_shared>>
      %dma_start3A_99 = tpu.memref_slice %arg11[%add3A_30] : memref<10000xf32, #tpu.memory_space<vmem_shared>> -> memref<96xf32, #tpu.memory_space<vmem_shared>>
      tpu.enqueue_dma source(%arg17 : memref<96xf32, #tpu.memory_space<vmem>>) target(%dma_start3A_99 : memref<96xf32, #tpu.memory_space<vmem_shared>>) target_semaphore(%run_scoped3A_97 : memref<!tpu.dma_semaphore, #tpu.memory_space<semaphore_mem>>)
      %dma_wait3A_100 = tpu.memref_slice %arg11[%add3A_30] : memref<10000xf32, #tpu.memory_space<vmem_shared>> -> memref<96xf32, #tpu.memory_space<vmem_shared>>
      %dma_wait3A_101 = tpu.memref_slice %arg11[%add3A_30] : memref<10000xf32, #tpu.memory_space<vmem_shared>> -> memref<96xf32, #tpu.memory_space<vmem_shared>>
      tpu.wait_dma2 semaphore(%run_scoped3A_97 : memref<!tpu.dma_semaphore, #tpu.memory_space<semaphore_mem>>) src(%arg17 : memref<96xf32, #tpu.memory_space<vmem>>) dst(%dma_wait3A_101 : memref<96xf32, #tpu.memory_space<vmem_shared>>)
      tpu.yield
    }) : () -> ()
    %add3A_31 = arith.constant 384 : i32
    %add3A_32 = arith.addi %multiple_of3A, %add3A_31 : i32
    "tpu.region"() ({
      %run_scoped3A_97 = tpu.sem_alloc : memref<!tpu.dma_semaphore, #tpu.memory_space<semaphore_mem>>
      %dma_start3A_98 = arith.constant 0 : i32
      %dma_start3A_99 = tpu.memref_slice %arg10[%add3A_32, %dma_start3A_98] : memref<10000x128xf32, #tpu.memory_space<vmem_shared>> -> memref<96x128xf32, #tpu.memory_space<vmem_shared>>
      %dma_start3A_100 = arith.constant 0 : i32
      %dma_start3A_101 = tpu.memref_slice %arg10[%add3A_32, %dma_start3A_100] : memref<10000x128xf32, #tpu.memory_space<vmem_shared>> -> memref<96x128xf32, #tpu.memory_space<vmem_shared>>
      tpu.enqueue_dma source(%arg18 : memref<96x128xf32, #tpu.memory_space<vmem>>) target(%dma_start3A_101 : memref<96x128xf32, #tpu.memory_space<vmem_shared>>) target_semaphore(%run_scoped3A_97 : memref<!tpu.dma_semaphore, #tpu.memory_space<semaphore_mem>>)
      %dma_wait3A_102 = arith.constant 0 : i32
      %dma_wait3A_103 = tpu.memref_slice %arg10[%add3A_32, %dma_wait3A_102] : memref<10000x128xf32, #tpu.memory_space<vmem_shared>> -> memref<96x128xf32, #tpu.memory_space<vmem_shared>>
      %dma_wait3A_104 = arith.constant 0 : i32
      %dma_wait3A_105 = tpu.memref_slice %arg10[%add3A_32, %dma_wait3A_104] : memref<10000x128xf32, #tpu.memory_space<vmem_shared>> -> memref<96x128xf32, #tpu.memory_space<vmem_shared>>
      tpu.wait_dma2 semaphore(%run_scoped3A_97 : memref<!tpu.dma_semaphore, #tpu.memory_space<semaphore_mem>>) src(%arg18 : memref<96x128xf32, #tpu.memory_space<vmem>>) dst(%dma_wait3A_105 : memref<96x128xf32, #tpu.memory_space<vmem_shared>>)
      tpu.yield
    }) : () -> ()
    %add3A_33 = arith.constant 384 : i32
    %add3A_34 = arith.addi %multiple_of3A, %add3A_33 : i32
    "tpu.region"() ({
      %run_scoped3A_97 = tpu.sem_alloc : memref<!tpu.dma_semaphore, #tpu.memory_space<semaphore_mem>>
      %dma_start3A_98 = tpu.memref_slice %arg11[%add3A_34] : memref<10000xf32, #tpu.memory_space<vmem_shared>> -> memref<96xf32, #tpu.memory_space<vmem_shared>>
      %dma_start3A_99 = tpu.memref_slice %arg11[%add3A_34] : memref<10000xf32, #tpu.memory_space<vmem_shared>> -> memref<96xf32, #tpu.memory_space<vmem_shared>>
      tpu.enqueue_dma source(%arg17 : memref<96xf32, #tpu.memory_space<vmem>>) target(%dma_start3A_99 : memref<96xf32, #tpu.memory_space<vmem_shared>>) target_semaphore(%run_scoped3A_97 : memref<!tpu.dma_semaphore, #tpu.memory_space<semaphore_mem>>)
      %dma_wait3A_100 = tpu.memref_slice %arg11[%add3A_34] : memref<10000xf32, #tpu.memory_space<vmem_shared>> -> memref<96xf32, #tpu.memory_space<vmem_shared>>
      %dma_wait3A_101 = tpu.memref_slice %arg11[%add3A_34] : memref<10000xf32, #tpu.memory_space<vmem_shared>> -> memref<96xf32, #tpu.memory_space<vmem_shared>>
      tpu.wait_dma2 semaphore(%run_scoped3A_97 : memref<!tpu.dma_semaphore, #tpu.memory_space<semaphore_mem>>) src(%arg17 : memref<96xf32, #tpu.memory_space<vmem>>) dst(%dma_wait3A_101 : memref<96xf32, #tpu.memory_space<vmem_shared>>)
      tpu.yield
    }) : () -> ()
    %add3A_35 = arith.constant 480 : i32
    %add3A_36 = arith.addi %multiple_of3A, %add3A_35 : i32
    "tpu.region"() ({
      %run_scoped3A_97 = tpu.sem_alloc : memref<!tpu.dma_semaphore, #tpu.memory_space<semaphore_mem>>
      %dma_start3A_98 = arith.constant 0 : i32
      %dma_start3A_99 = tpu.memref_slice %arg10[%add3A_36, %dma_start3A_98] : memref<10000x128xf32, #tpu.memory_space<vmem_shared>> -> memref<96x128xf32, #tpu.memory_space<vmem_shared>>
      %dma_start3A_100 = arith.constant 0 : i32
      %dma_start3A_101 = tpu.memref_slice %arg10[%add3A_36, %dma_start3A_100] : memref<10000x128xf32, #tpu.memory_space<vmem_shared>> -> memref<96x128xf32, #tpu.memory_space<vmem_shared>>
      tpu.enqueue_dma source(%arg18 : memref<96x128xf32, #tpu.memory_space<vmem>>) target(%dma_start3A_101 : memref<96x128xf32, #tpu.memory_space<vmem_shared>>) target_semaphore(%run_scoped3A_97 : memref<!tpu.dma_semaphore, #tpu.memory_space<semaphore_mem>>)
      %dma_wait3A_102 = arith.constant 0 : i32
      %dma_wait3A_103 = tpu.memref_slice %arg10[%add3A_36, %dma_wait3A_102] : memref<10000x128xf32, #tpu.memory_space<vmem_shared>> -> memref<96x128xf32, #tpu.memory_space<vmem_shared>>
      %dma_wait3A_104 = arith.constant 0 : i32
      %dma_wait3A_105 = tpu.memref_slice %arg10[%add3A_36, %dma_wait3A_104] : memref<10000x128xf32, #tpu.memory_space<vmem_shared>> -> memref<96x128xf32, #tpu.memory_space<vmem_shared>>
      tpu.wait_dma2 semaphore(%run_scoped3A_97 : memref<!tpu.dma_semaphore, #tpu.memory_space<semaphore_mem>>) src(%arg18 : memref<96x128xf32, #tpu.memory_space<vmem>>) dst(%dma_wait3A_105 : memref<96x128xf32, #tpu.memory_space<vmem_shared>>)
      tpu.yield
    }) : () -> ()
    %add3A_37 = arith.constant 480 : i32
    %add3A_38 = arith.addi %multiple_of3A, %add3A_37 : i32
    "tpu.region"() ({
      %run_scoped3A_97 = tpu.sem_alloc : memref<!tpu.dma_semaphore, #tpu.memory_space<semaphore_mem>>
      %dma_start3A_98 = tpu.memref_slice %arg11[%add3A_38] : memref<10000xf32, #tpu.memory_space<vmem_shared>> -> memref<96xf32, #tpu.memory_space<vmem_shared>>
      %dma_start3A_99 = tpu.memref_slice %arg11[%add3A_38] : memref<10000xf32, #tpu.memory_space<vmem_shared>> -> memref<96xf32, #tpu.memory_space<vmem_shared>>
      tpu.enqueue_dma source(%arg17 : memref<96xf32, #tpu.memory_space<vmem>>) target(%dma_start3A_99 : memref<96xf32, #tpu.memory_space<vmem_shared>>) target_semaphore(%run_scoped3A_97 : memref<!tpu.dma_semaphore, #tpu.memory_space<semaphore_mem>>)
      %dma_wait3A_100 = tpu.memref_slice %arg11[%add3A_38] : memref<10000xf32, #tpu.memory_space<vmem_shared>> -> memref<96xf32, #tpu.memory_space<vmem_shared>>
      %dma_wait3A_101 = tpu.memref_slice %arg11[%add3A_38] : memref<10000xf32, #tpu.memory_space<vmem_shared>> -> memref<96xf32, #tpu.memory_space<vmem_shared>>
      tpu.wait_dma2 semaphore(%run_scoped3A_97 : memref<!tpu.dma_semaphore, #tpu.memory_space<semaphore_mem>>) src(%arg17 : memref<96xf32, #tpu.memory_space<vmem>>) dst(%dma_wait3A_101 : memref<96xf32, #tpu.memory_space<vmem_shared>>)
      tpu.yield
    }) : () -> ()
    %add3A_39 = arith.constant 640 : i32
    %add3A_40 = arith.addi %multiple_of3A, %add3A_39 : i32
    %sub3A = arith.constant 64 : i32
    %sub3A_41 = arith.subi %add3A_40, %sub3A : i32
    "tpu.region"() ({
      %run_scoped3A_97 = tpu.sem_alloc : memref<!tpu.dma_semaphore, #tpu.memory_space<semaphore_mem>>
      %dma_start3A_98 = arith.constant 0 : i32
      %dma_start3A_99 = arith.constant 0 : i32
      %dma_start3A_100 = tpu.memref_slice %arg18[%dma_start3A_98, %dma_start3A_99] : memref<96x128xf32, #tpu.memory_space<vmem>> -> memref<64x128xf32, #tpu.memory_space<vmem>>
      %dma_start3A_101 = arith.constant 0 : i32
      %dma_start3A_102 = tpu.memref_slice %arg10[%sub3A_41, %dma_start3A_101] : memref<10000x128xf32, #tpu.memory_space<vmem_shared>> -> memref<64x128xf32, #tpu.memory_space<vmem_shared>>
      %dma_start3A_103 = arith.constant 0 : i32
      %dma_start3A_104 = tpu.memref_slice %arg10[%sub3A_41, %dma_start3A_103] : memref<10000x128xf32, #tpu.memory_space<vmem_shared>> -> memref<64x128xf32, #tpu.memory_space<vmem_shared>>
      %dma_start3A_105 = arith.constant 0 : i32
      %dma_start3A_106 = arith.constant 0 : i32
      %dma_start3A_107 = tpu.memref_slice %arg18[%dma_start3A_105, %dma_start3A_106] : memref<96x128xf32, #tpu.memory_space<vmem>> -> memref<64x128xf32, #tpu.memory_space<vmem>>
      tpu.enqueue_dma source(%dma_start3A_107 : memref<64x128xf32, #tpu.memory_space<vmem>>) target(%dma_start3A_104 : memref<64x128xf32, #tpu.memory_space<vmem_shared>>) target_semaphore(%run_scoped3A_97 : memref<!tpu.dma_semaphore, #tpu.memory_space<semaphore_mem>>)
      %dma_wait3A_108 = arith.constant 0 : i32
      %dma_wait3A_109 = arith.constant 0 : i32
      %dma_wait3A_110 = tpu.memref_slice %arg18[%dma_wait3A_108, %dma_wait3A_109] : memref<96x128xf32, #tpu.memory_space<vmem>> -> memref<64x128xf32, #tpu.memory_space<vmem>>
      %dma_wait3A_111 = arith.constant 0 : i32
      %dma_wait3A_112 = tpu.memref_slice %arg10[%sub3A_41, %dma_wait3A_111] : memref<10000x128xf32, #tpu.memory_space<vmem_shared>> -> memref<64x128xf32, #tpu.memory_space<vmem_shared>>
      %dma_wait3A_113 = arith.constant 0 : i32
      %dma_wait3A_114 = tpu.memref_slice %arg10[%sub3A_41, %dma_wait3A_113] : memref<10000x128xf32, #tpu.memory_space<vmem_shared>> -> memref<64x128xf32, #tpu.memory_space<vmem_shared>>
      %dma_wait3A_115 = arith.constant 0 : i32
      %dma_wait3A_116 = arith.constant 0 : i32
      %dma_wait3A_117 = tpu.memref_slice %arg18[%dma_wait3A_115, %dma_wait3A_116] : memref<96x128xf32, #tpu.memory_space<vmem>> -> memref<64x128xf32, #tpu.memory_space<vmem>>
      tpu.wait_dma2 semaphore(%run_scoped3A_97 : memref<!tpu.dma_semaphore, #tpu.memory_space<semaphore_mem>>) src(%dma_wait3A_117 : memref<64x128xf32, #tpu.memory_space<vmem>>) dst(%dma_wait3A_114 : memref<64x128xf32, #tpu.memory_space<vmem_shared>>)
      tpu.yield
    }) : () -> ()
    %add3A_42 = arith.constant 640 : i32
    %add3A_43 = arith.addi %multiple_of3A, %add3A_42 : i32
    %sub3A_44 = arith.constant 64 : i32
    %sub3A_45 = arith.subi %add3A_43, %sub3A_44 : i32
    "tpu.region"() ({
      %run_scoped3A_97 = tpu.sem_alloc : memref<!tpu.dma_semaphore, #tpu.memory_space<semaphore_mem>>
      %dma_start3A_98 = arith.constant 0 : i32
      %dma_start3A_99 = tpu.memref_slice %arg17[%dma_start3A_98] : memref<96xf32, #tpu.memory_space<vmem>> -> memref<64xf32, #tpu.memory_space<vmem>>
      %dma_start3A_100 = tpu.memref_slice %arg11[%sub3A_45] : memref<10000xf32, #tpu.memory_space<vmem_shared>> -> memref<64xf32, #tpu.memory_space<vmem_shared>>
      %dma_start3A_101 = tpu.memref_slice %arg11[%sub3A_45] : memref<10000xf32, #tpu.memory_space<vmem_shared>> -> memref<64xf32, #tpu.memory_space<vmem_shared>>
      %dma_start3A_102 = arith.constant 0 : i32
      %dma_start3A_103 = tpu.memref_slice %arg17[%dma_start3A_102] : memref<96xf32, #tpu.memory_space<vmem>> -> memref<64xf32, #tpu.memory_space<vmem>>
      tpu.enqueue_dma source(%dma_start3A_103 : memref<64xf32, #tpu.memory_space<vmem>>) target(%dma_start3A_101 : memref<64xf32, #tpu.memory_space<vmem_shared>>) target_semaphore(%run_scoped3A_97 : memref<!tpu.dma_semaphore, #tpu.memory_space<semaphore_mem>>)
      %dma_wait3A_104 = arith.constant 0 : i32
      %dma_wait3A_105 = tpu.memref_slice %arg17[%dma_wait3A_104] : memref<96xf32, #tpu.memory_space<vmem>> -> memref<64xf32, #tpu.memory_space<vmem>>
      %dma_wait3A_106 = tpu.memref_slice %arg11[%sub3A_45] : memref<10000xf32, #tpu.memory_space<vmem_shared>> -> memref<64xf32, #tpu.memory_space<vmem_shared>>
      %dma_wait3A_107 = tpu.memref_slice %arg11[%sub3A_45] : memref<10000xf32, #tpu.memory_space<vmem_shared>> -> memref<64xf32, #tpu.memory_space<vmem_shared>>
      %dma_wait3A_108 = arith.constant 0 : i32
      %dma_wait3A_109 = tpu.memref_slice %arg17[%dma_wait3A_108] : memref<96xf32, #tpu.memory_space<vmem>> -> memref<64xf32, #tpu.memory_space<vmem>>
      tpu.wait_dma2 semaphore(%run_scoped3A_97 : memref<!tpu.dma_semaphore, #tpu.memory_space<semaphore_mem>>) src(%dma_wait3A_109 : memref<64xf32, #tpu.memory_space<vmem>>) dst(%dma_wait3A_107 : memref<64xf32, #tpu.memory_space<vmem_shared>>)
      tpu.yield
    }) : () -> ()
    %barrier3A = arith.constant 0 : index
    tpu.barrier barrier_id(%barrier3A)
    %get3A = arith.constant 0 : index
    %get3A_46 = tpu.vector_load %arg24[%get3A] {strides = array<i32>} : memref<16xf32, #tpu.memory_space<vmem>>, vector<16xf32>,
    %iota3A = tpu.iota {dimensions = array<i32: 0>} : vector<16xi32>
    %mul3A_47 = arith.constant 10000 : i32
    %mul3A_48 = arith.muli %arg0, %mul3A_47 : i32
    %run_scoped3A = arith.constant 0 : i32
    "tpu.region"() ({
      %run_scoped3A_97 = tpu.sem_alloc : memref<!tpu.dma_semaphore, #tpu.memory_space<semaphore_mem>>
      %dma_start3A_98 = arith.constant 0 : i32
      %dma_start3A_99 = tpu.memref_slice %arg6[%arg0, %arg1, %run_scoped3A, %dma_start3A_98] : memref<2x16x112x96xi32, #tpu.memory_space<hbm>> -> memref<1x1x1x96xi32, #tpu.memory_space<hbm>>
      %dma_start3A_100 = tpu.memref_squeeze %dma_start3A_99 : memref<1x1x1x96xi32, #tpu.memory_space<hbm>> -> memref<96xi32, #tpu.memory_space<hbm>>
      %dma_start3A_101 = arith.constant 0 : i32
      %dma_start3A_102 = tpu.memref_slice %arg6[%arg0, %arg1, %run_scoped3A, %dma_start3A_101] : memref<2x16x112x96xi32, #tpu.memory_space<hbm>> -> memref<1x1x1x96xi32, #tpu.memory_space<hbm>>
      %dma_start3A_103 = tpu.memref_squeeze %dma_start3A_102 : memref<1x1x1x96xi32, #tpu.memory_space<hbm>> -> memref<96xi32, #tpu.memory_space<hbm>>
      tpu.enqueue_dma source(%dma_start3A_103 : memref<96xi32, #tpu.memory_space<hbm>>) target(%arg14 : memref<96xi32, #tpu.memory_space<vmem>>) target_semaphore(%run_scoped3A_97 : memref<!tpu.dma_semaphore, #tpu.memory_space<semaphore_mem>>)
      %dma_wait3A_104 = arith.constant 0 : i32
      %dma_wait3A_105 = tpu.memref_slice %arg6[%arg0, %arg1, %run_scoped3A, %dma_wait3A_104] : memref<2x16x112x96xi32, #tpu.memory_space<hbm>> -> memref<1x1x1x96xi32, #tpu.memory_space<hbm>>
      %dma_wait3A_106 = tpu.memref_squeeze %dma_wait3A_105 : memref<1x1x1x96xi32, #tpu.memory_space<hbm>> -> memref<96xi32, #tpu.memory_space<hbm>>
      %dma_wait3A_107 = arith.constant 0 : i32
      %dma_wait3A_108 = tpu.memref_slice %arg6[%arg0, %arg1, %run_scoped3A, %dma_wait3A_107] : memref<2x16x112x96xi32, #tpu.memory_space<hbm>> -> memref<1x1x1x96xi32, #tpu.memory_space<hbm>>
      %dma_wait3A_109 = tpu.memref_squeeze %dma_wait3A_108 : memref<1x1x1x96xi32, #tpu.memory_space<hbm>> -> memref<96xi32, #tpu.memory_space<hbm>>
      tpu.wait_dma2 semaphore(%run_scoped3A_97 : memref<!tpu.dma_semaphore, #tpu.memory_space<semaphore_mem>>) src(%dma_wait3A_109 : memref<96xi32, #tpu.memory_space<hbm>>) dst(%arg14 : memref<96xi32, #tpu.memory_space<vmem>>)
      tpu.yield
    }) : () -> ()
    %run_scoped3A_49 = arith.constant 0 : i32
    "tpu.region"() ({
      %run_scoped3A_97 = tpu.sem_alloc : memref<!tpu.dma_semaphore, #tpu.memory_space<semaphore_mem>>
      %dma_start3A_98 = arith.constant 0 : i32
      %dma_start3A_99 = tpu.memref_slice %arg7[%arg1, %run_scoped3A_49, %dma_start3A_98] : memref<16x112x96xi32, #tpu.memory_space<hbm>> -> memref<1x1x96xi32, #tpu.memory_space<hbm>>
      %dma_start3A_100 = tpu.memref_squeeze %dma_start3A_99 : memref<1x1x96xi32, #tpu.memory_space<hbm>> -> memref<96xi32, #tpu.memory_space<hbm>>
      %dma_start3A_101 = arith.constant 0 : i32
      %dma_start3A_102 = tpu.memref_slice %arg7[%arg1, %run_scoped3A_49, %dma_start3A_101] : memref<16x112x96xi32, #tpu.memory_space<hbm>> -> memref<1x1x96xi32, #tpu.memory_space<hbm>>
      %dma_start3A_103 = tpu.memref_squeeze %dma_start3A_102 : memref<1x1x96xi32, #tpu.memory_space<hbm>> -> memref<96xi32, #tpu.memory_space<hbm>>
      tpu.enqueue_dma source(%dma_start3A_103 : memref<96xi32, #tpu.memory_space<hbm>>) target(%arg15 : memref<96xi32, #tpu.memory_space<vmem>>) target_semaphore(%run_scoped3A_97 : memref<!tpu.dma_semaphore, #tpu.memory_space<semaphore_mem>>)
      %dma_wait3A_104 = arith.constant 0 : i32
      %dma_wait3A_105 = tpu.memref_slice %arg7[%arg1, %run_scoped3A_49, %dma_wait3A_104] : memref<16x112x96xi32, #tpu.memory_space<hbm>> -> memref<1x1x96xi32, #tpu.memory_space<hbm>>
      %dma_wait3A_106 = tpu.memref_squeeze %dma_wait3A_105 : memref<1x1x96xi32, #tpu.memory_space<hbm>> -> memref<96xi32, #tpu.memory_space<hbm>>
      %dma_wait3A_107 = arith.constant 0 : i32
      %dma_wait3A_108 = tpu.memref_slice %arg7[%arg1, %run_scoped3A_49, %dma_wait3A_107] : memref<16x112x96xi32, #tpu.memory_space<hbm>> -> memref<1x1x96xi32, #tpu.memory_space<hbm>>
      %dma_wait3A_109 = tpu.memref_squeeze %dma_wait3A_108 : memref<1x1x96xi32, #tpu.memory_space<hbm>> -> memref<96xi32, #tpu.memory_space<hbm>>
      tpu.wait_dma2 semaphore(%run_scoped3A_97 : memref<!tpu.dma_semaphore, #tpu.memory_space<semaphore_mem>>) src(%dma_wait3A_109 : memref<96xi32, #tpu.memory_space<hbm>>) dst(%arg15 : memref<96xi32, #tpu.memory_space<vmem>>)
      tpu.yield
    }) : () -> ()
    %run_scoped3A_50 = arith.constant 1 : i32
    "tpu.region"() ({
      %run_scoped3A_97 = tpu.sem_alloc : memref<!tpu.dma_semaphore, #tpu.memory_space<semaphore_mem>>
      %dma_start3A_98 = arith.constant 0 : i32
      %dma_start3A_99 = tpu.memref_slice %arg6[%arg0, %arg1, %run_scoped3A_50, %dma_start3A_98] : memref<2x16x112x96xi32, #tpu.memory_space<hbm>> -> memref<1x1x1x96xi32, #tpu.memory_space<hbm>>
      %dma_start3A_100 = tpu.memref_squeeze %dma_start3A_99 : memref<1x1x1x96xi32, #tpu.memory_space<hbm>> -> memref<96xi32, #tpu.memory_space<hbm>>
      %dma_start3A_101 = arith.constant 0 : i32
      %dma_start3A_102 = tpu.memref_slice %arg6[%arg0, %arg1, %run_scoped3A_50, %dma_start3A_101] : memref<2x16x112x96xi32, #tpu.memory_space<hbm>> -> memref<1x1x1x96xi32, #tpu.memory_space<hbm>>
      %dma_start3A_103 = tpu.memref_squeeze %dma_start3A_102 : memref<1x1x1x96xi32, #tpu.memory_space<hbm>> -> memref<96xi32, #tpu.memory_space<hbm>>
      tpu.enqueue_dma source(%dma_start3A_103 : memref<96xi32, #tpu.memory_space<hbm>>) target(%arg19 : memref<96xi32, #tpu.memory_space<vmem>>) target_semaphore(%run_scoped3A_97 : memref<!tpu.dma_semaphore, #tpu.memory_space<semaphore_mem>>)
      %dma_wait3A_104 = arith.constant 0 : i32
      %dma_wait3A_105 = tpu.memref_slice %arg6[%arg0, %arg1, %run_scoped3A_50, %dma_wait3A_104] : memref<2x16x112x96xi32, #tpu.memory_space<hbm>> -> memref<1x1x1x96xi32, #tpu.memory_space<hbm>>
      %dma_wait3A_106 = tpu.memref_squeeze %dma_wait3A_105 : memref<1x1x1x96xi32, #tpu.memory_space<hbm>> -> memref<96xi32, #tpu.memory_space<hbm>>
      %dma_wait3A_107 = arith.constant 0 : i32
      %dma_wait3A_108 = tpu.memref_slice %arg6[%arg0, %arg1, %run_scoped3A_50, %dma_wait3A_107] : memref<2x16x112x96xi32, #tpu.memory_space<hbm>> -> memref<1x1x1x96xi32, #tpu.memory_space<hbm>>
      %dma_wait3A_109 = tpu.memref_squeeze %dma_wait3A_108 : memref<1x1x1x96xi32, #tpu.memory_space<hbm>> -> memref<96xi32, #tpu.memory_space<hbm>>
      tpu.wait_dma2 semaphore(%run_scoped3A_97 : memref<!tpu.dma_semaphore, #tpu.memory_space<semaphore_mem>>) src(%dma_wait3A_109 : memref<96xi32, #tpu.memory_space<hbm>>) dst(%arg19 : memref<96xi32, #tpu.memory_space<vmem>>)
      tpu.yield
    }) : () -> ()
    %run_scoped3A_51 = arith.constant 1 : i32
    "tpu.region"() ({
      %run_scoped3A_97 = tpu.sem_alloc : memref<!tpu.dma_semaphore, #tpu.memory_space<semaphore_mem>>
      %dma_start3A_98 = arith.constant 0 : i32
      %dma_start3A_99 = tpu.memref_slice %arg7[%arg1, %run_scoped3A_51, %dma_start3A_98] : memref<16x112x96xi32, #tpu.memory_space<hbm>> -> memref<1x1x96xi32, #tpu.memory_space<hbm>>
      %dma_start3A_100 = tpu.memref_squeeze %dma_start3A_99 : memref<1x1x96xi32, #tpu.memory_space<hbm>> -> memref<96xi32, #tpu.memory_space<hbm>>
      %dma_start3A_101 = arith.constant 0 : i32
      %dma_start3A_102 = tpu.memref_slice %arg7[%arg1, %run_scoped3A_51, %dma_start3A_101] : memref<16x112x96xi32, #tpu.memory_space<hbm>> -> memref<1x1x96xi32, #tpu.memory_space<hbm>>
      %dma_start3A_103 = tpu.memref_squeeze %dma_start3A_102 : memref<1x1x96xi32, #tpu.memory_space<hbm>> -> memref<96xi32, #tpu.memory_space<hbm>>
      tpu.enqueue_dma source(%dma_start3A_103 : memref<96xi32, #tpu.memory_space<hbm>>) target(%arg20 : memref<96xi32, #tpu.memory_space<vmem>>) target_semaphore(%run_scoped3A_97 : memref<!tpu.dma_semaphore, #tpu.memory_space<semaphore_mem>>)
      %dma_wait3A_104 = arith.constant 0 : i32
      %dma_wait3A_105 = tpu.memref_slice %arg7[%arg1, %run_scoped3A_51, %dma_wait3A_104] : memref<16x112x96xi32, #tpu.memory_space<hbm>> -> memref<1x1x96xi32, #tpu.memory_space<hbm>>
      %dma_wait3A_106 = tpu.memref_squeeze %dma_wait3A_105 : memref<1x1x96xi32, #tpu.memory_space<hbm>> -> memref<96xi32, #tpu.memory_space<hbm>>
      %dma_wait3A_107 = arith.constant 0 : i32
      %dma_wait3A_108 = tpu.memref_slice %arg7[%arg1, %run_scoped3A_51, %dma_wait3A_107] : memref<16x112x96xi32, #tpu.memory_space<hbm>> -> memref<1x1x96xi32, #tpu.memory_space<hbm>>
      %dma_wait3A_109 = tpu.memref_squeeze %dma_wait3A_108 : memref<1x1x96xi32, #tpu.memory_space<hbm>> -> memref<96xi32, #tpu.memory_space<hbm>>
      tpu.wait_dma2 semaphore(%run_scoped3A_97 : memref<!tpu.dma_semaphore, #tpu.memory_space<semaphore_mem>>) src(%dma_wait3A_109 : memref<96xi32, #tpu.memory_space<hbm>>) dst(%arg20 : memref<96xi32, #tpu.memory_space<vmem>>)
      tpu.yield
    }) : () -> ()
    %dma_start3A = arith.constant 0 : i32
    %dma_start3A_52 = arith.constant 0 : i32
    %dma_start3A_53 = tpu.memref_slice %arg2[%dma_start3A, %dma_start3A_52] : memref<20000x128xf32, #tpu.memory_space<hbm>> -> memref<20000x128xf32, #tpu.memory_space<hbm>>
    tpu.enqueue_indirect_dma source(%dma_start3A_53 : memref<20000x128xf32, #tpu.memory_space<hbm>>) target(%arg18 : memref<96x128xf32, #tpu.memory_space<vmem>>) offsets(%arg14 : memref<96xi32, #tpu.memory_space<vmem>>) semaphore(%arg25 : memref<!tpu.dma_semaphore, #tpu.memory_space<semaphore_mem>>)
    %scan3A = arith.constant 0 : i32
    %scan3A_54 = arith.constant 0 : i32
    %scan3A_55 = arith.constant 56 : i32
    %scan3A_56 = arith.addi %scan3A_54, %scan3A_55 : i32
    %scan3A_57 = arith.constant 1 : i32
    scf.for %scan3A_97 = %scan3A_54 to %scan3A_56 step %scan3A_57  : i32 {
      %mul3A_98 = arith.constant 2 : i32
      %mul3A_99 = arith.muli %mul3A_98, %scan3A_97 : i32
      %mul3A_100 = arith.constant 112 : i32
      %mul3A_101 = arith.muli %arg1, %mul3A_100 : i32
      %add3A_102 = arith.addi %mul3A_101, %mul3A_99 : i32
      %mul3A_103 = arith.constant 96 : i32
      %mul3A_104 = arith.muli %add3A_102, %mul3A_103 : i32
      %get3A_105 = arith.constant 0 : index
      %get3A_106 = tpu.vector_load %arg14[%get3A_105] {strides = array<i32>} : memref<96xi32, #tpu.memory_space<vmem>>, vector<16xi32>,
      %sub3A_107 = vector.broadcast %mul3A_48 : i32 to vector<16xi32>
      %sub3A_108 = arith.subi %get3A_106, %sub3A_107 : vector<16xi32>
      %get3A_109 = arith.constant 0 : index
      %get3A_110 = tpu.vector_load %arg15[%get3A_109] {strides = array<i32>} : memref<96xi32, #tpu.memory_space<vmem>>, vector<16xi32>,
      %gather3A = tpu.vector_load_idx %arg12[%sub3A_108] : memref<10000xf32, #tpu.memory_space<vmem>>[vector<16xi32>], vector<16xf32>,
      %gather3A_111 = tpu.vector_load_idx %arg13[%get3A_110] : memref<10000xf32, #tpu.memory_space<vmem>>[vector<16xi32>], vector<16xf32>,
      %add3A_112 = arith.addf %gather3A, %gather3A_111 : vector<16xf32>
      %mul3A_113 = arith.constant 2.000000e-01 : f32
      %mul3A_114 = vector.broadcast %mul3A_113 : f32 to vector<16xf32>
      %mul3A_115 = arith.mulf %mul3A_114, %add3A_112 : vector<16xf32>
      %max3A = arith.maximumf %add3A_112, %mul3A_115 : vector<16xf32>
      %add3A_116 = arith.addf %get3A_46, %gather3A_111 : vector<16xf32>
      %mul3A_117 = arith.constant 2.000000e-01 : f32
      %mul3A_118 = vector.broadcast %mul3A_117 : f32 to vector<16xf32>
      %mul3A_119 = arith.mulf %mul3A_118, %add3A_116 : vector<16xf32>
      %max3A_120 = arith.maximumf %add3A_116, %mul3A_119 : vector<16xf32>
      %add3A_121 = arith.constant 0 : i32
      %add3A_122 = arith.addi %mul3A_104, %add3A_121 : i32
      %add3A_123 = vector.broadcast %add3A_122 : i32 to vector<16xi32>
      %add3A_124 = arith.addi %add3A_123, %iota3A : vector<16xi32>
      %lt3A = arith.constant 170000 : i32
      %lt3A_125 = vector.broadcast %lt3A : i32 to vector<16xi32>
      %lt3A_126 = arith.cmpi slt, %add3A_124, %lt3A_125 : vector<16xi32>
      %sub3A_127 = arith.subf %max3A, %max3A_120 : vector<16xf32>
      %exp3A = math.exp %sub3A_127 : vector<16xf32>
      %jit3A = arith.constant 0.000000e+00 : f32
      %broadcast_in_dim3A_128 = vector.broadcast %jit3A : f32 to vector<16xf32>
      %select_n3A = arith.select %lt3A_126, %exp3A, %broadcast_in_dim3A_128 : vector<16xi1>, vector<16xf32>
      %swap3A_129 = arith.constant 0 : index
      %swap3A_130 = tpu.vector_load %arg17[%swap3A_129] {strides = array<i32>} : memref<96xf32, #tpu.memory_space<vmem>>, vector<16xf32>,
      tpu.vector_store %arg17[%swap3A_129], %select_n3A {strides = array<i32>} : memref<96xf32, #tpu.memory_space<vmem>>, vector<16xf32>,
      %swap3A_131 = arith.constant 0 : index
      %swap3A_132 = tpu.vector_load %arg16[%swap3A_131] {strides = array<i32>} : memref<96xi32, #tpu.memory_space<vmem>>, vector<16xi32>,
      tpu.vector_store %arg16[%swap3A_131], %get3A_110 {strides = array<i32>} : memref<96xi32, #tpu.memory_space<vmem>>, vector<16xi32>,
      %get3A_133 = arith.constant 16 : index
      %get3A_134 = tpu.vector_load %arg14[%get3A_133] {strides = array<i32>} : memref<96xi32, #tpu.memory_space<vmem>>, vector<16xi32>,
      %sub3A_135 = vector.broadcast %mul3A_48 : i32 to vector<16xi32>
      %sub3A_136 = arith.subi %get3A_134, %sub3A_135 : vector<16xi32>
      %get3A_137 = arith.constant 16 : index
      %get3A_138 = tpu.vector_load %arg15[%get3A_137] {strides = array<i32>} : memref<96xi32, #tpu.memory_space<vmem>>, vector<16xi32>,
      %gather3A_139 = tpu.vector_load_idx %arg12[%sub3A_136] : memref<10000xf32, #tpu.memory_space<vmem>>[vector<16xi32>], vector<16xf32>,
      %gather3A_140 = tpu.vector_load_idx %arg13[%get3A_138] : memref<10000xf32, #tpu.memory_space<vmem>>[vector<16xi32>], vector<16xf32>,
      %add3A_141 = arith.addf %gather3A_139, %gather3A_140 : vector<16xf32>
      %mul3A_142 = arith.constant 2.000000e-01 : f32
      %mul3A_143 = vector.broadcast %mul3A_142 : f32 to vector<16xf32>
      %mul3A_144 = arith.mulf %mul3A_143, %add3A_141 : vector<16xf32>
      %max3A_145 = arith.maximumf %add3A_141, %mul3A_144 : vector<16xf32>
      %add3A_146 = arith.addf %get3A_46, %gather3A_140 : vector<16xf32>
      %mul3A_147 = arith.constant 2.000000e-01 : f32
      %mul3A_148 = vector.broadcast %mul3A_147 : f32 to vector<16xf32>
      %mul3A_149 = arith.mulf %mul3A_148, %add3A_146 : vector<16xf32>
      %max3A_150 = arith.maximumf %add3A_146, %mul3A_149 : vector<16xf32>
      %add3A_151 = arith.constant 16 : i32
      %add3A_152 = arith.addi %mul3A_104, %add3A_151 : i32
      %add3A_153 = vector.broadcast %add3A_152 : i32 to vector<16xi32>
      %add3A_154 = arith.addi %add3A_153, %iota3A : vector<16xi32>
      %lt3A_155 = arith.constant 170000 : i32
      %lt3A_156 = vector.broadcast %lt3A_155 : i32 to vector<16xi32>
      %lt3A_157 = arith.cmpi slt, %add3A_154, %lt3A_156 : vector<16xi32>
      %sub3A_158 = arith.subf %max3A_145, %max3A_150 : vector<16xf32>
      %exp3A_159 = math.exp %sub3A_158 : vector<16xf32>
      %jit3A_160 = arith.constant 0.000000e+00 : f32
      %broadcast_in_dim3A_161 = vector.broadcast %jit3A_160 : f32 to vector<16xf32>
      %select_n3A_162 = arith.select %lt3A_157, %exp3A_159, %broadcast_in_dim3A_161 : vector<16xi1>, vector<16xf32>
      %swap3A_163 = arith.constant 16 : index
      %swap3A_164 = tpu.vector_load %arg17[%swap3A_163] {strides = array<i32>} : memref<96xf32, #tpu.memory_space<vmem>>, vector<16xf32>,
      tpu.vector_store %arg17[%swap3A_163], %select_n3A_162 {strides = array<i32>} : memref<96xf32, #tpu.memory_space<vmem>>, vector<16xf32>,
      %swap3A_165 = arith.constant 16 : index
      %swap3A_166 = tpu.vector_load %arg16[%swap3A_165] {strides = array<i32>} : memref<96xi32, #tpu.memory_space<vmem>>, vector<16xi32>,
      tpu.vector_store %arg16[%swap3A_165], %get3A_138 {strides = array<i32>} : memref<96xi32, #tpu.memory_space<vmem>>, vector<16xi32>,
      %get3A_167 = arith.constant 32 : index
      %get3A_168 = tpu.vector_load %arg14[%get3A_167] {strides = array<i32>} : memref<96xi32, #tpu.memory_space<vmem>>, vector<16xi32>,
      %sub3A_169 = vector.broadcast %mul3A_48 : i32 to vector<16xi32>
      %sub3A_170 = arith.subi %get3A_168, %sub3A_169 : vector<16xi32>
      %get3A_171 = arith.constant 32 : index
      %get3A_172 = tpu.vector_load %arg15[%get3A_171] {strides = array<i32>} : memref<96xi32, #tpu.memory_space<vmem>>, vector<16xi32>,
      %gather3A_173 = tpu.vector_load_idx %arg12[%sub3A_170] : memref<10000xf32, #tpu.memory_space<vmem>>[vector<16xi32>], vector<16xf32>,
      %gather3A_174 = tpu.vector_load_idx %arg13[%get3A_172] : memref<10000xf32, #tpu.memory_space<vmem>>[vector<16xi32>], vector<16xf32>,
      %add3A_175 = arith.addf %gather3A_173, %gather3A_174 : vector<16xf32>
      %mul3A_176 = arith.constant 2.000000e-01 : f32
      %mul3A_177 = vector.broadcast %mul3A_176 : f32 to vector<16xf32>
      %mul3A_178 = arith.mulf %mul3A_177, %add3A_175 : vector<16xf32>
      %max3A_179 = arith.maximumf %add3A_175, %mul3A_178 : vector<16xf32>
      %add3A_180 = arith.addf %get3A_46, %gather3A_174 : vector<16xf32>
      %mul3A_181 = arith.constant 2.000000e-01 : f32
      %mul3A_182 = vector.broadcast %mul3A_181 : f32 to vector<16xf32>
      %mul3A_183 = arith.mulf %mul3A_182, %add3A_180 : vector<16xf32>
      %max3A_184 = arith.maximumf %add3A_180, %mul3A_183 : vector<16xf32>
      %add3A_185 = arith.constant 32 : i32
      %add3A_186 = arith.addi %mul3A_104, %add3A_185 : i32
      %add3A_187 = vector.broadcast %add3A_186 : i32 to vector<16xi32>
      %add3A_188 = arith.addi %add3A_187, %iota3A : vector<16xi32>
      %lt3A_189 = arith.constant 170000 : i32
      %lt3A_190 = vector.broadcast %lt3A_189 : i32 to vector<16xi32>
      %lt3A_191 = arith.cmpi slt, %add3A_188, %lt3A_190 : vector<16xi32>
      %sub3A_192 = arith.subf %max3A_179, %max3A_184 : vector<16xf32>
      %exp3A_193 = math.exp %sub3A_192 : vector<16xf32>
      %jit3A_194 = arith.constant 0.000000e+00 : f32
      %broadcast_in_dim3A_195 = vector.broadcast %jit3A_194 : f32 to vector<16xf32>
      %select_n3A_196 = arith.select %lt3A_191, %exp3A_193, %broadcast_in_dim3A_195 : vector<16xi1>, vector<16xf32>
      %swap3A_197 = arith.constant 32 : index
      %swap3A_198 = tpu.vector_load %arg17[%swap3A_197] {strides = array<i32>} : memref<96xf32, #tpu.memory_space<vmem>>, vector<16xf32>,
      tpu.vector_store %arg17[%swap3A_197], %select_n3A_196 {strides = array<i32>} : memref<96xf32, #tpu.memory_space<vmem>>, vector<16xf32>,
      %swap3A_199 = arith.constant 32 : index
      %swap3A_200 = tpu.vector_load %arg16[%swap3A_199] {strides = array<i32>} : memref<96xi32, #tpu.memory_space<vmem>>, vector<16xi32>,
      tpu.vector_store %arg16[%swap3A_199], %get3A_172 {strides = array<i32>} : memref<96xi32, #tpu.memory_space<vmem>>, vector<16xi32>,
      %get3A_201 = arith.constant 48 : index
      %get3A_202 = tpu.vector_load %arg14[%get3A_201] {strides = array<i32>} : memref<96xi32, #tpu.memory_space<vmem>>, vector<16xi32>,
      %sub3A_203 = vector.broadcast %mul3A_48 : i32 to vector<16xi32>
      %sub3A_204 = arith.subi %get3A_202, %sub3A_203 : vector<16xi32>
      %get3A_205 = arith.constant 48 : index
      %get3A_206 = tpu.vector_load %arg15[%get3A_205] {strides = array<i32>} : memref<96xi32, #tpu.memory_space<vmem>>, vector<16xi32>,
      %gather3A_207 = tpu.vector_load_idx %arg12[%sub3A_204] : memref<10000xf32, #tpu.memory_space<vmem>>[vector<16xi32>], vector<16xf32>,
      %gather3A_208 = tpu.vector_load_idx %arg13[%get3A_206] : memref<10000xf32, #tpu.memory_space<vmem>>[vector<16xi32>], vector<16xf32>,
      %add3A_209 = arith.addf %gather3A_207, %gather3A_208 : vector<16xf32>
      %mul3A_210 = arith.constant 2.000000e-01 : f32
      %mul3A_211 = vector.broadcast %mul3A_210 : f32 to vector<16xf32>
      %mul3A_212 = arith.mulf %mul3A_211, %add3A_209 : vector<16xf32>
      %max3A_213 = arith.maximumf %add3A_209, %mul3A_212 : vector<16xf32>
      %add3A_214 = arith.addf %get3A_46, %gather3A_208 : vector<16xf32>
      %mul3A_215 = arith.constant 2.000000e-01 : f32
      %mul3A_216 = vector.broadcast %mul3A_215 : f32 to vector<16xf32>
      %mul3A_217 = arith.mulf %mul3A_216, %add3A_214 : vector<16xf32>
      %max3A_218 = arith.maximumf %add3A_214, %mul3A_217 : vector<16xf32>
      %add3A_219 = arith.constant 48 : i32
      %add3A_220 = arith.addi %mul3A_104, %add3A_219 : i32
      %add3A_221 = vector.broadcast %add3A_220 : i32 to vector<16xi32>
      %add3A_222 = arith.addi %add3A_221, %iota3A : vector<16xi32>
      %lt3A_223 = arith.constant 170000 : i32
      %lt3A_224 = vector.broadcast %lt3A_223 : i32 to vector<16xi32>
      %lt3A_225 = arith.cmpi slt, %add3A_222, %lt3A_224 : vector<16xi32>
      %sub3A_226 = arith.subf %max3A_213, %max3A_218 : vector<16xf32>
      %exp3A_227 = math.exp %sub3A_226 : vector<16xf32>
      %jit3A_228 = arith.constant 0.000000e+00 : f32
      %broadcast_in_dim3A_229 = vector.broadcast %jit3A_228 : f32 to vector<16xf32>
      %select_n3A_230 = arith.select %lt3A_225, %exp3A_227, %broadcast_in_dim3A_229 : vector<16xi1>, vector<16xf32>
      %swap3A_231 = arith.constant 48 : index
      %swap3A_232 = tpu.vector_load %arg17[%swap3A_231] {strides = array<i32>} : memref<96xf32, #tpu.memory_space<vmem>>, vector<16xf32>,
      tpu.vector_store %arg17[%swap3A_231], %select_n3A_230 {strides = array<i32>} : memref<96xf32, #tpu.memory_space<vmem>>, vector<16xf32>,
      %swap3A_233 = arith.constant 48 : index
      %swap3A_234 = tpu.vector_load %arg16[%swap3A_233] {strides = array<i32>} : memref<96xi32, #tpu.memory_space<vmem>>, vector<16xi32>,
      tpu.vector_store %arg16[%swap3A_233], %get3A_206 {strides = array<i32>} : memref<96xi32, #tpu.memory_space<vmem>>, vector<16xi32>,
      %get3A_235 = arith.constant 64 : index
      %get3A_236 = tpu.vector_load %arg14[%get3A_235] {strides = array<i32>} : memref<96xi32, #tpu.memory_space<vmem>>, vector<16xi32>,
      %sub3A_237 = vector.broadcast %mul3A_48 : i32 to vector<16xi32>
      %sub3A_238 = arith.subi %get3A_236, %sub3A_237 : vector<16xi32>
      %get3A_239 = arith.constant 64 : index
      %get3A_240 = tpu.vector_load %arg15[%get3A_239] {strides = array<i32>} : memref<96xi32, #tpu.memory_space<vmem>>, vector<16xi32>,
      %gather3A_241 = tpu.vector_load_idx %arg12[%sub3A_238] : memref<10000xf32, #tpu.memory_space<vmem>>[vector<16xi32>], vector<16xf32>,
      %gather3A_242 = tpu.vector_load_idx %arg13[%get3A_240] : memref<10000xf32, #tpu.memory_space<vmem>>[vector<16xi32>], vector<16xf32>,
      %add3A_243 = arith.addf %gather3A_241, %gather3A_242 : vector<16xf32>
      %mul3A_244 = arith.constant 2.000000e-01 : f32
      %mul3A_245 = vector.broadcast %mul3A_244 : f32 to vector<16xf32>
      %mul3A_246 = arith.mulf %mul3A_245, %add3A_243 : vector<16xf32>
      %max3A_247 = arith.maximumf %add3A_243, %mul3A_246 : vector<16xf32>
      %add3A_248 = arith.addf %get3A_46, %gather3A_242 : vector<16xf32>
      %mul3A_249 = arith.constant 2.000000e-01 : f32
      %mul3A_250 = vector.broadcast %mul3A_249 : f32 to vector<16xf32>
      %mul3A_251 = arith.mulf %mul3A_250, %add3A_248 : vector<16xf32>
      %max3A_252 = arith.maximumf %add3A_248, %mul3A_251 : vector<16xf32>
      %add3A_253 = arith.constant 64 : i32
      %add3A_254 = arith.addi %mul3A_104, %add3A_253 : i32
      %add3A_255 = vector.broadcast %add3A_254 : i32 to vector<16xi32>
      %add3A_256 = arith.addi %add3A_255, %iota3A : vector<16xi32>
      %lt3A_257 = arith.constant 170000 : i32
      %lt3A_258 = vector.broadcast %lt3A_257 : i32 to vector<16xi32>
      %lt3A_259 = arith.cmpi slt, %add3A_256, %lt3A_258 : vector<16xi32>
      %sub3A_260 = arith.subf %max3A_247, %max3A_252 : vector<16xf32>
      %exp3A_261 = math.exp %sub3A_260 : vector<16xf32>
      %jit3A_262 = arith.constant 0.000000e+00 : f32
      %broadcast_in_dim3A_263 = vector.broadcast %jit3A_262 : f32 to vector<16xf32>
      %select_n3A_264 = arith.select %lt3A_259, %exp3A_261, %broadcast_in_dim3A_263 : vector<16xi1>, vector<16xf32>
      %swap3A_265 = arith.constant 64 : index
      %swap3A_266 = tpu.vector_load %arg17[%swap3A_265] {strides = array<i32>} : memref<96xf32, #tpu.memory_space<vmem>>, vector<16xf32>,
      tpu.vector_store %arg17[%swap3A_265], %select_n3A_264 {strides = array<i32>} : memref<96xf32, #tpu.memory_space<vmem>>, vector<16xf32>,
      %swap3A_267 = arith.constant 64 : index
      %swap3A_268 = tpu.vector_load %arg16[%swap3A_267] {strides = array<i32>} : memref<96xi32, #tpu.memory_space<vmem>>, vector<16xi32>,
      tpu.vector_store %arg16[%swap3A_267], %get3A_240 {strides = array<i32>} : memref<96xi32, #tpu.memory_space<vmem>>, vector<16xi32>,
      %get3A_269 = arith.constant 80 : index
      %get3A_270 = tpu.vector_load %arg14[%get3A_269] {strides = array<i32>} : memref<96xi32, #tpu.memory_space<vmem>>, vector<16xi32>,
      %sub3A_271 = vector.broadcast %mul3A_48 : i32 to vector<16xi32>
      %sub3A_272 = arith.subi %get3A_270, %sub3A_271 : vector<16xi32>
      %get3A_273 = arith.constant 80 : index
      %get3A_274 = tpu.vector_load %arg15[%get3A_273] {strides = array<i32>} : memref<96xi32, #tpu.memory_space<vmem>>, vector<16xi32>,
      %gather3A_275 = tpu.vector_load_idx %arg12[%sub3A_272] : memref<10000xf32, #tpu.memory_space<vmem>>[vector<16xi32>], vector<16xf32>,
      %gather3A_276 = tpu.vector_load_idx %arg13[%get3A_274] : memref<10000xf32, #tpu.memory_space<vmem>>[vector<16xi32>], vector<16xf32>,
      %add3A_277 = arith.addf %gather3A_275, %gather3A_276 : vector<16xf32>
      %mul3A_278 = arith.constant 2.000000e-01 : f32
      %mul3A_279 = vector.broadcast %mul3A_278 : f32 to vector<16xf32>
      %mul3A_280 = arith.mulf %mul3A_279, %add3A_277 : vector<16xf32>
      %max3A_281 = arith.maximumf %add3A_277, %mul3A_280 : vector<16xf32>
      %add3A_282 = arith.addf %get3A_46, %gather3A_276 : vector<16xf32>
      %mul3A_283 = arith.constant 2.000000e-01 : f32
      %mul3A_284 = vector.broadcast %mul3A_283 : f32 to vector<16xf32>
      %mul3A_285 = arith.mulf %mul3A_284, %add3A_282 : vector<16xf32>
      %max3A_286 = arith.maximumf %add3A_282, %mul3A_285 : vector<16xf32>
      %add3A_287 = arith.constant 80 : i32
      %add3A_288 = arith.addi %mul3A_104, %add3A_287 : i32
      %add3A_289 = vector.broadcast %add3A_288 : i32 to vector<16xi32>
      %add3A_290 = arith.addi %add3A_289, %iota3A : vector<16xi32>
      %lt3A_291 = arith.constant 170000 : i32
      %lt3A_292 = vector.broadcast %lt3A_291 : i32 to vector<16xi32>
      %lt3A_293 = arith.cmpi slt, %add3A_290, %lt3A_292 : vector<16xi32>
      %sub3A_294 = arith.subf %max3A_281, %max3A_286 : vector<16xf32>
      %exp3A_295 = math.exp %sub3A_294 : vector<16xf32>
      %jit3A_296 = arith.constant 0.000000e+00 : f32
      %broadcast_in_dim3A_297 = vector.broadcast %jit3A_296 : f32 to vector<16xf32>
      %select_n3A_298 = arith.select %lt3A_293, %exp3A_295, %broadcast_in_dim3A_297 : vector<16xi1>, vector<16xf32>
      %swap3A_299 = arith.constant 80 : index
      %swap3A_300 = tpu.vector_load %arg17[%swap3A_299] {strides = array<i32>} : memref<96xf32, #tpu.memory_space<vmem>>, vector<16xf32>,
      tpu.vector_store %arg17[%swap3A_299], %select_n3A_298 {strides = array<i32>} : memref<96xf32, #tpu.memory_space<vmem>>, vector<16xf32>,
      %swap3A_301 = arith.constant 80 : index
      %swap3A_302 = tpu.vector_load %arg16[%swap3A_301] {strides = array<i32>} : memref<96xi32, #tpu.memory_space<vmem>>, vector<16xi32>,
      tpu.vector_store %arg16[%swap3A_301], %get3A_274 {strides = array<i32>} : memref<96xi32, #tpu.memory_space<vmem>>, vector<16xi32>,
      %dma_wait3A_303 = arith.constant 0 : i32
      %dma_wait3A_304 = arith.constant 0 : i32
      %dma_wait3A_305 = tpu.memref_slice %arg2[%dma_wait3A_303, %dma_wait3A_304] : memref<20000x128xf32, #tpu.memory_space<hbm>> -> memref<20000x128xf32, #tpu.memory_space<hbm>>
      tpu.wait_indirect_dma semaphore(%arg25 : memref<!tpu.dma_semaphore, #tpu.memory_space<semaphore_mem>>) src(%dma_wait3A_305 : memref<20000x128xf32, #tpu.memory_space<hbm>>) dst(%arg18 : memref<96x128xf32, #tpu.memory_space<vmem>>)
      %add3A_306 = arith.constant 2 : i32
      %add3A_307 = arith.addi %mul3A_99, %add3A_306 : i32
      %min3A_308 = arith.constant 111 : i32
      %min3A_309 = arith.minsi %add3A_307, %min3A_308 : i32
      %dma_start3A_310 = arith.constant 0 : i32
      %dma_start3A_311 = tpu.memref_slice %arg6[%arg0, %arg1, %min3A_309, %dma_start3A_310] : memref<2x16x112x96xi32, #tpu.memory_space<hbm>> -> memref<1x1x1x96xi32, #tpu.memory_space<hbm>>
      %dma_start3A_312 = tpu.memref_squeeze %dma_start3A_311 : memref<1x1x1x96xi32, #tpu.memory_space<hbm>> -> memref<96xi32, #tpu.memory_space<hbm>>
      %dma_start3A_313 = arith.constant 0 : i32
      %dma_start3A_314 = tpu.memref_slice %arg6[%arg0, %arg1, %min3A_309, %dma_start3A_313] : memref<2x16x112x96xi32, #tpu.memory_space<hbm>> -> memref<1x1x1x96xi32, #tpu.memory_space<hbm>>
      %dma_start3A_315 = tpu.memref_squeeze %dma_start3A_314 : memref<1x1x1x96xi32, #tpu.memory_space<hbm>> -> memref<96xi32, #tpu.memory_space<hbm>>
      tpu.enqueue_dma source(%dma_start3A_315 : memref<96xi32, #tpu.memory_space<hbm>>) target(%arg14 : memref<96xi32, #tpu.memory_space<vmem>>) target_semaphore(%arg27 : memref<!tpu.dma_semaphore, #tpu.memory_space<semaphore_mem>>)
      %dma_start3A_316 = arith.constant 0 : i32
      %dma_start3A_317 = tpu.memref_slice %arg7[%arg1, %min3A_309, %dma_start3A_316] : memref<16x112x96xi32, #tpu.memory_space<hbm>> -> memref<1x1x96xi32, #tpu.memory_space<hbm>>
      %dma_start3A_318 = tpu.memref_squeeze %dma_start3A_317 : memref<1x1x96xi32, #tpu.memory_space<hbm>> -> memref<96xi32, #tpu.memory_space<hbm>>
      %dma_start3A_319 = arith.constant 0 : i32
      %dma_start3A_320 = tpu.memref_slice %arg7[%arg1, %min3A_309, %dma_start3A_319] : memref<16x112x96xi32, #tpu.memory_space<hbm>> -> memref<1x1x96xi32, #tpu.memory_space<hbm>>
      %dma_start3A_321 = tpu.memref_squeeze %dma_start3A_320 : memref<1x1x96xi32, #tpu.memory_space<hbm>> -> memref<96xi32, #tpu.memory_space<hbm>>
      tpu.enqueue_dma source(%dma_start3A_321 : memref<96xi32, #tpu.memory_space<hbm>>) target(%arg15 : memref<96xi32, #tpu.memory_space<vmem>>) target_semaphore(%arg27 : memref<!tpu.dma_semaphore, #tpu.memory_space<semaphore_mem>>)
      %gt3A = arith.constant 0 : i32
      %gt3A_322 = arith.cmpi sgt, %scan3A_97, %gt3A : i32
      %convert_element_type3A = arith.extui %gt3A_322 : i1 to i32
      %cond3A = arith.constant 0 : i32
      %cond3A_323 = arith.cmpi ne, %convert_element_type3A, %cond3A : i32
      scf.if %cond3A_323 {
        %dma_wait3A_583 = arith.constant 0 : i32
        %dma_wait3A_584 = arith.constant 0 : i32
        %dma_wait3A_585 = tpu.memref_slice %arg10[%dma_wait3A_583, %dma_wait3A_584] : memref<10000x128xf32, #tpu.memory_space<vmem_shared>> -> memref<10000x128xf32, #tpu.memory_space<vmem_shared>>
        tpu.wait_indirect_dma semaphore(%arg30 : memref<!tpu.dma_semaphore, #tpu.memory_space<semaphore_mem>>) src(%arg23 : memref<96x128xf32, #tpu.memory_space<vmem>>) dst(%dma_wait3A_585 : memref<10000x128xf32, #tpu.memory_space<vmem_shared>>)
        %dma_wait3A_586 = arith.constant 0 : i32
        %dma_wait3A_587 = tpu.memref_slice %arg11[%dma_wait3A_586] : memref<10000xf32, #tpu.memory_space<vmem_shared>> -> memref<10000xf32, #tpu.memory_space<vmem_shared>>
        tpu.wait_indirect_dma semaphore(%arg30 : memref<!tpu.dma_semaphore, #tpu.memory_space<semaphore_mem>>) src(%arg22 : memref<96xf32, #tpu.memory_space<vmem>>) dst(%dma_wait3A_587 : memref<10000xf32, #tpu.memory_space<vmem_shared>>)
        %dma_wait3A_588 = arith.constant 0 : i32
        %dma_wait3A_589 = arith.constant 0 : i32
        %dma_wait3A_590 = tpu.memref_slice %arg6[%arg0, %arg1, %dma_wait3A_588, %dma_wait3A_589] : memref<2x16x112x96xi32, #tpu.memory_space<hbm>> -> memref<1x1x1x96xi32, #tpu.memory_space<hbm>>
        %dma_wait3A_591 = tpu.memref_squeeze %dma_wait3A_590 : memref<1x1x1x96xi32, #tpu.memory_space<hbm>> -> memref<96xi32, #tpu.memory_space<hbm>>
        %dma_wait3A_592 = arith.constant 0 : i32
        %dma_wait3A_593 = tpu.memref_slice %arg6[%arg0, %arg1, %dma_wait3A_588, %dma_wait3A_592] : memref<2x16x112x96xi32, #tpu.memory_space<hbm>> -> memref<1x1x1x96xi32, #tpu.memory_space<hbm>>
        %dma_wait3A_594 = tpu.memref_squeeze %dma_wait3A_593 : memref<1x1x1x96xi32, #tpu.memory_space<hbm>> -> memref<96xi32, #tpu.memory_space<hbm>>
        tpu.wait_dma2 semaphore(%arg28 : memref<!tpu.dma_semaphore, #tpu.memory_space<semaphore_mem>>) src(%dma_wait3A_594 : memref<96xi32, #tpu.memory_space<hbm>>) dst(%arg19 : memref<96xi32, #tpu.memory_space<vmem>>)
        %dma_wait3A_595 = arith.constant 0 : i32
        %dma_wait3A_596 = arith.constant 0 : i32
        %dma_wait3A_597 = tpu.memref_slice %arg7[%arg1, %dma_wait3A_595, %dma_wait3A_596] : memref<16x112x96xi32, #tpu.memory_space<hbm>> -> memref<1x1x96xi32, #tpu.memory_space<hbm>>
        %dma_wait3A_598 = tpu.memref_squeeze %dma_wait3A_597 : memref<1x1x96xi32, #tpu.memory_space<hbm>> -> memref<96xi32, #tpu.memory_space<hbm>>
        %dma_wait3A_599 = arith.constant 0 : i32
        %dma_wait3A_600 = tpu.memref_slice %arg7[%arg1, %dma_wait3A_595, %dma_wait3A_599] : memref<16x112x96xi32, #tpu.memory_space<hbm>> -> memref<1x1x96xi32, #tpu.memory_space<hbm>>
        %dma_wait3A_601 = tpu.memref_squeeze %dma_wait3A_600 : memref<1x1x96xi32, #tpu.memory_space<hbm>> -> memref<96xi32, #tpu.memory_space<hbm>>
        tpu.wait_dma2 semaphore(%arg28 : memref<!tpu.dma_semaphore, #tpu.memory_space<semaphore_mem>>) src(%dma_wait3A_601 : memref<96xi32, #tpu.memory_space<hbm>>) dst(%arg20 : memref<96xi32, #tpu.memory_space<vmem>>)
        %dma_start3A_602 = arith.constant 0 : i32
        %dma_start3A_603 = arith.constant 0 : i32
        %dma_start3A_604 = tpu.memref_slice %arg2[%dma_start3A_602, %dma_start3A_603] : memref<20000x128xf32, #tpu.memory_space<hbm>> -> memref<20000x128xf32, #tpu.memory_space<hbm>>
        tpu.enqueue_indirect_dma source(%dma_start3A_604 : memref<20000x128xf32, #tpu.memory_space<hbm>>) target(%arg23 : memref<96x128xf32, #tpu.memory_space<vmem>>) offsets(%arg19 : memref<96xi32, #tpu.memory_space<vmem>>) semaphore(%arg26 : memref<!tpu.dma_semaphore, #tpu.memory_space<semaphore_mem>>)
      } else {
      }
      %eq3A = arith.constant 0 : i32
      %eq3A_324 = arith.cmpi eq, %scan3A_97, %eq3A : i32
      %convert_element_type3A_325 = arith.extui %eq3A_324 : i1 to i32
      %cond3A_326 = arith.constant 0 : i32
      %cond3A_327 = arith.cmpi ne, %convert_element_type3A_325, %cond3A_326 : i32
      scf.if %cond3A_327 {
        %dma_start3A_583 = arith.constant 0 : i32
        %dma_start3A_584 = arith.constant 0 : i32
        %dma_start3A_585 = tpu.memref_slice %arg2[%dma_start3A_583, %dma_start3A_584] : memref<20000x128xf32, #tpu.memory_space<hbm>> -> memref<20000x128xf32, #tpu.memory_space<hbm>>
        tpu.enqueue_indirect_dma source(%dma_start3A_585 : memref<20000x128xf32, #tpu.memory_space<hbm>>) target(%arg23 : memref<96x128xf32, #tpu.memory_space<vmem>>) offsets(%arg19 : memref<96xi32, #tpu.memory_space<vmem>>) semaphore(%arg26 : memref<!tpu.dma_semaphore, #tpu.memory_space<semaphore_mem>>)
      } else {
      }
      %parallel_loop3A_328 = arith.constant 0 : i32
      %parallel_loop3A_329 = arith.constant 96 : i32
      %parallel_loop3A_330 = arith.constant 1 : i32
      scf.for %parallel_loop3A_583 = %parallel_loop3A_328 to %parallel_loop3A_329 step %parallel_loop3A_330  : i32 {
        %parallel_loop3A_584 = vector.broadcast %parallel_loop3A_583 : i32 to vector<16xi32>
        %parallel_loop3A_585 = tpu.vector_load_idx %arg17[%parallel_loop3A_584] : memref<96xf32, #tpu.memory_space<vmem>>[vector<16xi32>], vector<16xf32>,
        %parallel_loop3A_586 = arith.index_cast %parallel_loop3A_583 : i32 to index
        %parallel_loop3A_587 = arith.constant 0 : index
        %parallel_loop3A_588 = tpu.vector_load %arg18[%parallel_loop3A_586, %parallel_loop3A_587] {strides = array<i32>} : memref<96x128xf32, #tpu.memory_space<vmem>>, vector<16xf32>,
        %parallel_loop3A_589 = arith.mulf %parallel_loop3A_588, %parallel_loop3A_585 : vector<16xf32>
        %parallel_loop3A_590 = arith.index_cast %parallel_loop3A_583 : i32 to index
        %parallel_loop3A_591 = arith.constant 0 : index
        %parallel_loop3A_592 = tpu.vector_load %arg18[%parallel_loop3A_590, %parallel_loop3A_591] {strides = array<i32>} : memref<96x128xf32, #tpu.memory_space<vmem>>, vector<16xf32>,
        tpu.vector_store %arg18[%parallel_loop3A_590, %parallel_loop3A_591], %parallel_loop3A_589 {strides = array<i32>} : memref<96x128xf32, #tpu.memory_space<vmem>>, vector<16xf32>,
        %parallel_loop3A_593 = arith.index_cast %parallel_loop3A_583 : i32 to index
        %parallel_loop3A_594 = arith.constant 16 : index
        %parallel_loop3A_595 = tpu.vector_load %arg18[%parallel_loop3A_593, %parallel_loop3A_594] {strides = array<i32>} : memref<96x128xf32, #tpu.memory_space<vmem>>, vector<16xf32>,
        %parallel_loop3A_596 = arith.mulf %parallel_loop3A_595, %parallel_loop3A_585 : vector<16xf32>
        %parallel_loop3A_597 = arith.index_cast %parallel_loop3A_583 : i32 to index
        %parallel_loop3A_598 = arith.constant 16 : index
        %parallel_loop3A_599 = tpu.vector_load %arg18[%parallel_loop3A_597, %parallel_loop3A_598] {strides = array<i32>} : memref<96x128xf32, #tpu.memory_space<vmem>>, vector<16xf32>,
        tpu.vector_store %arg18[%parallel_loop3A_597, %parallel_loop3A_598], %parallel_loop3A_596 {strides = array<i32>} : memref<96x128xf32, #tpu.memory_space<vmem>>, vector<16xf32>,
        %parallel_loop3A_600 = arith.index_cast %parallel_loop3A_583 : i32 to index
        %parallel_loop3A_601 = arith.constant 32 : index
        %parallel_loop3A_602 = tpu.vector_load %arg18[%parallel_loop3A_600, %parallel_loop3A_601] {strides = array<i32>} : memref<96x128xf32, #tpu.memory_space<vmem>>, vector<16xf32>,
        %parallel_loop3A_603 = arith.mulf %parallel_loop3A_602, %parallel_loop3A_585 : vector<16xf32>
        %parallel_loop3A_604 = arith.index_cast %parallel_loop3A_583 : i32 to index
        %parallel_loop3A_605 = arith.constant 32 : index
        %parallel_loop3A_606 = tpu.vector_load %arg18[%parallel_loop3A_604, %parallel_loop3A_605] {strides = array<i32>} : memref<96x128xf32, #tpu.memory_space<vmem>>, vector<16xf32>,
        tpu.vector_store %arg18[%parallel_loop3A_604, %parallel_loop3A_605], %parallel_loop3A_603 {strides = array<i32>} : memref<96x128xf32, #tpu.memory_space<vmem>>, vector<16xf32>,
        %parallel_loop3A_607 = arith.index_cast %parallel_loop3A_583 : i32 to index
        %parallel_loop3A_608 = arith.constant 48 : index
        %parallel_loop3A_609 = tpu.vector_load %arg18[%parallel_loop3A_607, %parallel_loop3A_608] {strides = array<i32>} : memref<96x128xf32, #tpu.memory_space<vmem>>, vector<16xf32>,
        %parallel_loop3A_610 = arith.mulf %parallel_loop3A_609, %parallel_loop3A_585 : vector<16xf32>
        %parallel_loop3A_611 = arith.index_cast %parallel_loop3A_583 : i32 to index
        %parallel_loop3A_612 = arith.constant 48 : index
        %parallel_loop3A_613 = tpu.vector_load %arg18[%parallel_loop3A_611, %parallel_loop3A_612] {strides = array<i32>} : memref<96x128xf32, #tpu.memory_space<vmem>>, vector<16xf32>,
        tpu.vector_store %arg18[%parallel_loop3A_611, %parallel_loop3A_612], %parallel_loop3A_610 {strides = array<i32>} : memref<96x128xf32, #tpu.memory_space<vmem>>, vector<16xf32>,
        %parallel_loop3A_614 = arith.index_cast %parallel_loop3A_583 : i32 to index
        %parallel_loop3A_615 = arith.constant 64 : index
        %parallel_loop3A_616 = tpu.vector_load %arg18[%parallel_loop3A_614, %parallel_loop3A_615] {strides = array<i32>} : memref<96x128xf32, #tpu.memory_space<vmem>>, vector<16xf32>,
        %parallel_loop3A_617 = arith.mulf %parallel_loop3A_616, %parallel_loop3A_585 : vector<16xf32>
        %parallel_loop3A_618 = arith.index_cast %parallel_loop3A_583 : i32 to index
        %parallel_loop3A_619 = arith.constant 64 : index
        %parallel_loop3A_620 = tpu.vector_load %arg18[%parallel_loop3A_618, %parallel_loop3A_619] {strides = array<i32>} : memref<96x128xf32, #tpu.memory_space<vmem>>, vector<16xf32>,
        tpu.vector_store %arg18[%parallel_loop3A_618, %parallel_loop3A_619], %parallel_loop3A_617 {strides = array<i32>} : memref<96x128xf32, #tpu.memory_space<vmem>>, vector<16xf32>,
        %parallel_loop3A_621 = arith.index_cast %parallel_loop3A_583 : i32 to index
        %parallel_loop3A_622 = arith.constant 80 : index
        %parallel_loop3A_623 = tpu.vector_load %arg18[%parallel_loop3A_621, %parallel_loop3A_622] {strides = array<i32>} : memref<96x128xf32, #tpu.memory_space<vmem>>, vector<16xf32>,
        %parallel_loop3A_624 = arith.mulf %parallel_loop3A_623, %parallel_loop3A_585 : vector<16xf32>
        %parallel_loop3A_625 = arith.index_cast %parallel_loop3A_583 : i32 to index
        %parallel_loop3A_626 = arith.constant 80 : index
        %parallel_loop3A_627 = tpu.vector_load %arg18[%parallel_loop3A_625, %parallel_loop3A_626] {strides = array<i32>} : memref<96x128xf32, #tpu.memory_space<vmem>>, vector<16xf32>,
        tpu.vector_store %arg18[%parallel_loop3A_625, %parallel_loop3A_626], %parallel_loop3A_624 {strides = array<i32>} : memref<96x128xf32, #tpu.memory_space<vmem>>, vector<16xf32>,
        %parallel_loop3A_628 = arith.index_cast %parallel_loop3A_583 : i32 to index
        %parallel_loop3A_629 = arith.constant 96 : index
        %parallel_loop3A_630 = tpu.vector_load %arg18[%parallel_loop3A_628, %parallel_loop3A_629] {strides = array<i32>} : memref<96x128xf32, #tpu.memory_space<vmem>>, vector<16xf32>,
        %parallel_loop3A_631 = arith.mulf %parallel_loop3A_630, %parallel_loop3A_585 : vector<16xf32>
        %parallel_loop3A_632 = arith.index_cast %parallel_loop3A_583 : i32 to index
        %parallel_loop3A_633 = arith.constant 96 : index
        %parallel_loop3A_634 = tpu.vector_load %arg18[%parallel_loop3A_632, %parallel_loop3A_633] {strides = array<i32>} : memref<96x128xf32, #tpu.memory_space<vmem>>, vector<16xf32>,
        tpu.vector_store %arg18[%parallel_loop3A_632, %parallel_loop3A_633], %parallel_loop3A_631 {strides = array<i32>} : memref<96x128xf32, #tpu.memory_space<vmem>>, vector<16xf32>,
        %parallel_loop3A_635 = arith.index_cast %parallel_loop3A_583 : i32 to index
        %parallel_loop3A_636 = arith.constant 112 : index
        %parallel_loop3A_637 = tpu.vector_load %arg18[%parallel_loop3A_635, %parallel_loop3A_636] {strides = array<i32>} : memref<96x128xf32, #tpu.memory_space<vmem>>, vector<16xf32>,
        %parallel_loop3A_638 = arith.mulf %parallel_loop3A_637, %parallel_loop3A_585 : vector<16xf32>
        %parallel_loop3A_639 = arith.index_cast %parallel_loop3A_583 : i32 to index
        %parallel_loop3A_640 = arith.constant 112 : index
        %parallel_loop3A_641 = tpu.vector_load %arg18[%parallel_loop3A_639, %parallel_loop3A_640] {strides = array<i32>} : memref<96x128xf32, #tpu.memory_space<vmem>>, vector<16xf32>,
        tpu.vector_store %arg18[%parallel_loop3A_639, %parallel_loop3A_640], %parallel_loop3A_638 {strides = array<i32>} : memref<96x128xf32, #tpu.memory_space<vmem>>, vector<16xf32>,
      } {sc.loop_unroll_factor = 4 : i64, sc.parallel_access}
      %dma_start3A_331 = arith.constant 0 : i32
      %dma_start3A_332 = arith.constant 0 : i32
      %dma_start3A_333 = tpu.memref_slice %arg10[%dma_start3A_331, %dma_start3A_332] : memref<10000x128xf32, #tpu.memory_space<vmem_shared>> -> memref<10000x128xf32, #tpu.memory_space<vmem_shared>>
      tpu.enqueue_indirect_dma source(%arg18 : memref<96x128xf32, #tpu.memory_space<vmem>>) target(%dma_start3A_333 : memref<10000x128xf32, #tpu.memory_space<vmem_shared>>) offsets(%arg16 : memref<96xi32, #tpu.memory_space<vmem>>) semaphore(%arg29 : memref<!tpu.dma_semaphore, #tpu.memory_space<semaphore_mem>>) {add = true}
      %dma_start3A_334 = arith.constant 0 : i32
      %dma_start3A_335 = tpu.memref_slice %arg11[%dma_start3A_334] : memref<10000xf32, #tpu.memory_space<vmem_shared>> -> memref<10000xf32, #tpu.memory_space<vmem_shared>>
      tpu.enqueue_indirect_dma source(%arg17 : memref<96xf32, #tpu.memory_space<vmem>>) target(%dma_start3A_335 : memref<10000xf32, #tpu.memory_space<vmem_shared>>) offsets(%arg16 : memref<96xi32, #tpu.memory_space<vmem>>) semaphore(%arg29 : memref<!tpu.dma_semaphore, #tpu.memory_space<semaphore_mem>>) {add = true}
      %mul3A_336 = arith.constant 2 : i32
      %mul3A_337 = arith.muli %mul3A_336, %scan3A_97 : i32
      %add3A_338 = arith.constant 1 : i32
      %add3A_339 = arith.addi %mul3A_337, %add3A_338 : i32
      %mul3A_340 = arith.constant 112 : i32
      %mul3A_341 = arith.muli %arg1, %mul3A_340 : i32
      %add3A_342 = arith.addi %mul3A_341, %add3A_339 : i32
      %mul3A_343 = arith.constant 96 : i32
      %mul3A_344 = arith.muli %add3A_342, %mul3A_343 : i32
      %get3A_345 = arith.constant 0 : index
      %get3A_346 = tpu.vector_load %arg19[%get3A_345] {strides = array<i32>} : memref<96xi32, #tpu.memory_space<vmem>>, vector<16xi32>,
      %sub3A_347 = vector.broadcast %mul3A_48 : i32 to vector<16xi32>
      %sub3A_348 = arith.subi %get3A_346, %sub3A_347 : vector<16xi32>
      %get3A_349 = arith.constant 0 : index
      %get3A_350 = tpu.vector_load %arg20[%get3A_349] {strides = array<i32>} : memref<96xi32, #tpu.memory_space<vmem>>, vector<16xi32>,
      %gather3A_351 = tpu.vector_load_idx %arg12[%sub3A_348] : memref<10000xf32, #tpu.memory_space<vmem>>[vector<16xi32>], vector<16xf32>,
      %gather3A_352 = tpu.vector_load_idx %arg13[%get3A_350] : memref<10000xf32, #tpu.memory_space<vmem>>[vector<16xi32>], vector<16xf32>,
      %add3A_353 = arith.addf %gather3A_351, %gather3A_352 : vector<16xf32>
      %mul3A_354 = arith.constant 2.000000e-01 : f32
      %mul3A_355 = vector.broadcast %mul3A_354 : f32 to vector<16xf32>
      %mul3A_356 = arith.mulf %mul3A_355, %add3A_353 : vector<16xf32>
      %max3A_357 = arith.maximumf %add3A_353, %mul3A_356 : vector<16xf32>
      %add3A_358 = arith.addf %get3A_46, %gather3A_352 : vector<16xf32>
      %mul3A_359 = arith.constant 2.000000e-01 : f32
      %mul3A_360 = vector.broadcast %mul3A_359 : f32 to vector<16xf32>
      %mul3A_361 = arith.mulf %mul3A_360, %add3A_358 : vector<16xf32>
      %max3A_362 = arith.maximumf %add3A_358, %mul3A_361 : vector<16xf32>
      %add3A_363 = arith.constant 0 : i32
      %add3A_364 = arith.addi %mul3A_344, %add3A_363 : i32
      %add3A_365 = vector.broadcast %add3A_364 : i32 to vector<16xi32>
      %add3A_366 = arith.addi %add3A_365, %iota3A : vector<16xi32>
      %lt3A_367 = arith.constant 170000 : i32
      %lt3A_368 = vector.broadcast %lt3A_367 : i32 to vector<16xi32>
      %lt3A_369 = arith.cmpi slt, %add3A_366, %lt3A_368 : vector<16xi32>
      %sub3A_370 = arith.subf %max3A_357, %max3A_362 : vector<16xf32>
      %exp3A_371 = math.exp %sub3A_370 : vector<16xf32>
      %jit3A_372 = arith.constant 0.000000e+00 : f32
      %broadcast_in_dim3A_373 = vector.broadcast %jit3A_372 : f32 to vector<16xf32>
      %select_n3A_374 = arith.select %lt3A_369, %exp3A_371, %broadcast_in_dim3A_373 : vector<16xi1>, vector<16xf32>
      %swap3A_375 = arith.constant 0 : index
      %swap3A_376 = tpu.vector_load %arg22[%swap3A_375] {strides = array<i32>} : memref<96xf32, #tpu.memory_space<vmem>>, vector<16xf32>,
      tpu.vector_store %arg22[%swap3A_375], %select_n3A_374 {strides = array<i32>} : memref<96xf32, #tpu.memory_space<vmem>>, vector<16xf32>,
      %swap3A_377 = arith.constant 0 : index
      %swap3A_378 = tpu.vector_load %arg21[%swap3A_377] {strides = array<i32>} : memref<96xi32, #tpu.memory_space<vmem>>, vector<16xi32>,
      tpu.vector_store %arg21[%swap3A_377], %get3A_350 {strides = array<i32>} : memref<96xi32, #tpu.memory_space<vmem>>, vector<16xi32>,
      %get3A_379 = arith.constant 16 : index
      %get3A_380 = tpu.vector_load %arg19[%get3A_379] {strides = array<i32>} : memref<96xi32, #tpu.memory_space<vmem>>, vector<16xi32>,
      %sub3A_381 = vector.broadcast %mul3A_48 : i32 to vector<16xi32>
      %sub3A_382 = arith.subi %get3A_380, %sub3A_381 : vector<16xi32>
      %get3A_383 = arith.constant 16 : index
      %get3A_384 = tpu.vector_load %arg20[%get3A_383] {strides = array<i32>} : memref<96xi32, #tpu.memory_space<vmem>>, vector<16xi32>,
      %gather3A_385 = tpu.vector_load_idx %arg12[%sub3A_382] : memref<10000xf32, #tpu.memory_space<vmem>>[vector<16xi32>], vector<16xf32>,
      %gather3A_386 = tpu.vector_load_idx %arg13[%get3A_384] : memref<10000xf32, #tpu.memory_space<vmem>>[vector<16xi32>], vector<16xf32>,
      %add3A_387 = arith.addf %gather3A_385, %gather3A_386 : vector<16xf32>
      %mul3A_388 = arith.constant 2.000000e-01 : f32
      %mul3A_389 = vector.broadcast %mul3A_388 : f32 to vector<16xf32>
      %mul3A_390 = arith.mulf %mul3A_389, %add3A_387 : vector<16xf32>
      %max3A_391 = arith.maximumf %add3A_387, %mul3A_390 : vector<16xf32>
      %add3A_392 = arith.addf %get3A_46, %gather3A_386 : vector<16xf32>
      %mul3A_393 = arith.constant 2.000000e-01 : f32
      %mul3A_394 = vector.broadcast %mul3A_393 : f32 to vector<16xf32>
      %mul3A_395 = arith.mulf %mul3A_394, %add3A_392 : vector<16xf32>
      %max3A_396 = arith.maximumf %add3A_392, %mul3A_395 : vector<16xf32>
      %add3A_397 = arith.constant 16 : i32
      %add3A_398 = arith.addi %mul3A_344, %add3A_397 : i32
      %add3A_399 = vector.broadcast %add3A_398 : i32 to vector<16xi32>
      %add3A_400 = arith.addi %add3A_399, %iota3A : vector<16xi32>
      %lt3A_401 = arith.constant 170000 : i32
      %lt3A_402 = vector.broadcast %lt3A_401 : i32 to vector<16xi32>
      %lt3A_403 = arith.cmpi slt, %add3A_400, %lt3A_402 : vector<16xi32>
      %sub3A_404 = arith.subf %max3A_391, %max3A_396 : vector<16xf32>
      %exp3A_405 = math.exp %sub3A_404 : vector<16xf32>
      %jit3A_406 = arith.constant 0.000000e+00 : f32
      %broadcast_in_dim3A_407 = vector.broadcast %jit3A_406 : f32 to vector<16xf32>
      %select_n3A_408 = arith.select %lt3A_403, %exp3A_405, %broadcast_in_dim3A_407 : vector<16xi1>, vector<16xf32>
      %swap3A_409 = arith.constant 16 : index
      %swap3A_410 = tpu.vector_load %arg22[%swap3A_409] {strides = array<i32>} : memref<96xf32, #tpu.memory_space<vmem>>, vector<16xf32>,
      tpu.vector_store %arg22[%swap3A_409], %select_n3A_408 {strides = array<i32>} : memref<96xf32, #tpu.memory_space<vmem>>, vector<16xf32>,
      %swap3A_411 = arith.constant 16 : index
      %swap3A_412 = tpu.vector_load %arg21[%swap3A_411] {strides = array<i32>} : memref<96xi32, #tpu.memory_space<vmem>>, vector<16xi32>,
      tpu.vector_store %arg21[%swap3A_411], %get3A_384 {strides = array<i32>} : memref<96xi32, #tpu.memory_space<vmem>>, vector<16xi32>,
      %get3A_413 = arith.constant 32 : index
      %get3A_414 = tpu.vector_load %arg19[%get3A_413] {strides = array<i32>} : memref<96xi32, #tpu.memory_space<vmem>>, vector<16xi32>,
      %sub3A_415 = vector.broadcast %mul3A_48 : i32 to vector<16xi32>
      %sub3A_416 = arith.subi %get3A_414, %sub3A_415 : vector<16xi32>
      %get3A_417 = arith.constant 32 : index
      %get3A_418 = tpu.vector_load %arg20[%get3A_417] {strides = array<i32>} : memref<96xi32, #tpu.memory_space<vmem>>, vector<16xi32>,
      %gather3A_419 = tpu.vector_load_idx %arg12[%sub3A_416] : memref<10000xf32, #tpu.memory_space<vmem>>[vector<16xi32>], vector<16xf32>,
      %gather3A_420 = tpu.vector_load_idx %arg13[%get3A_418] : memref<10000xf32, #tpu.memory_space<vmem>>[vector<16xi32>], vector<16xf32>,
      %add3A_421 = arith.addf %gather3A_419, %gather3A_420 : vector<16xf32>
      %mul3A_422 = arith.constant 2.000000e-01 : f32
      %mul3A_423 = vector.broadcast %mul3A_422 : f32 to vector<16xf32>
      %mul3A_424 = arith.mulf %mul3A_423, %add3A_421 : vector<16xf32>
      %max3A_425 = arith.maximumf %add3A_421, %mul3A_424 : vector<16xf32>
      %add3A_426 = arith.addf %get3A_46, %gather3A_420 : vector<16xf32>
      %mul3A_427 = arith.constant 2.000000e-01 : f32
      %mul3A_428 = vector.broadcast %mul3A_427 : f32 to vector<16xf32>
      %mul3A_429 = arith.mulf %mul3A_428, %add3A_426 : vector<16xf32>
      %max3A_430 = arith.maximumf %add3A_426, %mul3A_429 : vector<16xf32>
      %add3A_431 = arith.constant 32 : i32
      %add3A_432 = arith.addi %mul3A_344, %add3A_431 : i32
      %add3A_433 = vector.broadcast %add3A_432 : i32 to vector<16xi32>
      %add3A_434 = arith.addi %add3A_433, %iota3A : vector<16xi32>
      %lt3A_435 = arith.constant 170000 : i32
      %lt3A_436 = vector.broadcast %lt3A_435 : i32 to vector<16xi32>
      %lt3A_437 = arith.cmpi slt, %add3A_434, %lt3A_436 : vector<16xi32>
      %sub3A_438 = arith.subf %max3A_425, %max3A_430 : vector<16xf32>
      %exp3A_439 = math.exp %sub3A_438 : vector<16xf32>
      %jit3A_440 = arith.constant 0.000000e+00 : f32
      %broadcast_in_dim3A_441 = vector.broadcast %jit3A_440 : f32 to vector<16xf32>
      %select_n3A_442 = arith.select %lt3A_437, %exp3A_439, %broadcast_in_dim3A_441 : vector<16xi1>, vector<16xf32>
      %swap3A_443 = arith.constant 32 : index
      %swap3A_444 = tpu.vector_load %arg22[%swap3A_443] {strides = array<i32>} : memref<96xf32, #tpu.memory_space<vmem>>, vector<16xf32>,
      tpu.vector_store %arg22[%swap3A_443], %select_n3A_442 {strides = array<i32>} : memref<96xf32, #tpu.memory_space<vmem>>, vector<16xf32>,
      %swap3A_445 = arith.constant 32 : index
      %swap3A_446 = tpu.vector_load %arg21[%swap3A_445] {strides = array<i32>} : memref<96xi32, #tpu.memory_space<vmem>>, vector<16xi32>,
      tpu.vector_store %arg21[%swap3A_445], %get3A_418 {strides = array<i32>} : memref<96xi32, #tpu.memory_space<vmem>>, vector<16xi32>,
      %get3A_447 = arith.constant 48 : index
      %get3A_448 = tpu.vector_load %arg19[%get3A_447] {strides = array<i32>} : memref<96xi32, #tpu.memory_space<vmem>>, vector<16xi32>,
      %sub3A_449 = vector.broadcast %mul3A_48 : i32 to vector<16xi32>
      %sub3A_450 = arith.subi %get3A_448, %sub3A_449 : vector<16xi32>
      %get3A_451 = arith.constant 48 : index
      %get3A_452 = tpu.vector_load %arg20[%get3A_451] {strides = array<i32>} : memref<96xi32, #tpu.memory_space<vmem>>, vector<16xi32>,
      %gather3A_453 = tpu.vector_load_idx %arg12[%sub3A_450] : memref<10000xf32, #tpu.memory_space<vmem>>[vector<16xi32>], vector<16xf32>,
      %gather3A_454 = tpu.vector_load_idx %arg13[%get3A_452] : memref<10000xf32, #tpu.memory_space<vmem>>[vector<16xi32>], vector<16xf32>,
      %add3A_455 = arith.addf %gather3A_453, %gather3A_454 : vector<16xf32>
      %mul3A_456 = arith.constant 2.000000e-01 : f32
      %mul3A_457 = vector.broadcast %mul3A_456 : f32 to vector<16xf32>
      %mul3A_458 = arith.mulf %mul3A_457, %add3A_455 : vector<16xf32>
      %max3A_459 = arith.maximumf %add3A_455, %mul3A_458 : vector<16xf32>
      %add3A_460 = arith.addf %get3A_46, %gather3A_454 : vector<16xf32>
      %mul3A_461 = arith.constant 2.000000e-01 : f32
      %mul3A_462 = vector.broadcast %mul3A_461 : f32 to vector<16xf32>
      %mul3A_463 = arith.mulf %mul3A_462, %add3A_460 : vector<16xf32>
      %max3A_464 = arith.maximumf %add3A_460, %mul3A_463 : vector<16xf32>
      %add3A_465 = arith.constant 48 : i32
      %add3A_466 = arith.addi %mul3A_344, %add3A_465 : i32
      %add3A_467 = vector.broadcast %add3A_466 : i32 to vector<16xi32>
      %add3A_468 = arith.addi %add3A_467, %iota3A : vector<16xi32>
      %lt3A_469 = arith.constant 170000 : i32
      %lt3A_470 = vector.broadcast %lt3A_469 : i32 to vector<16xi32>
      %lt3A_471 = arith.cmpi slt, %add3A_468, %lt3A_470 : vector<16xi32>
      %sub3A_472 = arith.subf %max3A_459, %max3A_464 : vector<16xf32>
      %exp3A_473 = math.exp %sub3A_472 : vector<16xf32>
      %jit3A_474 = arith.constant 0.000000e+00 : f32
      %broadcast_in_dim3A_475 = vector.broadcast %jit3A_474 : f32 to vector<16xf32>
      %select_n3A_476 = arith.select %lt3A_471, %exp3A_473, %broadcast_in_dim3A_475 : vector<16xi1>, vector<16xf32>
      %swap3A_477 = arith.constant 48 : index
      %swap3A_478 = tpu.vector_load %arg22[%swap3A_477] {strides = array<i32>} : memref<96xf32, #tpu.memory_space<vmem>>, vector<16xf32>,
      tpu.vector_store %arg22[%swap3A_477], %select_n3A_476 {strides = array<i32>} : memref<96xf32, #tpu.memory_space<vmem>>, vector<16xf32>,
      %swap3A_479 = arith.constant 48 : index
      %swap3A_480 = tpu.vector_load %arg21[%swap3A_479] {strides = array<i32>} : memref<96xi32, #tpu.memory_space<vmem>>, vector<16xi32>,
      tpu.vector_store %arg21[%swap3A_479], %get3A_452 {strides = array<i32>} : memref<96xi32, #tpu.memory_space<vmem>>, vector<16xi32>,
      %get3A_481 = arith.constant 64 : index
      %get3A_482 = tpu.vector_load %arg19[%get3A_481] {strides = array<i32>} : memref<96xi32, #tpu.memory_space<vmem>>, vector<16xi32>,
      %sub3A_483 = vector.broadcast %mul3A_48 : i32 to vector<16xi32>
      %sub3A_484 = arith.subi %get3A_482, %sub3A_483 : vector<16xi32>
      %get3A_485 = arith.constant 64 : index
      %get3A_486 = tpu.vector_load %arg20[%get3A_485] {strides = array<i32>} : memref<96xi32, #tpu.memory_space<vmem>>, vector<16xi32>,
      %gather3A_487 = tpu.vector_load_idx %arg12[%sub3A_484] : memref<10000xf32, #tpu.memory_space<vmem>>[vector<16xi32>], vector<16xf32>,
      %gather3A_488 = tpu.vector_load_idx %arg13[%get3A_486] : memref<10000xf32, #tpu.memory_space<vmem>>[vector<16xi32>], vector<16xf32>,
      %add3A_489 = arith.addf %gather3A_487, %gather3A_488 : vector<16xf32>
      %mul3A_490 = arith.constant 2.000000e-01 : f32
      %mul3A_491 = vector.broadcast %mul3A_490 : f32 to vector<16xf32>
      %mul3A_492 = arith.mulf %mul3A_491, %add3A_489 : vector<16xf32>
      %max3A_493 = arith.maximumf %add3A_489, %mul3A_492 : vector<16xf32>
      %add3A_494 = arith.addf %get3A_46, %gather3A_488 : vector<16xf32>
      %mul3A_495 = arith.constant 2.000000e-01 : f32
      %mul3A_496 = vector.broadcast %mul3A_495 : f32 to vector<16xf32>
      %mul3A_497 = arith.mulf %mul3A_496, %add3A_494 : vector<16xf32>
      %max3A_498 = arith.maximumf %add3A_494, %mul3A_497 : vector<16xf32>
      %add3A_499 = arith.constant 64 : i32
      %add3A_500 = arith.addi %mul3A_344, %add3A_499 : i32
      %add3A_501 = vector.broadcast %add3A_500 : i32 to vector<16xi32>
      %add3A_502 = arith.addi %add3A_501, %iota3A : vector<16xi32>
      %lt3A_503 = arith.constant 170000 : i32
      %lt3A_504 = vector.broadcast %lt3A_503 : i32 to vector<16xi32>
      %lt3A_505 = arith.cmpi slt, %add3A_502, %lt3A_504 : vector<16xi32>
      %sub3A_506 = arith.subf %max3A_493, %max3A_498 : vector<16xf32>
      %exp3A_507 = math.exp %sub3A_506 : vector<16xf32>
      %jit3A_508 = arith.constant 0.000000e+00 : f32
      %broadcast_in_dim3A_509 = vector.broadcast %jit3A_508 : f32 to vector<16xf32>
      %select_n3A_510 = arith.select %lt3A_505, %exp3A_507, %broadcast_in_dim3A_509 : vector<16xi1>, vector<16xf32>
      %swap3A_511 = arith.constant 64 : index
      %swap3A_512 = tpu.vector_load %arg22[%swap3A_511] {strides = array<i32>} : memref<96xf32, #tpu.memory_space<vmem>>, vector<16xf32>,
      tpu.vector_store %arg22[%swap3A_511], %select_n3A_510 {strides = array<i32>} : memref<96xf32, #tpu.memory_space<vmem>>, vector<16xf32>,
      %swap3A_513 = arith.constant 64 : index
      %swap3A_514 = tpu.vector_load %arg21[%swap3A_513] {strides = array<i32>} : memref<96xi32, #tpu.memory_space<vmem>>, vector<16xi32>,
      tpu.vector_store %arg21[%swap3A_513], %get3A_486 {strides = array<i32>} : memref<96xi32, #tpu.memory_space<vmem>>, vector<16xi32>,
      %get3A_515 = arith.constant 80 : index
      %get3A_516 = tpu.vector_load %arg19[%get3A_515] {strides = array<i32>} : memref<96xi32, #tpu.memory_space<vmem>>, vector<16xi32>,
      %sub3A_517 = vector.broadcast %mul3A_48 : i32 to vector<16xi32>
      %sub3A_518 = arith.subi %get3A_516, %sub3A_517 : vector<16xi32>
      %get3A_519 = arith.constant 80 : index
      %get3A_520 = tpu.vector_load %arg20[%get3A_519] {strides = array<i32>} : memref<96xi32, #tpu.memory_space<vmem>>, vector<16xi32>,
      %gather3A_521 = tpu.vector_load_idx %arg12[%sub3A_518] : memref<10000xf32, #tpu.memory_space<vmem>>[vector<16xi32>], vector<16xf32>,
      %gather3A_522 = tpu.vector_load_idx %arg13[%get3A_520] : memref<10000xf32, #tpu.memory_space<vmem>>[vector<16xi32>], vector<16xf32>,
      %add3A_523 = arith.addf %gather3A_521, %gather3A_522 : vector<16xf32>
      %mul3A_524 = arith.constant 2.000000e-01 : f32
      %mul3A_525 = vector.broadcast %mul3A_524 : f32 to vector<16xf32>
      %mul3A_526 = arith.mulf %mul3A_525, %add3A_523 : vector<16xf32>
      %max3A_527 = arith.maximumf %add3A_523, %mul3A_526 : vector<16xf32>
      %add3A_528 = arith.addf %get3A_46, %gather3A_522 : vector<16xf32>
      %mul3A_529 = arith.constant 2.000000e-01 : f32
      %mul3A_530 = vector.broadcast %mul3A_529 : f32 to vector<16xf32>
      %mul3A_531 = arith.mulf %mul3A_530, %add3A_528 : vector<16xf32>
      %max3A_532 = arith.maximumf %add3A_528, %mul3A_531 : vector<16xf32>
      %add3A_533 = arith.constant 80 : i32
      %add3A_534 = arith.addi %mul3A_344, %add3A_533 : i32
      %add3A_535 = vector.broadcast %add3A_534 : i32 to vector<16xi32>
      %add3A_536 = arith.addi %add3A_535, %iota3A : vector<16xi32>
      %lt3A_537 = arith.constant 170000 : i32
      %lt3A_538 = vector.broadcast %lt3A_537 : i32 to vector<16xi32>
      %lt3A_539 = arith.cmpi slt, %add3A_536, %lt3A_538 : vector<16xi32>
      %sub3A_540 = arith.subf %max3A_527, %max3A_532 : vector<16xf32>
      %exp3A_541 = math.exp %sub3A_540 : vector<16xf32>
      %jit3A_542 = arith.constant 0.000000e+00 : f32
      %broadcast_in_dim3A_543 = vector.broadcast %jit3A_542 : f32 to vector<16xf32>
      %select_n3A_544 = arith.select %lt3A_539, %exp3A_541, %broadcast_in_dim3A_543 : vector<16xi1>, vector<16xf32>
      %swap3A_545 = arith.constant 80 : index
      %swap3A_546 = tpu.vector_load %arg22[%swap3A_545] {strides = array<i32>} : memref<96xf32, #tpu.memory_space<vmem>>, vector<16xf32>,
      tpu.vector_store %arg22[%swap3A_545], %select_n3A_544 {strides = array<i32>} : memref<96xf32, #tpu.memory_space<vmem>>, vector<16xf32>,
      %swap3A_547 = arith.constant 80 : index
      %swap3A_548 = tpu.vector_load %arg21[%swap3A_547] {strides = array<i32>} : memref<96xi32, #tpu.memory_space<vmem>>, vector<16xi32>,
      tpu.vector_store %arg21[%swap3A_547], %get3A_520 {strides = array<i32>} : memref<96xi32, #tpu.memory_space<vmem>>, vector<16xi32>,
      %dma_wait3A_549 = arith.constant 0 : i32
      %dma_wait3A_550 = arith.constant 0 : i32
      %dma_wait3A_551 = tpu.memref_slice %arg2[%dma_wait3A_549, %dma_wait3A_550] : memref<20000x128xf32, #tpu.memory_space<hbm>> -> memref<20000x128xf32, #tpu.memory_space<hbm>>
      tpu.wait_indirect_dma semaphore(%arg26 : memref<!tpu.dma_semaphore, #tpu.memory_space<semaphore_mem>>) src(%dma_wait3A_551 : memref<20000x128xf32, #tpu.memory_space<hbm>>) dst(%arg23 : memref<96x128xf32, #tpu.memory_space<vmem>>)
      %add3A_552 = arith.constant 2 : i32
      %add3A_553 = arith.addi %add3A_339, %add3A_552 : i32
      %min3A_554 = arith.constant 111 : i32
      %min3A_555 = arith.minsi %add3A_553, %min3A_554 : i32
      %dma_start3A_556 = arith.constant 0 : i32
      %dma_start3A_557 = tpu.memref_slice %arg6[%arg0, %arg1, %min3A_555, %dma_start3A_556] : memref<2x16x112x96xi32, #tpu.memory_space<hbm>> -> memref<1x1x1x96xi32, #tpu.memory_space<hbm>>
      %dma_start3A_558 = tpu.memref_squeeze %dma_start3A_557 : memref<1x1x1x96xi32, #tpu.memory_space<hbm>> -> memref<96xi32, #tpu.memory_space<hbm>>
      %dma_start3A_559 = arith.constant 0 : i32
      %dma_start3A_560 = tpu.memref_slice %arg6[%arg0, %arg1, %min3A_555, %dma_start3A_559] : memref<2x16x112x96xi32, #tpu.memory_space<hbm>> -> memref<1x1x1x96xi32, #tpu.memory_space<hbm>>
      %dma_start3A_561 = tpu.memref_squeeze %dma_start3A_560 : memref<1x1x1x96xi32, #tpu.memory_space<hbm>> -> memref<96xi32, #tpu.memory_space<hbm>>
      tpu.enqueue_dma source(%dma_start3A_561 : memref<96xi32, #tpu.memory_space<hbm>>) target(%arg19 : memref<96xi32, #tpu.memory_space<vmem>>) target_semaphore(%arg28 : memref<!tpu.dma_semaphore, #tpu.memory_space<semaphore_mem>>)
      %dma_start3A_562 = arith.constant 0 : i32
      %dma_start3A_563 = tpu.memref_slice %arg7[%arg1, %min3A_555, %dma_start3A_562] : memref<16x112x96xi32, #tpu.memory_space<hbm>> -> memref<1x1x96xi32, #tpu.memory_space<hbm>>
      %dma_start3A_564 = tpu.memref_squeeze %dma_start3A_563 : memref<1x1x96xi32, #tpu.memory_space<hbm>> -> memref<96xi32, #tpu.memory_space<hbm>>
      %dma_start3A_565 = arith.constant 0 : i32
      %dma_start3A_566 = tpu.memref_slice %arg7[%arg1, %min3A_555, %dma_start3A_565] : memref<16x112x96xi32, #tpu.memory_space<hbm>> -> memref<1x1x96xi32, #tpu.memory_space<hbm>>
      %dma_start3A_567 = tpu.memref_squeeze %dma_start3A_566 : memref<1x1x96xi32, #tpu.memory_space<hbm>> -> memref<96xi32, #tpu.memory_space<hbm>>
      tpu.enqueue_dma source(%dma_start3A_567 : memref<96xi32, #tpu.memory_space<hbm>>) target(%arg20 : memref<96xi32, #tpu.memory_space<vmem>>) target_semaphore(%arg28 : memref<!tpu.dma_semaphore, #tpu.memory_space<semaphore_mem>>)
      %add3A_568 = arith.constant 1 : i32
      %add3A_569 = arith.addi %add3A_339, %add3A_568 : i32
      %lt3A_570 = arith.constant 112 : i32
      %lt3A_571 = arith.cmpi slt, %add3A_569, %lt3A_570 : i32
      %convert_element_type3A_572 = arith.extui %lt3A_571 : i1 to i32
      %cond3A_573 = arith.constant 0 : i32
      %cond3A_574 = arith.cmpi ne, %convert_element_type3A_572, %cond3A_573 : i32
      scf.if %cond3A_574 {
        %dma_wait3A_583 = arith.constant 0 : i32
        %dma_wait3A_584 = arith.constant 0 : i32
        %dma_wait3A_585 = tpu.memref_slice %arg10[%dma_wait3A_583, %dma_wait3A_584] : memref<10000x128xf32, #tpu.memory_space<vmem_shared>> -> memref<10000x128xf32, #tpu.memory_space<vmem_shared>>
        tpu.wait_indirect_dma semaphore(%arg29 : memref<!tpu.dma_semaphore, #tpu.memory_space<semaphore_mem>>) src(%arg18 : memref<96x128xf32, #tpu.memory_space<vmem>>) dst(%dma_wait3A_585 : memref<10000x128xf32, #tpu.memory_space<vmem_shared>>)
        %dma_wait3A_586 = arith.constant 0 : i32
        %dma_wait3A_587 = tpu.memref_slice %arg11[%dma_wait3A_586] : memref<10000xf32, #tpu.memory_space<vmem_shared>> -> memref<10000xf32, #tpu.memory_space<vmem_shared>>
        tpu.wait_indirect_dma semaphore(%arg29 : memref<!tpu.dma_semaphore, #tpu.memory_space<semaphore_mem>>) src(%arg17 : memref<96xf32, #tpu.memory_space<vmem>>) dst(%dma_wait3A_587 : memref<10000xf32, #tpu.memory_space<vmem_shared>>)
        %dma_wait3A_588 = arith.constant 0 : i32
        %dma_wait3A_589 = arith.constant 0 : i32
        %dma_wait3A_590 = tpu.memref_slice %arg6[%arg0, %arg1, %dma_wait3A_588, %dma_wait3A_589] : memref<2x16x112x96xi32, #tpu.memory_space<hbm>> -> memref<1x1x1x96xi32, #tpu.memory_space<hbm>>
        %dma_wait3A_591 = tpu.memref_squeeze %dma_wait3A_590 : memref<1x1x1x96xi32, #tpu.memory_space<hbm>> -> memref<96xi32, #tpu.memory_space<hbm>>
        %dma_wait3A_592 = arith.constant 0 : i32
        %dma_wait3A_593 = tpu.memref_slice %arg6[%arg0, %arg1, %dma_wait3A_588, %dma_wait3A_592] : memref<2x16x112x96xi32, #tpu.memory_space<hbm>> -> memref<1x1x1x96xi32, #tpu.memory_space<hbm>>
        %dma_wait3A_594 = tpu.memref_squeeze %dma_wait3A_593 : memref<1x1x1x96xi32, #tpu.memory_space<hbm>> -> memref<96xi32, #tpu.memory_space<hbm>>
        tpu.wait_dma2 semaphore(%arg27 : memref<!tpu.dma_semaphore, #tpu.memory_space<semaphore_mem>>) src(%dma_wait3A_594 : memref<96xi32, #tpu.memory_space<hbm>>) dst(%arg14 : memref<96xi32, #tpu.memory_space<vmem>>)
        %dma_wait3A_595 = arith.constant 0 : i32
        %dma_wait3A_596 = arith.constant 0 : i32
        %dma_wait3A_597 = tpu.memref_slice %arg7[%arg1, %dma_wait3A_595, %dma_wait3A_596] : memref<16x112x96xi32, #tpu.memory_space<hbm>> -> memref<1x1x96xi32, #tpu.memory_space<hbm>>
        %dma_wait3A_598 = tpu.memref_squeeze %dma_wait3A_597 : memref<1x1x96xi32, #tpu.memory_space<hbm>> -> memref<96xi32, #tpu.memory_space<hbm>>
        %dma_wait3A_599 = arith.constant 0 : i32
        %dma_wait3A_600 = tpu.memref_slice %arg7[%arg1, %dma_wait3A_595, %dma_wait3A_599] : memref<16x112x96xi32, #tpu.memory_space<hbm>> -> memref<1x1x96xi32, #tpu.memory_space<hbm>>
        %dma_wait3A_601 = tpu.memref_squeeze %dma_wait3A_600 : memref<1x1x96xi32, #tpu.memory_space<hbm>> -> memref<96xi32, #tpu.memory_space<hbm>>
        tpu.wait_dma2 semaphore(%arg27 : memref<!tpu.dma_semaphore, #tpu.memory_space<semaphore_mem>>) src(%dma_wait3A_601 : memref<96xi32, #tpu.memory_space<hbm>>) dst(%arg15 : memref<96xi32, #tpu.memory_space<vmem>>)
        %dma_start3A_602 = arith.constant 0 : i32
        %dma_start3A_603 = arith.constant 0 : i32
        %dma_start3A_604 = tpu.memref_slice %arg2[%dma_start3A_602, %dma_start3A_603] : memref<20000x128xf32, #tpu.memory_space<hbm>> -> memref<20000x128xf32, #tpu.memory_space<hbm>>
        tpu.enqueue_indirect_dma source(%dma_start3A_604 : memref<20000x128xf32, #tpu.memory_space<hbm>>) target(%arg18 : memref<96x128xf32, #tpu.memory_space<vmem>>) offsets(%arg14 : memref<96xi32, #tpu.memory_space<vmem>>) semaphore(%arg25 : memref<!tpu.dma_semaphore, #tpu.memory_space<semaphore_mem>>)
      } else {
      }
      %parallel_loop3A_575 = arith.constant 0 : i32
      %parallel_loop3A_576 = arith.constant 96 : i32
      %parallel_loop3A_577 = arith.constant 1 : i32
      scf.for %parallel_loop3A_583 = %parallel_loop3A_575 to %parallel_loop3A_576 step %parallel_loop3A_577  : i32 {
        %parallel_loop3A_584 = vector.broadcast %parallel_loop3A_583 : i32 to vector<16xi32>
        %parallel_loop3A_585 = tpu.vector_load_idx %arg22[%parallel_loop3A_584] : memref<96xf32, #tpu.memory_space<vmem>>[vector<16xi32>], vector<16xf32>,
        %parallel_loop3A_586 = arith.index_cast %parallel_loop3A_583 : i32 to index
        %parallel_loop3A_587 = arith.constant 0 : index
        %parallel_loop3A_588 = tpu.vector_load %arg23[%parallel_loop3A_586, %parallel_loop3A_587] {strides = array<i32>} : memref<96x128xf32, #tpu.memory_space<vmem>>, vector<16xf32>,
        %parallel_loop3A_589 = arith.mulf %parallel_loop3A_588, %parallel_loop3A_585 : vector<16xf32>
        %parallel_loop3A_590 = arith.index_cast %parallel_loop3A_583 : i32 to index
        %parallel_loop3A_591 = arith.constant 0 : index
        %parallel_loop3A_592 = tpu.vector_load %arg23[%parallel_loop3A_590, %parallel_loop3A_591] {strides = array<i32>} : memref<96x128xf32, #tpu.memory_space<vmem>>, vector<16xf32>,
        tpu.vector_store %arg23[%parallel_loop3A_590, %parallel_loop3A_591], %parallel_loop3A_589 {strides = array<i32>} : memref<96x128xf32, #tpu.memory_space<vmem>>, vector<16xf32>,
        %parallel_loop3A_593 = arith.index_cast %parallel_loop3A_583 : i32 to index
        %parallel_loop3A_594 = arith.constant 16 : index
        %parallel_loop3A_595 = tpu.vector_load %arg23[%parallel_loop3A_593, %parallel_loop3A_594] {strides = array<i32>} : memref<96x128xf32, #tpu.memory_space<vmem>>, vector<16xf32>,
        %parallel_loop3A_596 = arith.mulf %parallel_loop3A_595, %parallel_loop3A_585 : vector<16xf32>
        %parallel_loop3A_597 = arith.index_cast %parallel_loop3A_583 : i32 to index
        %parallel_loop3A_598 = arith.constant 16 : index
        %parallel_loop3A_599 = tpu.vector_load %arg23[%parallel_loop3A_597, %parallel_loop3A_598] {strides = array<i32>} : memref<96x128xf32, #tpu.memory_space<vmem>>, vector<16xf32>,
        tpu.vector_store %arg23[%parallel_loop3A_597, %parallel_loop3A_598], %parallel_loop3A_596 {strides = array<i32>} : memref<96x128xf32, #tpu.memory_space<vmem>>, vector<16xf32>,
        %parallel_loop3A_600 = arith.index_cast %parallel_loop3A_583 : i32 to index
        %parallel_loop3A_601 = arith.constant 32 : index
        %parallel_loop3A_602 = tpu.vector_load %arg23[%parallel_loop3A_600, %parallel_loop3A_601] {strides = array<i32>} : memref<96x128xf32, #tpu.memory_space<vmem>>, vector<16xf32>,
        %parallel_loop3A_603 = arith.mulf %parallel_loop3A_602, %parallel_loop3A_585 : vector<16xf32>
        %parallel_loop3A_604 = arith.index_cast %parallel_loop3A_583 : i32 to index
        %parallel_loop3A_605 = arith.constant 32 : index
        %parallel_loop3A_606 = tpu.vector_load %arg23[%parallel_loop3A_604, %parallel_loop3A_605] {strides = array<i32>} : memref<96x128xf32, #tpu.memory_space<vmem>>, vector<16xf32>,
        tpu.vector_store %arg23[%parallel_loop3A_604, %parallel_loop3A_605], %parallel_loop3A_603 {strides = array<i32>} : memref<96x128xf32, #tpu.memory_space<vmem>>, vector<16xf32>,
        %parallel_loop3A_607 = arith.index_cast %parallel_loop3A_583 : i32 to index
        %parallel_loop3A_608 = arith.constant 48 : index
        %parallel_loop3A_609 = tpu.vector_load %arg23[%parallel_loop3A_607, %parallel_loop3A_608] {strides = array<i32>} : memref<96x128xf32, #tpu.memory_space<vmem>>, vector<16xf32>,
        %parallel_loop3A_610 = arith.mulf %parallel_loop3A_609, %parallel_loop3A_585 : vector<16xf32>
        %parallel_loop3A_611 = arith.index_cast %parallel_loop3A_583 : i32 to index
        %parallel_loop3A_612 = arith.constant 48 : index
        %parallel_loop3A_613 = tpu.vector_load %arg23[%parallel_loop3A_611, %parallel_loop3A_612] {strides = array<i32>} : memref<96x128xf32, #tpu.memory_space<vmem>>, vector<16xf32>,
        tpu.vector_store %arg23[%parallel_loop3A_611, %parallel_loop3A_612], %parallel_loop3A_610 {strides = array<i32>} : memref<96x128xf32, #tpu.memory_space<vmem>>, vector<16xf32>,
        %parallel_loop3A_614 = arith.index_cast %parallel_loop3A_583 : i32 to index
        %parallel_loop3A_615 = arith.constant 64 : index
        %parallel_loop3A_616 = tpu.vector_load %arg23[%parallel_loop3A_614, %parallel_loop3A_615] {strides = array<i32>} : memref<96x128xf32, #tpu.memory_space<vmem>>, vector<16xf32>,
        %parallel_loop3A_617 = arith.mulf %parallel_loop3A_616, %parallel_loop3A_585 : vector<16xf32>
        %parallel_loop3A_618 = arith.index_cast %parallel_loop3A_583 : i32 to index
        %parallel_loop3A_619 = arith.constant 64 : index
        %parallel_loop3A_620 = tpu.vector_load %arg23[%parallel_loop3A_618, %parallel_loop3A_619] {strides = array<i32>} : memref<96x128xf32, #tpu.memory_space<vmem>>, vector<16xf32>,
        tpu.vector_store %arg23[%parallel_loop3A_618, %parallel_loop3A_619], %parallel_loop3A_617 {strides = array<i32>} : memref<96x128xf32, #tpu.memory_space<vmem>>, vector<16xf32>,
        %parallel_loop3A_621 = arith.index_cast %parallel_loop3A_583 : i32 to index
        %parallel_loop3A_622 = arith.constant 80 : index
        %parallel_loop3A_623 = tpu.vector_load %arg23[%parallel_loop3A_621, %parallel_loop3A_622] {strides = array<i32>} : memref<96x128xf32, #tpu.memory_space<vmem>>, vector<16xf32>,
        %parallel_loop3A_624 = arith.mulf %parallel_loop3A_623, %parallel_loop3A_585 : vector<16xf32>
        %parallel_loop3A_625 = arith.index_cast %parallel_loop3A_583 : i32 to index
        %parallel_loop3A_626 = arith.constant 80 : index
        %parallel_loop3A_627 = tpu.vector_load %arg23[%parallel_loop3A_625, %parallel_loop3A_626] {strides = array<i32>} : memref<96x128xf32, #tpu.memory_space<vmem>>, vector<16xf32>,
        tpu.vector_store %arg23[%parallel_loop3A_625, %parallel_loop3A_626], %parallel_loop3A_624 {strides = array<i32>} : memref<96x128xf32, #tpu.memory_space<vmem>>, vector<16xf32>,
        %parallel_loop3A_628 = arith.index_cast %parallel_loop3A_583 : i32 to index
        %parallel_loop3A_629 = arith.constant 96 : index
        %parallel_loop3A_630 = tpu.vector_load %arg23[%parallel_loop3A_628, %parallel_loop3A_629] {strides = array<i32>} : memref<96x128xf32, #tpu.memory_space<vmem>>, vector<16xf32>,
        %parallel_loop3A_631 = arith.mulf %parallel_loop3A_630, %parallel_loop3A_585 : vector<16xf32>
        %parallel_loop3A_632 = arith.index_cast %parallel_loop3A_583 : i32 to index
        %parallel_loop3A_633 = arith.constant 96 : index
        %parallel_loop3A_634 = tpu.vector_load %arg23[%parallel_loop3A_632, %parallel_loop3A_633] {strides = array<i32>} : memref<96x128xf32, #tpu.memory_space<vmem>>, vector<16xf32>,
        tpu.vector_store %arg23[%parallel_loop3A_632, %parallel_loop3A_633], %parallel_loop3A_631 {strides = array<i32>} : memref<96x128xf32, #tpu.memory_space<vmem>>, vector<16xf32>,
        %parallel_loop3A_635 = arith.index_cast %parallel_loop3A_583 : i32 to index
        %parallel_loop3A_636 = arith.constant 112 : index
        %parallel_loop3A_637 = tpu.vector_load %arg23[%parallel_loop3A_635, %parallel_loop3A_636] {strides = array<i32>} : memref<96x128xf32, #tpu.memory_space<vmem>>, vector<16xf32>,
        %parallel_loop3A_638 = arith.mulf %parallel_loop3A_637, %parallel_loop3A_585 : vector<16xf32>
        %parallel_loop3A_639 = arith.index_cast %parallel_loop3A_583 : i32 to index
        %parallel_loop3A_640 = arith.constant 112 : index
        %parallel_loop3A_641 = tpu.vector_load %arg23[%parallel_loop3A_639, %parallel_loop3A_640] {strides = array<i32>} : memref<96x128xf32, #tpu.memory_space<vmem>>, vector<16xf32>,
        tpu.vector_store %arg23[%parallel_loop3A_639, %parallel_loop3A_640], %parallel_loop3A_638 {strides = array<i32>} : memref<96x128xf32, #tpu.memory_space<vmem>>, vector<16xf32>,
      } {sc.loop_unroll_factor = 4 : i64, sc.parallel_access}
      %dma_start3A_578 = arith.constant 0 : i32
      %dma_start3A_579 = arith.constant 0 : i32
      %dma_start3A_580 = tpu.memref_slice %arg10[%dma_start3A_578, %dma_start3A_579] : memref<10000x128xf32, #tpu.memory_space<vmem_shared>> -> memref<10000x128xf32, #tpu.memory_space<vmem_shared>>
      tpu.enqueue_indirect_dma source(%arg23 : memref<96x128xf32, #tpu.memory_space<vmem>>) target(%dma_start3A_580 : memref<10000x128xf32, #tpu.memory_space<vmem_shared>>) offsets(%arg21 : memref<96xi32, #tpu.memory_space<vmem>>) semaphore(%arg30 : memref<!tpu.dma_semaphore, #tpu.memory_space<semaphore_mem>>) {add = true}
      %dma_start3A_581 = arith.constant 0 : i32
      %dma_start3A_582 = tpu.memref_slice %arg11[%dma_start3A_581] : memref<10000xf32, #tpu.memory_space<vmem_shared>> -> memref<10000xf32, #tpu.memory_space<vmem_shared>>
      tpu.enqueue_indirect_dma source(%arg22 : memref<96xf32, #tpu.memory_space<vmem>>) target(%dma_start3A_582 : memref<10000xf32, #tpu.memory_space<vmem_shared>>) offsets(%arg21 : memref<96xi32, #tpu.memory_space<vmem>>) semaphore(%arg30 : memref<!tpu.dma_semaphore, #tpu.memory_space<semaphore_mem>>) {add = true}
    }
    %scan3A_58 = arith.constant 56 : i32
    %dma_wait3A = arith.constant 0 : i32
    %dma_wait3A_59 = arith.constant 0 : i32
    %dma_wait3A_60 = tpu.memref_slice %arg10[%dma_wait3A, %dma_wait3A_59] : memref<10000x128xf32, #tpu.memory_space<vmem_shared>> -> memref<10000x128xf32, #tpu.memory_space<vmem_shared>>
    tpu.wait_indirect_dma semaphore(%arg29 : memref<!tpu.dma_semaphore, #tpu.memory_space<semaphore_mem>>) src(%arg18 : memref<96x128xf32, #tpu.memory_space<vmem>>) dst(%dma_wait3A_60 : memref<10000x128xf32, #tpu.memory_space<vmem_shared>>)
    %dma_wait3A_61 = arith.constant 0 : i32
    %dma_wait3A_62 = tpu.memref_slice %arg11[%dma_wait3A_61] : memref<10000xf32, #tpu.memory_space<vmem_shared>> -> memref<10000xf32, #tpu.memory_space<vmem_shared>>
    tpu.wait_indirect_dma semaphore(%arg29 : memref<!tpu.dma_semaphore, #tpu.memory_space<semaphore_mem>>) src(%arg17 : memref<96xf32, #tpu.memory_space<vmem>>) dst(%dma_wait3A_62 : memref<10000xf32, #tpu.memory_space<vmem_shared>>)
    %dma_wait3A_63 = arith.constant 0 : i32
    %dma_wait3A_64 = arith.constant 0 : i32
    %dma_wait3A_65 = tpu.memref_slice %arg10[%dma_wait3A_63, %dma_wait3A_64] : memref<10000x128xf32, #tpu.memory_space<vmem_shared>> -> memref<10000x128xf32, #tpu.memory_space<vmem_shared>>
    tpu.wait_indirect_dma semaphore(%arg30 : memref<!tpu.dma_semaphore, #tpu.memory_space<semaphore_mem>>) src(%arg23 : memref<96x128xf32, #tpu.memory_space<vmem>>) dst(%dma_wait3A_65 : memref<10000x128xf32, #tpu.memory_space<vmem_shared>>)
    %dma_wait3A_66 = arith.constant 0 : i32
    %dma_wait3A_67 = tpu.memref_slice %arg11[%dma_wait3A_66] : memref<10000xf32, #tpu.memory_space<vmem_shared>> -> memref<10000xf32, #tpu.memory_space<vmem_shared>>
    tpu.wait_indirect_dma semaphore(%arg30 : memref<!tpu.dma_semaphore, #tpu.memory_space<semaphore_mem>>) src(%arg22 : memref<96xf32, #tpu.memory_space<vmem>>) dst(%dma_wait3A_67 : memref<10000xf32, #tpu.memory_space<vmem_shared>>)
    %dma_wait3A_68 = arith.constant 0 : i32
    %dma_wait3A_69 = arith.constant 0 : i32
    %dma_wait3A_70 = tpu.memref_slice %arg6[%arg0, %arg1, %dma_wait3A_68, %dma_wait3A_69] : memref<2x16x112x96xi32, #tpu.memory_space<hbm>> -> memref<1x1x1x96xi32, #tpu.memory_space<hbm>>
    %dma_wait3A_71 = tpu.memref_squeeze %dma_wait3A_70 : memref<1x1x1x96xi32, #tpu.memory_space<hbm>> -> memref<96xi32, #tpu.memory_space<hbm>>
    %dma_wait3A_72 = arith.constant 0 : i32
    %dma_wait3A_73 = tpu.memref_slice %arg6[%arg0, %arg1, %dma_wait3A_68, %dma_wait3A_72] : memref<2x16x112x96xi32, #tpu.memory_space<hbm>> -> memref<1x1x1x96xi32, #tpu.memory_space<hbm>>
    %dma_wait3A_74 = tpu.memref_squeeze %dma_wait3A_73 : memref<1x1x1x96xi32, #tpu.memory_space<hbm>> -> memref<96xi32, #tpu.memory_space<hbm>>
    tpu.wait_dma2 semaphore(%arg27 : memref<!tpu.dma_semaphore, #tpu.memory_space<semaphore_mem>>) src(%dma_wait3A_74 : memref<96xi32, #tpu.memory_space<hbm>>) dst(%arg14 : memref<96xi32, #tpu.memory_space<vmem>>)
    %dma_wait3A_75 = arith.constant 0 : i32
    %dma_wait3A_76 = arith.constant 0 : i32
    %dma_wait3A_77 = tpu.memref_slice %arg7[%arg1, %dma_wait3A_75, %dma_wait3A_76] : memref<16x112x96xi32, #tpu.memory_space<hbm>> -> memref<1x1x96xi32, #tpu.memory_space<hbm>>
    %dma_wait3A_78 = tpu.memref_squeeze %dma_wait3A_77 : memref<1x1x96xi32, #tpu.memory_space<hbm>> -> memref<96xi32, #tpu.memory_space<hbm>>
    %dma_wait3A_79 = arith.constant 0 : i32
    %dma_wait3A_80 = tpu.memref_slice %arg7[%arg1, %dma_wait3A_75, %dma_wait3A_79] : memref<16x112x96xi32, #tpu.memory_space<hbm>> -> memref<1x1x96xi32, #tpu.memory_space<hbm>>
    %dma_wait3A_81 = tpu.memref_squeeze %dma_wait3A_80 : memref<1x1x96xi32, #tpu.memory_space<hbm>> -> memref<96xi32, #tpu.memory_space<hbm>>
    tpu.wait_dma2 semaphore(%arg27 : memref<!tpu.dma_semaphore, #tpu.memory_space<semaphore_mem>>) src(%dma_wait3A_81 : memref<96xi32, #tpu.memory_space<hbm>>) dst(%arg15 : memref<96xi32, #tpu.memory_space<vmem>>)
    %dma_wait3A_82 = arith.constant 0 : i32
    %dma_wait3A_83 = arith.constant 0 : i32
    %dma_wait3A_84 = tpu.memref_slice %arg6[%arg0, %arg1, %dma_wait3A_82, %dma_wait3A_83] : memref<2x16x112x96xi32, #tpu.memory_space<hbm>> -> memref<1x1x1x96xi32, #tpu.memory_space<hbm>>
    %dma_wait3A_85 = tpu.memref_squeeze %dma_wait3A_84 : memref<1x1x1x96xi32, #tpu.memory_space<hbm>> -> memref<96xi32, #tpu.memory_space<hbm>>
    %dma_wait3A_86 = arith.constant 0 : i32
    %dma_wait3A_87 = tpu.memref_slice %arg6[%arg0, %arg1, %dma_wait3A_82, %dma_wait3A_86] : memref<2x16x112x96xi32, #tpu.memory_space<hbm>> -> memref<1x1x1x96xi32, #tpu.memory_space<hbm>>
    %dma_wait3A_88 = tpu.memref_squeeze %dma_wait3A_87 : memref<1x1x1x96xi32, #tpu.memory_space<hbm>> -> memref<96xi32, #tpu.memory_space<hbm>>
    tpu.wait_dma2 semaphore(%arg28 : memref<!tpu.dma_semaphore, #tpu.memory_space<semaphore_mem>>) src(%dma_wait3A_88 : memref<96xi32, #tpu.memory_space<hbm>>) dst(%arg19 : memref<96xi32, #tpu.memory_space<vmem>>)
    %dma_wait3A_89 = arith.constant 0 : i32
    %dma_wait3A_90 = arith.constant 0 : i32
    %dma_wait3A_91 = tpu.memref_slice %arg7[%arg1, %dma_wait3A_89, %dma_wait3A_90] : memref<16x112x96xi32, #tpu.memory_space<hbm>> -> memref<1x1x96xi32, #tpu.memory_space<hbm>>
    %dma_wait3A_92 = tpu.memref_squeeze %dma_wait3A_91 : memref<1x1x96xi32, #tpu.memory_space<hbm>> -> memref<96xi32, #tpu.memory_space<hbm>>
    %dma_wait3A_93 = arith.constant 0 : i32
    %dma_wait3A_94 = tpu.memref_slice %arg7[%arg1, %dma_wait3A_89, %dma_wait3A_93] : memref<16x112x96xi32, #tpu.memory_space<hbm>> -> memref<1x1x96xi32, #tpu.memory_space<hbm>>
    %dma_wait3A_95 = tpu.memref_squeeze %dma_wait3A_94 : memref<1x1x96xi32, #tpu.memory_space<hbm>> -> memref<96xi32, #tpu.memory_space<hbm>>
    tpu.wait_dma2 semaphore(%arg28 : memref<!tpu.dma_semaphore, #tpu.memory_space<semaphore_mem>>) src(%dma_wait3A_95 : memref<96xi32, #tpu.memory_space<hbm>>) dst(%arg20 : memref<96xi32, #tpu.memory_space<vmem>>)
    %barrier3A_96 = arith.constant 0 : index
    tpu.barrier barrier_id(%barrier3A_96)
    "tpu.region"() ({
      %run_scoped3A_97 = tpu.sem_alloc : memref<!tpu.dma_semaphore, #tpu.memory_space<semaphore_mem>>
      %dma_start3A_98 = arith.constant 0 : i32
      %dma_start3A_99 = tpu.memref_slice %arg8[%arg0, %multiple_of3A, %dma_start3A_98] : memref<2x10000x128xf32, #tpu.memory_space<hbm>> -> memref<1x640x128xf32, #tpu.memory_space<hbm>>
      %dma_start3A_100 = tpu.memref_squeeze %dma_start3A_99 : memref<1x640x128xf32, #tpu.memory_space<hbm>> -> memref<640x128xf32, #tpu.memory_space<hbm>>
      %dma_start3A_101 = arith.constant 0 : i32
      %dma_start3A_102 = tpu.memref_slice %arg10[%multiple_of3A, %dma_start3A_101] : memref<10000x128xf32, #tpu.memory_space<vmem_shared>> -> memref<640x128xf32, #tpu.memory_space<vmem_shared>>
      tpu.enqueue_dma source(%dma_start3A_102 : memref<640x128xf32, #tpu.memory_space<vmem_shared>>) target(%dma_start3A_100 : memref<640x128xf32, #tpu.memory_space<hbm>>) target_semaphore(%run_scoped3A_97 : memref<!tpu.dma_semaphore, #tpu.memory_space<semaphore_mem>>)
      %dma_wait3A_103 = arith.constant 0 : i32
      %dma_wait3A_104 = tpu.memref_slice %arg8[%arg0, %multiple_of3A, %dma_wait3A_103] : memref<2x10000x128xf32, #tpu.memory_space<hbm>> -> memref<1x640x128xf32, #tpu.memory_space<hbm>>
      %dma_wait3A_105 = tpu.memref_squeeze %dma_wait3A_104 : memref<1x640x128xf32, #tpu.memory_space<hbm>> -> memref<640x128xf32, #tpu.memory_space<hbm>>
      %dma_wait3A_106 = arith.constant 0 : i32
      %dma_wait3A_107 = tpu.memref_slice %arg10[%multiple_of3A, %dma_wait3A_106] : memref<10000x128xf32, #tpu.memory_space<vmem_shared>> -> memref<640x128xf32, #tpu.memory_space<vmem_shared>>
      tpu.wait_dma2 semaphore(%run_scoped3A_97 : memref<!tpu.dma_semaphore, #tpu.memory_space<semaphore_mem>>) src(%dma_wait3A_107 : memref<640x128xf32, #tpu.memory_space<vmem_shared>>) dst(%dma_wait3A_105 : memref<640x128xf32, #tpu.memory_space<hbm>>)
      tpu.yield
    }) : () -> ()
    "tpu.region"() ({
      %run_scoped3A_97 = tpu.sem_alloc : memref<!tpu.dma_semaphore, #tpu.memory_space<semaphore_mem>>
      %dma_start3A_98 = tpu.memref_slice %arg9[%arg0, %multiple_of3A] : memref<2x10000xf32, #tpu.memory_space<hbm>> -> memref<1x640xf32, #tpu.memory_space<hbm>>
      %dma_start3A_99 = tpu.memref_squeeze %dma_start3A_98 : memref<1x640xf32, #tpu.memory_space<hbm>> -> memref<640xf32, #tpu.memory_space<hbm>>
      %dma_start3A_100 = tpu.memref_slice %arg11[%multiple_of3A] : memref<10000xf32, #tpu.memory_space<vmem_shared>> -> memref<640xf32, #tpu.memory_space<vmem_shared>>
      tpu.enqueue_dma source(%dma_start3A_100 : memref<640xf32, #tpu.memory_space<vmem_shared>>) target(%dma_start3A_99 : memref<640xf32, #tpu.memory_space<hbm>>) target_semaphore(%run_scoped3A_97 : memref<!tpu.dma_semaphore, #tpu.memory_space<semaphore_mem>>)
      %dma_wait3A_101 = tpu.memref_slice %arg9[%arg0, %multiple_of3A] : memref<2x10000xf32, #tpu.memory_space<hbm>> -> memref<1x640xf32, #tpu.memory_space<hbm>>
      %dma_wait3A_102 = tpu.memref_squeeze %dma_wait3A_101 : memref<1x640xf32, #tpu.memory_space<hbm>> -> memref<640xf32, #tpu.memory_space<hbm>>
      %dma_wait3A_103 = tpu.memref_slice %arg11[%multiple_of3A] : memref<10000xf32, #tpu.memory_space<vmem_shared>> -> memref<640xf32, #tpu.memory_space<vmem_shared>>
      tpu.wait_dma2 semaphore(%run_scoped3A_97 : memref<!tpu.dma_semaphore, #tpu.memory_space<semaphore_mem>>) src(%dma_wait3A_103 : memref<640xf32, #tpu.memory_space<vmem_shared>>) dst(%dma_wait3A_102 : memref<640xf32, #tpu.memory_space<hbm>>)
      tpu.yield
    }) : () -> ()
    return
  }
}

module attributes {stable_mosaic.version = 14 : i64} {
  func.func @_prep_body(%arg0: i32, %arg1: memref<5000x128xf32, #tpu.memory_space<vmem>>, %arg2: memref<128x128xf32, #tpu.memory_space<vmem>>, %arg3: memref<1x128xf32, #tpu.memory_space<vmem>>, %arg4: memref<1x128xf32, #tpu.memory_space<vmem>>, %arg5: memref<5000x128xf32, #tpu.memory_space<vmem>>, %arg6: memref<5000x1xf32, #tpu.memory_space<vmem>>, %arg7: memref<5000x1xf32, #tpu.memory_space<vmem>>, %arg8: memref<1x1xf32, #tpu.memory_space<vmem>>) attributes {dimension_semantics = [#tpu.dimension_semantics<arbitrary>], iteration_bounds = array<i64: 4>, scalar_prefetch = 0 : i64, scratch_operands = 0 : i64, tpu.core_type = #tpu.core_type<tc>, window_params = [{transform_indices = @transform_0, window_bounds = array<i64: 5000, 128>}, {pipeline_mode = #tpu.pipeline_mode<synchronous>, transform_indices = @transform_1, window_bounds = array<i64: 128, 128>}, {pipeline_mode = #tpu.pipeline_mode<synchronous>, transform_indices = @transform_2, window_bounds = array<i64: 1, 128>}, {pipeline_mode = #tpu.pipeline_mode<synchronous>, transform_indices = @transform_3, window_bounds = array<i64: 1, 128>}, {transform_indices = @transform_4, window_bounds = array<i64: 5000, 128>}, {transform_indices = @transform_5, window_bounds = array<i64: 5000, 1>}, {transform_indices = @transform_6, window_bounds = array<i64: 5000, 1>}, {pipeline_mode = #tpu.pipeline_mode<synchronous>, transform_indices = @transform_7, window_bounds = array<i64: 1, 1>}]} {
    %get3A = arith.constant 0 : index
    %get3A_0 = arith.constant 0 : index
    %get3A_1 = vector.load %arg1[%get3A, %get3A_0] : memref<5000x128xf32, #tpu.memory_space<vmem>>, vector<5000x128xf32>
    %get3A_2 = arith.constant 0 : index
    %get3A_3 = arith.constant 0 : index
    %get3A_4 = vector.load %arg2[%get3A_2, %get3A_3] : memref<128x128xf32, #tpu.memory_space<vmem>>, vector<128x128xf32>
    %dot_general3A = arith.constant dense<0.000000e+00> : vector<5000x128xf32>
    %dot_general3A_5 = tpu.matmul %get3A_1, %get3A_4, %dot_general3A {dimension_numbers = #tpu.dot_dimension_numbers<[1], [0], [0], [1], [0, 0, 1, 1], [], []>, transpose_lhs_hint = false} : vector<5000x128xf32>, vector<128x128xf32>, vector<5000x128xf32> -> vector<5000x128xf32>
    %swap3A = arith.constant 0 : index
    %swap3A_6 = arith.constant 0 : index
    %swap3A_7 = vector.load %arg5[%swap3A, %swap3A_6] : memref<5000x128xf32, #tpu.memory_space<vmem>>, vector<5000x128xf32>
    tpu.vector_store %arg5[%swap3A, %swap3A_6], %dot_general3A_5 {strides = array<i32>} : memref<5000x128xf32, #tpu.memory_space<vmem>>, vector<5000x128xf32>,
    %get3A_8 = arith.constant 0 : index
    %get3A_9 = arith.constant 0 : index
    %get3A_10 = vector.load %arg3[%get3A_8, %get3A_9] : memref<1x128xf32, #tpu.memory_space<vmem>>, vector<1x128xf32>
    %mul3A = vector.broadcast %get3A_10 : vector<1x128xf32> to vector<5000x128xf32>
    %mul3A_11 = arith.mulf %dot_general3A_5, %mul3A : vector<5000x128xf32>
    %reduce_sum3A = arith.constant dense<0.000000e+00> : vector<5000xf32>
    %reduce_sum3A_12 = vector.multi_reduction <add>, %mul3A_11, %reduce_sum3A [1] : vector<5000x128xf32> to vector<5000xf32>
    %broadcast_in_dim3A = vector.shape_cast %reduce_sum3A_12 : vector<5000xf32> to vector<5000x1xf32>
    %get3A_13 = arith.constant 0 : index
    %get3A_14 = arith.constant 0 : index
    %get3A_15 = vector.load %arg4[%get3A_13, %get3A_14] : memref<1x128xf32, #tpu.memory_space<vmem>>, vector<1x128xf32>
    %mul3A_16 = vector.broadcast %get3A_15 : vector<1x128xf32> to vector<5000x128xf32>
    %mul3A_17 = arith.mulf %dot_general3A_5, %mul3A_16 : vector<5000x128xf32>
    %reduce_sum3A_18 = arith.constant dense<0.000000e+00> : vector<5000xf32>
    %reduce_sum3A_19 = vector.multi_reduction <add>, %mul3A_17, %reduce_sum3A_18 [1] : vector<5000x128xf32> to vector<5000xf32>
    %broadcast_in_dim3A_20 = vector.shape_cast %reduce_sum3A_19 : vector<5000xf32> to vector<5000x1xf32>
    %swap3A_21 = arith.constant 0 : index
    %swap3A_22 = arith.constant 0 : index
    %swap3A_23 = vector.load %arg6[%swap3A_21, %swap3A_22] : memref<5000x1xf32, #tpu.memory_space<vmem>>, vector<5000x1xf32>
    tpu.vector_store %arg6[%swap3A_21, %swap3A_22], %broadcast_in_dim3A {strides = array<i32>} : memref<5000x1xf32, #tpu.memory_space<vmem>>, vector<5000x1xf32>,
    %swap3A_24 = arith.constant 0 : index
    %swap3A_25 = arith.constant 0 : index
    %swap3A_26 = vector.load %arg7[%swap3A_24, %swap3A_25] : memref<5000x1xf32, #tpu.memory_space<vmem>>, vector<5000x1xf32>
    tpu.vector_store %arg7[%swap3A_24, %swap3A_25], %broadcast_in_dim3A_20 {strides = array<i32>} : memref<5000x1xf32, #tpu.memory_space<vmem>>, vector<5000x1xf32>,
    %reduce_max3A = vector.shape_cast %broadcast_in_dim3A : vector<5000x1xf32> to vector<1x5000x1xf32>
    %reduce_max3A_27 = arith.constant dense<0xFF800000> : vector<1xf32>
    %reduce_max3A_28 = vector.multi_reduction <maximumf>, %reduce_max3A, %reduce_max3A_27 [1, 2] : vector<1x5000x1xf32> to vector<1xf32>
    %reduce_max3A_29 = vector.shape_cast %reduce_max3A_28 : vector<1xf32> to vector<1x1x1xf32>
    %reduce_max3A_30 = vector.extract %reduce_max3A_29[0, 0, 0] : f32 from vector<1x1x1xf32>
    %reshape3A = vector.broadcast %reduce_max3A_30 : f32 to vector<1x1xf32>
    %eq3A = arith.constant 0 : i32
    %eq3A_31 = arith.cmpi eq, %arg0, %eq3A : i32
    %convert_element_type3A = arith.extui %eq3A_31 : i1 to i32
    %cond3A = arith.constant 0 : i32
    %cond3A_32 = arith.cmpi ne, %convert_element_type3A, %cond3A : i32
    scf.if %cond3A_32 {
      %swap3A_37 = arith.constant 0 : index
      %swap3A_38 = arith.constant 0 : index
      %swap3A_39 = vector.load %arg8[%swap3A_37, %swap3A_38] : memref<1x1xf32, #tpu.memory_space<vmem>>, vector<1x1xf32>
      tpu.vector_store %arg8[%swap3A_37, %swap3A_38], %reshape3A {strides = array<i32>} : memref<1x1xf32, #tpu.memory_space<vmem>>, vector<1x1xf32>,
    } else {
    }
    %gt3A = arith.constant 0 : i32
    %gt3A_33 = arith.cmpi sgt, %arg0, %gt3A : i32
    %convert_element_type3A_34 = arith.extui %gt3A_33 : i1 to i32
    %cond3A_35 = arith.constant 0 : i32
    %cond3A_36 = arith.cmpi ne, %convert_element_type3A_34, %cond3A_35 : i32
    scf.if %cond3A_36 {
      %get3A_37 = arith.constant 0 : index
      %get3A_38 = arith.constant 0 : index
      %get3A_39 = vector.load %arg8[%get3A_37, %get3A_38] : memref<1x1xf32, #tpu.memory_space<vmem>>, vector<1x1xf32>
      %max3A = arith.maximumf %get3A_39, %reshape3A : vector<1x1xf32>
      %swap3A_40 = arith.constant 0 : index
      %swap3A_41 = arith.constant 0 : index
      %swap3A_42 = vector.load %arg8[%swap3A_40, %swap3A_41] : memref<1x1xf32, #tpu.memory_space<vmem>>, vector<1x1xf32>
      tpu.vector_store %arg8[%swap3A_40, %swap3A_41], %max3A {strides = array<i32>} : memref<1x1xf32, #tpu.memory_space<vmem>>, vector<1x1xf32>,
    } else {
    }
    return
  }
  func.func @transform_0(%arg0: i32) -> (i32, i32) {
    %c0_i32 = arith.constant 0 : i32
    %c0_i32_0 = arith.constant 0 : i32
    return %arg0, %c0_i32 : i32, i32
  }
  func.func @transform_1(%arg0: i32) -> (i32, i32) {
    %c0_i32 = arith.constant 0 : i32
    %c0_i32_0 = arith.constant 0 : i32
    %c0_i32_1 = arith.constant 0 : i32
    return %c0_i32, %c0_i32_0 : i32, i32
  }
  func.func @transform_2(%arg0: i32) -> (i32, i32) {
    %c0_i32 = arith.constant 0 : i32
    %c0_i32_0 = arith.constant 0 : i32
    %c0_i32_1 = arith.constant 0 : i32
    return %c0_i32, %c0_i32_0 : i32, i32
  }
  func.func @transform_3(%arg0: i32) -> (i32, i32) {
    %c0_i32 = arith.constant 0 : i32
    %c0_i32_0 = arith.constant 0 : i32
    %c0_i32_1 = arith.constant 0 : i32
    return %c0_i32, %c0_i32_0 : i32, i32
  }
  func.func @transform_4(%arg0: i32) -> (i32, i32) {
    %c0_i32 = arith.constant 0 : i32
    %c0_i32_0 = arith.constant 0 : i32
    return %arg0, %c0_i32 : i32, i32
  }
  func.func @transform_5(%arg0: i32) -> (i32, i32) {
    %c0_i32 = arith.constant 0 : i32
    %c0_i32_0 = arith.constant 0 : i32
    return %arg0, %c0_i32 : i32, i32
  }
  func.func @transform_6(%arg0: i32) -> (i32, i32) {
    %c0_i32 = arith.constant 0 : i32
    %c0_i32_0 = arith.constant 0 : i32
    return %arg0, %c0_i32 : i32, i32
  }
  func.func @transform_7(%arg0: i32) -> (i32, i32) {
    %c0_i32 = arith.constant 0 : i32
    %c0_i32_0 = arith.constant 0 : i32
    %c0_i32_1 = arith.constant 0 : i32
    return %c0_i32, %c0_i32_0 : i32, i32
  }
}

module attributes {stable_mosaic.version = 14 : i64} {
  func.func @_dec_body(%arg0: i32, %arg1: memref<5000x128xf32, #tpu.memory_space<vmem>>, %arg2: memref<5000x1xf32, #tpu.memory_space<vmem>>, %arg3: memref<5000x1xi32, #tpu.memory_space<vmem>>, %arg4: memref<1x128xf32, #tpu.memory_space<vmem>>, %arg5: memref<128x8xf32, #tpu.memory_space<vmem>>, %arg6: memref<1x8xf32, #tpu.memory_space<vmem>>, %arg7: memref<5000x1xf32, #tpu.memory_space<vmem>>, %arg8: memref<5000x1xi32, #tpu.memory_space<vmem>>, %arg9: memref<1x1xf32, #tpu.memory_space<vmem>>, %arg10: memref<1x1xf32, #tpu.memory_space<vmem>>) attributes {dimension_semantics = [#tpu.dimension_semantics<arbitrary>], iteration_bounds = array<i64: 4>, scalar_prefetch = 0 : i64, scratch_operands = 0 : i64, tpu.core_type = #tpu.core_type<tc>, window_params = [{transform_indices = @transform_0, window_bounds = array<i64: 5000, 128>}, {transform_indices = @transform_1, window_bounds = array<i64: 5000, 1>}, {transform_indices = @transform_2, window_bounds = array<i64: 5000, 1>}, {pipeline_mode = #tpu.pipeline_mode<synchronous>, transform_indices = @transform_3, window_bounds = array<i64: 1, 128>}, {pipeline_mode = #tpu.pipeline_mode<synchronous>, transform_indices = @transform_4, window_bounds = array<i64: 128, 8>}, {pipeline_mode = #tpu.pipeline_mode<synchronous>, transform_indices = @transform_5, window_bounds = array<i64: 1, 8>}, {transform_indices = @transform_6, window_bounds = array<i64: 5000, 1>}, {transform_indices = @transform_7, window_bounds = array<i64: 5000, 1>}, {pipeline_mode = #tpu.pipeline_mode<synchronous>, transform_indices = @transform_8, window_bounds = array<i64: 1, 1>}, {pipeline_mode = #tpu.pipeline_mode<synchronous>, transform_indices = @transform_9, window_bounds = array<i64: 1, 1>}]} {
    %get3A = arith.constant 0 : index
    %get3A_0 = arith.constant 0 : index
    %get3A_1 = vector.load %arg1[%get3A, %get3A_0] : memref<5000x128xf32, #tpu.memory_space<vmem>>, vector<5000x128xf32>
    %get3A_2 = arith.constant 0 : index
    %get3A_3 = arith.constant 0 : index
    %get3A_4 = vector.load %arg2[%get3A_2, %get3A_3] : memref<5000x1xf32, #tpu.memory_space<vmem>>, vector<5000x1xf32>
    %add3A = arith.constant 1.000000e-16 : f32
    %add3A_5 = vector.broadcast %add3A : f32 to vector<5000x1xf32>
    %add3A_6 = arith.addf %get3A_4, %add3A_5 : vector<5000x1xf32>
    %div3A = vector.broadcast %add3A_6 : vector<5000x1xf32> to vector<5000x128xf32>
    %div3A_7 = arith.divf %get3A_1, %div3A : vector<5000x128xf32>
    %get3A_8 = arith.constant 0 : index
    %get3A_9 = arith.constant 0 : index
    %get3A_10 = vector.load %arg4[%get3A_8, %get3A_9] : memref<1x128xf32, #tpu.memory_space<vmem>>, vector<1x128xf32>
    %add3A_11 = vector.broadcast %get3A_10 : vector<1x128xf32> to vector<5000x128xf32>
    %add3A_12 = arith.addf %div3A_7, %add3A_11 : vector<5000x128xf32>
    %convert_element_type3A = arith.truncf %add3A_12 : vector<5000x128xf32> to vector<5000x128xbf16>
    %get3A_13 = arith.constant 0 : index
    %get3A_14 = arith.constant 0 : index
    %get3A_15 = vector.load %arg5[%get3A_13, %get3A_14] : memref<128x8xf32, #tpu.memory_space<vmem>>, vector<128x8xf32>
    %convert_element_type3A_16 = arith.truncf %get3A_15 : vector<128x8xf32> to vector<128x8xbf16>
    %dot_general3A = arith.constant dense<0.000000e+00> : vector<5000x8xf32>
    %dot_general3A_17 = tpu.matmul %convert_element_type3A, %convert_element_type3A_16, %dot_general3A {dimension_numbers = #tpu.dot_dimension_numbers<[1], [0], [0], [1], [0, 0, 1, 1], [], []>, transpose_lhs_hint = false} : vector<5000x128xbf16>, vector<128x8xbf16>, vector<5000x8xf32> -> vector<5000x8xf32>
    %get3A_18 = arith.constant 0 : index
    %get3A_19 = arith.constant 0 : index
    %get3A_20 = vector.load %arg6[%get3A_18, %get3A_19] : memref<1x8xf32, #tpu.memory_space<vmem>>, vector<1x8xf32>
    %add3A_21 = vector.broadcast %get3A_20 : vector<1x8xf32> to vector<5000x8xf32>
    %add3A_22 = arith.addf %dot_general3A_17, %add3A_21 : vector<5000x8xf32>
    %reduce_max3A = arith.constant dense<0xFF800000> : vector<5000xf32>
    %reduce_max3A_23 = vector.multi_reduction <maximumf>, %add3A_22, %reduce_max3A [1] : vector<5000x8xf32> to vector<5000xf32>
    %broadcast_in_dim3A = vector.shape_cast %reduce_max3A_23 : vector<5000xf32> to vector<5000x1xf32>
    %swap3A = arith.constant 0 : index
    %swap3A_24 = arith.constant 0 : index
    %swap3A_25 = vector.load %arg7[%swap3A, %swap3A_24] : memref<5000x1xf32, #tpu.memory_space<vmem>>, vector<5000x1xf32>
    tpu.vector_store %arg7[%swap3A, %swap3A_24], %broadcast_in_dim3A {strides = array<i32>} : memref<5000x1xf32, #tpu.memory_space<vmem>>, vector<5000x1xf32>,
    %iota3A = tpu.iota {dimensions = array<i32: 1>} : vector<5000x8xi32>
    %eq3A = vector.broadcast %broadcast_in_dim3A : vector<5000x1xf32> to vector<5000x8xf32>
    %eq3A_26 = arith.cmpf oeq, %add3A_22, %eq3A : vector<5000x8xf32>
    %jit3A = arith.constant 8 : i32
    %broadcast_in_dim3A_27 = vector.broadcast %jit3A : i32 to vector<5000x8xi32>
    %select_n3A = arith.select %eq3A_26, %iota3A, %broadcast_in_dim3A_27 : vector<5000x8xi1>, vector<5000x8xi32>
    %reduce_min3A = arith.constant dense<2147483647> : vector<5000xi32>
    %reduce_min3A_28 = vector.multi_reduction <minsi>, %select_n3A, %reduce_min3A [1] : vector<5000x8xi32> to vector<5000xi32>
    %broadcast_in_dim3A_29 = vector.shape_cast %reduce_min3A_28 : vector<5000xi32> to vector<5000x1xi32>
    %swap3A_30 = arith.constant 0 : index
    %swap3A_31 = arith.constant 0 : index
    %swap3A_32 = vector.load %arg8[%swap3A_30, %swap3A_31] : memref<5000x1xi32, #tpu.memory_space<vmem>>, vector<5000x1xi32>
    tpu.vector_store %arg8[%swap3A_30, %swap3A_31], %broadcast_in_dim3A_29 {strides = array<i32>} : memref<5000x1xi32, #tpu.memory_space<vmem>>, vector<5000x1xi32>,
    %squeeze3A = vector.shape_cast %broadcast_in_dim3A : vector<5000x1xf32> to vector<5000xf32>
    %sub3A = vector.broadcast %broadcast_in_dim3A : vector<5000x1xf32> to vector<5000x8xf32>
    %sub3A_33 = arith.subf %add3A_22, %sub3A : vector<5000x8xf32>
    %exp3A = math.exp %sub3A_33 : vector<5000x8xf32>
    %reduce_sum3A = arith.constant dense<0.000000e+00> : vector<5000xf32>
    %reduce_sum3A_34 = vector.multi_reduction <add>, %exp3A, %reduce_sum3A [1] : vector<5000x8xf32> to vector<5000xf32>
    %log3A = math.log %reduce_sum3A_34 : vector<5000xf32>
    %add3A_35 = arith.addf %squeeze3A, %log3A : vector<5000xf32>
    %get3A_36 = arith.constant 0 : index
    %get3A_37 = arith.constant 0 : index
    %get3A_38 = vector.load %arg3[%get3A_36, %get3A_37] : memref<5000x1xi32, #tpu.memory_space<vmem>>, vector<5000x1xi32>
    %squeeze3A_39 = vector.shape_cast %get3A_38 : vector<5000x1xi32> to vector<5000xi32>
    %ge3A = arith.constant 0 : i32
    %ge3A_40 = vector.broadcast %ge3A : i32 to vector<5000xi32>
    %ge3A_41 = arith.cmpi sge, %squeeze3A_39, %ge3A_40 : vector<5000xi32>
    %jit3A_42 = arith.constant 0 : i32
    %broadcast_in_dim3A_43 = vector.broadcast %jit3A_42 : i32 to vector<5000xi32>
    %select_n3A_44 = arith.select %ge3A_41, %squeeze3A_39, %broadcast_in_dim3A_43 : vector<5000xi1>, vector<5000xi32>
    %broadcast_in_dim3A_45 = vector.shape_cast %select_n3A_44 : vector<5000xi32> to vector<5000x1xi32>
    %eq3A_46 = vector.broadcast %broadcast_in_dim3A_45 : vector<5000x1xi32> to vector<5000x8xi32>
    %eq3A_47 = arith.cmpi eq, %iota3A, %eq3A_46 : vector<5000x8xi32>
    %jit3A_48 = arith.constant 0.000000e+00 : f32
    %broadcast_in_dim3A_49 = vector.broadcast %jit3A_48 : f32 to vector<5000x8xf32>
    %select_n3A_50 = arith.select %eq3A_47, %add3A_22, %broadcast_in_dim3A_49 : vector<5000x8xi1>, vector<5000x8xf32>
    %reduce_sum3A_51 = arith.constant dense<0.000000e+00> : vector<5000xf32>
    %reduce_sum3A_52 = vector.multi_reduction <add>, %select_n3A_50, %reduce_sum3A_51 [1] : vector<5000x8xf32> to vector<5000xf32>
    %sub3A_53 = arith.subf %add3A_35, %reduce_sum3A_52 : vector<5000xf32>
    %jit3A_54 = arith.constant 0.000000e+00 : f32
    %broadcast_in_dim3A_55 = vector.broadcast %jit3A_54 : f32 to vector<5000xf32>
    %select_n3A_56 = arith.select %ge3A_41, %sub3A_53, %broadcast_in_dim3A_55 : vector<5000xi1>, vector<5000xf32>
    %reduce_sum3A_57 = vector.shape_cast %select_n3A_56 : vector<5000xf32> to vector<1x5000xf32>
    %reduce_sum3A_58 = arith.constant dense<0.000000e+00> : vector<1xf32>
    %reduce_sum3A_59 = vector.multi_reduction <add>, %reduce_sum3A_57, %reduce_sum3A_58 [1] : vector<1x5000xf32> to vector<1xf32>
    %reduce_sum3A_60 = vector.shape_cast %reduce_sum3A_59 : vector<1xf32> to vector<1x1xf32>
    %reduce_sum3A_61 = vector.extract %reduce_sum3A_60[0, 0] : f32 from vector<1x1xf32>
    %reshape3A = vector.broadcast %reduce_sum3A_61 : f32 to vector<1x1xf32>
    %convert_element_type3A_62 = arith.extui %ge3A_41 : vector<5000xi1> to vector<5000xi32>
    %convert_element_type3A_63 = arith.sitofp %convert_element_type3A_62 : vector<5000xi32> to vector<5000xf32>
    %reduce_sum3A_64 = vector.shape_cast %convert_element_type3A_63 : vector<5000xf32> to vector<1x5000xf32>
    %reduce_sum3A_65 = arith.constant dense<0.000000e+00> : vector<1xf32>
    %reduce_sum3A_66 = vector.multi_reduction <add>, %reduce_sum3A_64, %reduce_sum3A_65 [1] : vector<1x5000xf32> to vector<1xf32>
    %reduce_sum3A_67 = vector.shape_cast %reduce_sum3A_66 : vector<1xf32> to vector<1x1xf32>
    %reduce_sum3A_68 = vector.extract %reduce_sum3A_67[0, 0] : f32 from vector<1x1xf32>
    %reshape3A_69 = vector.broadcast %reduce_sum3A_68 : f32 to vector<1x1xf32>
    %eq3A_70 = arith.constant 0 : i32
    %eq3A_71 = arith.cmpi eq, %arg0, %eq3A_70 : i32
    %convert_element_type3A_72 = arith.extui %eq3A_71 : i1 to i32
    %cond3A = arith.constant 0 : i32
    %cond3A_73 = arith.cmpi ne, %convert_element_type3A_72, %cond3A : i32
    scf.if %cond3A_73 {
      %swap3A_78 = arith.constant 0 : index
      %swap3A_79 = arith.constant 0 : index
      %swap3A_80 = vector.load %arg9[%swap3A_78, %swap3A_79] : memref<1x1xf32, #tpu.memory_space<vmem>>, vector<1x1xf32>
      tpu.vector_store %arg9[%swap3A_78, %swap3A_79], %reshape3A {strides = array<i32>} : memref<1x1xf32, #tpu.memory_space<vmem>>, vector<1x1xf32>,
      %swap3A_81 = arith.constant 0 : index
      %swap3A_82 = arith.constant 0 : index
      %swap3A_83 = vector.load %arg10[%swap3A_81, %swap3A_82] : memref<1x1xf32, #tpu.memory_space<vmem>>, vector<1x1xf32>
      tpu.vector_store %arg10[%swap3A_81, %swap3A_82], %reshape3A_69 {strides = array<i32>} : memref<1x1xf32, #tpu.memory_space<vmem>>, vector<1x1xf32>,
    } else {
    }
    %gt3A = arith.constant 0 : i32
    %gt3A_74 = arith.cmpi sgt, %arg0, %gt3A : i32
    %convert_element_type3A_75 = arith.extui %gt3A_74 : i1 to i32
    %cond3A_76 = arith.constant 0 : i32
    %cond3A_77 = arith.cmpi ne, %convert_element_type3A_75, %cond3A_76 : i32
    scf.if %cond3A_77 {
      %get3A_78 = arith.constant 0 : index
      %get3A_79 = arith.constant 0 : index
      %get3A_80 = vector.load %arg9[%get3A_78, %get3A_79] : memref<1x1xf32, #tpu.memory_space<vmem>>, vector<1x1xf32>
      %add3A_81 = arith.addf %get3A_80, %reshape3A : vector<1x1xf32>
      %swap3A_82 = arith.constant 0 : index
      %swap3A_83 = arith.constant 0 : index
      %swap3A_84 = vector.load %arg9[%swap3A_82, %swap3A_83] : memref<1x1xf32, #tpu.memory_space<vmem>>, vector<1x1xf32>
      tpu.vector_store %arg9[%swap3A_82, %swap3A_83], %add3A_81 {strides = array<i32>} : memref<1x1xf32, #tpu.memory_space<vmem>>, vector<1x1xf32>,
      %get3A_85 = arith.constant 0 : index
      %get3A_86 = arith.constant 0 : index
      %get3A_87 = vector.load %arg10[%get3A_85, %get3A_86] : memref<1x1xf32, #tpu.memory_space<vmem>>, vector<1x1xf32>
      %add3A_88 = arith.addf %get3A_87, %reshape3A_69 : vector<1x1xf32>
      %swap3A_89 = arith.constant 0 : index
      %swap3A_90 = arith.constant 0 : index
      %swap3A_91 = vector.load %arg10[%swap3A_89, %swap3A_90] : memref<1x1xf32, #tpu.memory_space<vmem>>, vector<1x1xf32>
      tpu.vector_store %arg10[%swap3A_89, %swap3A_90], %add3A_88 {strides = array<i32>} : memref<1x1xf32, #tpu.memory_space<vmem>>, vector<1x1xf32>,
    } else {
    }
    return
  }
  func.func @transform_0(%arg0: i32) -> (i32, i32) {
    %c0_i32 = arith.constant 0 : i32
    %c0_i32_0 = arith.constant 0 : i32
    return %arg0, %c0_i32 : i32, i32
  }
  func.func @transform_1(%arg0: i32) -> (i32, i32) {
    %c0_i32 = arith.constant 0 : i32
    %c0_i32_0 = arith.constant 0 : i32
    return %arg0, %c0_i32 : i32, i32
  }
  func.func @transform_2(%arg0: i32) -> (i32, i32) {
    %c0_i32 = arith.constant 0 : i32
    %c0_i32_0 = arith.constant 0 : i32
    return %arg0, %c0_i32 : i32, i32
  }
  func.func @transform_3(%arg0: i32) -> (i32, i32) {
    %c0_i32 = arith.constant 0 : i32
    %c0_i32_0 = arith.constant 0 : i32
    %c0_i32_1 = arith.constant 0 : i32
    return %c0_i32, %c0_i32_0 : i32, i32
  }
  func.func @transform_4(%arg0: i32) -> (i32, i32) {
    %c0_i32 = arith.constant 0 : i32
    %c0_i32_0 = arith.constant 0 : i32
    %c0_i32_1 = arith.constant 0 : i32
    return %c0_i32, %c0_i32_0 : i32, i32
  }
  func.func @transform_5(%arg0: i32) -> (i32, i32) {
    %c0_i32 = arith.constant 0 : i32
    %c0_i32_0 = arith.constant 0 : i32
    %c0_i32_1 = arith.constant 0 : i32
    return %c0_i32, %c0_i32_0 : i32, i32
  }
  func.func @transform_6(%arg0: i32) -> (i32, i32) {
    %c0_i32 = arith.constant 0 : i32
    %c0_i32_0 = arith.constant 0 : i32
    return %arg0, %c0_i32 : i32, i32
  }
  func.func @transform_7(%arg0: i32) -> (i32, i32) {
    %c0_i32 = arith.constant 0 : i32
    %c0_i32_0 = arith.constant 0 : i32
    return %arg0, %c0_i32 : i32, i32
  }
  func.func @transform_8(%arg0: i32) -> (i32, i32) {
    %c0_i32 = arith.constant 0 : i32
    %c0_i32_0 = arith.constant 0 : i32
    %c0_i32_1 = arith.constant 0 : i32
    return %c0_i32, %c0_i32_0 : i32, i32
  }
  func.func @transform_9(%arg0: i32) -> (i32, i32) {
    %c0_i32 = arith.constant 0 : i32
    %c0_i32_0 = arith.constant 0 : i32
    %c0_i32_1 = arith.constant 0 : i32
    return %c0_i32, %c0_i32_0 : i32, i32
  }
}

</mosaic_0001>

<sc_bundles>
// kernel: kernel.5.cloned.1.call-start
scs
__scs_entry_jumppad:
0x0: {  	(pc) =	sbr.rel $0x88, $3  }
0x1: {  	(tag) =	ssettag $0x0;
	lr =	simm.s32 $0x1  }
0x2: {  	[smem:$0x3F98] =	sst lr;
	_ =	strace $0xD0000000  }
0x3: {  	_ = 	snop  }
0x4: {  	_ = 	snop  }
0x5: {  	_ = 	snop  }
0x6: {  	_ = 	snop  }
0x7: {  	_ = 	snop  }
__scs_overlays_trampoline_lowered:
0x8: {  	[smem:$0x3FA7] =	sst s0  }
0x9: {  	[smem:$0x3FA8] =	sst s1  }
0xa: {  	[smem:$0x3FA9] =	sst s2  }
0xb: {  	[smem:$0x3FAA] =	sst s3  }
0xc: {  	[smem:$0x3FAB] =	sst s4  }
0xd: {  	[smem:$0x3FAC] =	sst s5  }
0xe: {  	[smem:$0x3FAD] =	sst s6  }
0xf: {  	[smem:$0x3FAE] =	sst s7  }
0x10: {  	[smem:$0x3FAF] =	sst s8  }
0x11: {  	[smem:$0x3FB0] =	sst s9;
	s0 =	simm.s32 @!p0 $0x0  }
0x12: {  	s1 =	sld [smem:$0x3F96];
	s0 =	simm.s32 @p0 $0x1  }
0x13: {  	[smem:$0x3FB1] =	sst s0;
	s0 =	simm.s32 @!p1 $0x0  }
0x14: {  	s2 =	sld [smem:$0x3F95];
	s0 =	simm.s32 @p1 $0x1  }
0x15: {  	[smem:$0x3FB2] =	sst s0;
	s0 =	simm.s32 @!p2 $0x0  }
0x16: {  	s3 =	sld [smem:$0x3FDB];
	s0 =	simm.s32 @p2 $0x1  }
0x17: {  	s4 =	simm.s32 $0x1BF5;
	[smem:$0x3FB4] =	sst s0  }
0x18: {  	s0 =	sld [smem:$0x3F97];
	_ =	swait.ge [sflag:s4], $0x0  }
0x19: {  	s7 =	sld [smem:$0x3F98]  }
0x1a: {  	s8 =	sadd.s32 $0xFFFFE003, lr  }
0x1b: {  	s9 =	sadd.s32 $0xFFFFFEF7, lr;
	s5 =	simm.s32 $0xFFFFFFFF;
	p2 =	slt.u32 s8, $0xFFFFF086  }
0x1c: {  	p1 =	slt.u32 s9, $0xF7A;
	s5 =	simm.s32 @!p2 $0x0  }
0x1d: {  	s5 =	simm.s32 @p1 $0x1;
	p0 =	seq.s32 s7, s2  }
0x1e: {  	s7 =	smul.u32 @!p0 $0xF7A, s2;
	p2 =	seq.s32 @!p0 s5, $0x0  }
0x1f: {  	s9 =	smul.u32 $0xF7A, s1;
	s8 =	simm.s32 @!p0 $0x1BF5;
	p2 =	por !p2, p0  }
0x20: {  	[sflag:s8] =	ssyncset.s32 @!p0 $0xFFFFF086;
	s6 =	sadd.s32 @!p0 s3, s7;
	s7 =	simm.s32 @!p0 $0x108  }
0x21: {  	s3 =	sadd.s32 s3, s9;
	s6 =	sadd.s32 @!p0 $0x88, s6;
	s7 =	simm.s32 @p2 $0x1082  }
0x22: {  	[simem:s7], [sflag:s8] =	dma.local @!p0 [hbm:s6], $0xF7A  }
0x23: {  	s9 =	sor.u32 $0xD0000000, s2;
	s6 =	simm.s32 $0x108;
	_ =	swait.ge @!p0 [sflag:s8], $0x0  }
0x24: {  	s3 =	sadd.s32 $0x88, s3;
	s6 =	simm.s32 @!p1 $0x1082;
	[sflag:s4] =	ssyncset.s32 $0xFFFFF086  }
0x25: {  	[simem:s6], [sflag:s4] =	dma.local [hbm:s3], $0xF7A  }
0x26: {  	[smem:$0x3F98] =	sst s1;
	(tag) =	ssettag s2;
	_ =	strace s9  }
0x27: {  	s1 =	sld [smem:$0x3FA8]  }
0x28: {  	s2 =	sld [smem:$0x3FA9]  }
0x29: {  	s4 =	sld [smem:$0x3FAB]  }
0x2a: {  	p0 =	seq.s32 s5, $0x0;
	s5 =	sld [smem:$0x3FAC]  }
0x2b: {  	s6 =	sld [smem:$0x3FAD]  }
0x2c: {  	s7 =	sld [smem:$0x3FAE]  }
0x2d: {  	s3 =	simm.s32 $0x108;
	s8 =	sld [smem:$0x3FAF]  }
0x2e: {  	s3 =	simm.s32 @!p0 $0x1082;
	s9 =	sld [smem:$0x3FB0]  }
0x2f: {  	lr =	sadd.s32 s0, s3;
	s0 =	sld [smem:$0x3FA7]  }
0x30: {  	s3 =	sld [smem:$0x3FAA]  }
0x31: {  	[smem:$0x3FB3] =	sst s10  }
0x32: {  	s10 =	sld [smem:$0x3FB1];
	_ =	sdelay $0x3  }
0x33: {  	p0 =	seq.s32 s10, $0x1;
	s10 =	sld [smem:$0x3FB3];
	_ =	sdelay $0x3  }
0x34: {  	[smem:$0x3FB3] =	sst s10  }
0x35: {  	s10 =	sld [smem:$0x3FB2];
	_ =	sdelay $0x3  }
0x36: {  	p1 =	seq.s32 s10, $0x1;
	s10 =	sld [smem:$0x3FB3];
	_ =	sdelay $0x3  }
0x37: {  	[smem:$0x3FB3] =	sst s10  }
0x38: {  	s10 =	sld [smem:$0x3FB4]  }
0x39: {  	_ = 	snop;
	(pc) =	sbr.ind lr, $3  }
0x3a: {  	_ = 	snop  }
0x3b: {  	_ = 	snop  }
0x3c: {  	p2 =	seq.s32 s10, $0x1;
	s10 =	sld [smem:$0x3FB3]  }
0x3d: {  	_ =	shalt  }
0x3e: {  	_ =	shalt  }
0x3f: {  	_ =	shalt  }
0x40: {  	_ =	shalt  }
0x41: {  	_ =	shalt  }
0x42: {  	_ =	shalt  }
0x43: {  	_ =	shalt  }
0x44: {  	_ =	shalt  }
0x45: {  	_ =	shalt  }
0x46: {  	_ =	shalt  }
0x47: {  	_ =	shalt  }
0x48: {  	_ =	shalt  }
0x49: {  	_ =	shalt  }
0x4a: {  	_ =	shalt  }
0x4b: {  	_ =	shalt  }
0x4c: {  	_ =	shalt  }
0x4d: {  	_ =	shalt  }
0x4e: {  	_ =	shalt  }
0x4f: {  	_ =	shalt  }
0x50: {  	_ =	shalt  }
0x51: {  	_ =	shalt  }
0x52: {  	_ =	shalt  }
0x53: {  	_ =	shalt  }
0x54: {  	_ =	shalt  }
0x55: {  	_ =	shalt  }
0x56: {  	_ =	shalt  }
0x57: {  	_ =	shalt  }
0x58: {  	_ =	shalt  }
0x59: {  	_ =	shalt  }
0x5a: {  	_ =	shalt  }
0x5b: {  	_ =	shalt  }
0x5c: {  	_ =	shalt  }
0x5d: {  	_ =	shalt  }
0x5e: {  	_ =	shalt  }
0x5f: {  	_ =	shalt  }
0x60: {  	_ =	shalt  }
0x61: {  	_ =	shalt  }
0x62: {  	_ =	shalt  }
0x63: {  	_ =	shalt  }
0x64: {  	_ =	shalt  }
0x65: {  	_ =	shalt  }
0x66: {  	_ =	shalt  }
0x67: {  	_ =	shalt  }
0x68: {  	_ =	shalt  }
0x69: {  	_ =	shalt  }
0x6a: {  	_ =	shalt  }
0x6b: {  	_ =	shalt  }
0x6c: {  	_ =	shalt  }
0x6d: {  	_ =	shalt  }
0x6e: {  	_ =	shalt  }
0x6f: {  	_ =	shalt  }
0x70: {  	_ =	shalt  }
0x71: {  	_ =	shalt  }
0x72: {  	_ =	shalt  }
0x73: {  	_ =	shalt  }
0x74: {  	_ =	shalt  }
0x75: {  	_ =	shalt  }
0x76: {  	_ =	shalt  }
0x77: {  	_ =	shalt  }
0x78: {  	_ =	shalt  }
0x79: {  	_ =	shalt  }
0x7a: {  	_ =	shalt  }
0x7b: {  	_ =	shalt  }
0x7c: {  	_ =	shalt  }
0x7d: {  	_ =	shalt  }
0x7e: {  	_ =	shalt  }
0x7f: {  	_ =	shalt  }
0x80: {  	_ =	shalt  }
0x81: {  	_ =	shalt  }
0x82: {  	_ =	shalt  }
0x83: {  	_ =	shalt  }
0x84: {  	_ =	shalt  }
0x85: {  	_ =	shalt  }
0x86: {  	_ =	shalt  }
0x87: {  	_ =	shalt  }
.Lfunc_end0:
.L_simem_size_0:
called_computation_lowered:
.L_overlay_start_0:
0x88: {  	s2 =	sld [smem:$0x3FD9]  }
0x89: {  	s3 =	sld [smem:$0x3FFE];
	_ =	sdelay $0x1  }
0x8a: {  	s1 =	srdreg.scid  }
0x8b: {  	s0 =	sand.u32 $0x1, s1  }
0x8c: {  	s14 =	sshll.u32 s0, $0xA;
	s2 =	sadd.s32 s3, s2  }
0x8d: {  	s2 =	sadd.s32 s2, s14  }
0x8e: {  	[smem:$0x3FBF] =	sst s2  }
0x8f: {  	_ = 	snop  }
0x90: {  	s2 =	sld [smem:$0x3FD0];
	_ =	sdelay $0x2  }
0x91: {  	s15 =	simm.s32 $0xA;
	s4 =	simm.s32 $0x10  }
0x92: {  	[smem:s4], [sflag:s15] =	dma.local [hbm:s2], $0x1  }
0x93: {  	_ =	swait.eq [sflag:s15], $0x1  }
0x94: {  	[sflag:s15] =	ssyncset.done $0x0  }
0x95: {  	[sflag:s15] =	ssyncadd.s32 $0xFFFFFFFF  }
0x96: {  	s16 =	sld [smem:$0x11];
	(tm) =	ssettm $0x1  }
0x97: {  	s17 =	sld [smem:$0x3FFB];
	_ =	sdelay $0x3  }
0x98: {  	_ =	strace s17  }
0x99: {  	s3 =	sld [smem:$0x3FFC];
	_ =	sdelay $0x3  }
0x9a: {  	_ =	strace s3  }
0x9b: {  	s3 =	sld [smem:$0x3FFD];
	_ =	sdelay $0x3  }
0x9c: {  	_ =	strace s3  }
0x9d: {  	_ =	strace $0x8FFFFFFF  }
0x9e: {  	s18 =	sld [smem:$0x3FDB];
	_ =	sdelay $0x1  }
0x9f: {  	s19 =	simm.s32 $_scs_section_size  }
0xa0: {  	s5 =	simm.s32 $_size__tile_overlayer_lowered;
	s6 =	simm.s32 $_tile_overlayer_lowered  }
0xa1: {  	s22 =	simm.s32 $0x1BFF;
	s21 =	sshll.u32 s6, $0x1;
	s3 =	sadd.s32 s19, s18  }
0xa2: {  	s7 =	simm.s32 $0x0;
	s20 =	sshll.u32 s5, $0x1;
	s5 =	sadd.s32 s21, s3  }
0xa3: {  	[timem:s7], [sflag:s22] =	dma.local [hbm:s5], s20  }
0xa4: {  	_ =	swait.ge [sflag:s22], s20  }
0xa5: {  	s4 =	ssub.s32 $0x0, s20;
	[sflag:s22] =	ssyncset.done $0x0  }
0xa6: {  	[sflag:s22] =	ssyncadd.s32 s4;
	_ =	sdelay $0x1  }
0xa7: {  	s23 =	simm.s32 $0x1B8B  }
0xa8: {  	_ =	swait.ge [sflag:s23], $0x1  }
0xa9: {  	[sflag:s23] =	ssyncset.done $0x0  }
0xaa: {  	s25 =	simm.s32 $0x1B8E;
	s24 =	sld [smem:$0x3FFE];
	[sflag:s23] =	ssyncadd.s32 $0xFFFFFFFF  }
0xab: {  	s26 =	simm.s32 $execute0_lowered;
	[smem:$0x3FD2] =	sst s25  }
0xac: {  	s5 =	sshll.u32 s26, $0x1;
	_ =	strace $0x80000046;
	[dreg:$0x1] =	wrdreg $0xFFFFFFFF  }
0xad: {  	s28 =	simm.s32 $_size_execute0_lowered;
	s3 =	sadd.s32 s3, s5;
	[dreg:$0x0] =	wrdreg $0x0  }
0xae: {  	s5 =	sshll.u32 s28, $0x1;
	[dreg:$0x2] =	wrdreg s3  }
0xaf: {  	[dreg:$0x3] =	wrdreg s5  }
0xb0: {  	[dreg:$0x4] =	wrdreg $0xC0  }
0xb1: {  	_ =	task [dreg:s7], $0x5FFFF  }
0xb2: {  	[dreg:$0x1] =	wrdreg $0xFFFFFFFF  }
0xb3: {  	[dreg:$0x0] =	wrdreg $0x60  }
0xb4: {  	[dreg:$0x2] =	wrdreg s24  }
0xb5: {  	[dreg:$0x3] =	wrdreg s16  }
0xb6: {  	[dreg:$0x4] =	wrdreg $0x0  }
0xb7: {  	[dreg:$0x5] =	wrdreg $0x138800  }
0xb8: {  	[dreg:$0x6] =	wrdreg $0x9  }
0xb9: {  	_ =	task.clear_ibuf [dreg:s7], $0x7FFFF;
	_ =	strace $0x90000046  }
0xba: {  	s29 =	simm.s32 $0x9;
	_ =	strace $0x80000048  }
0xbb: {  	_ =	swait.ge [sflag:s29], $0x1  }
0xbc: {  	[sflag:s29] =	ssyncadd.s32 $0xFFFFFFFF  }
0xbd: {  	_ =	strace $0x90000048  }
0xbe: {  	_ =	sfence  }
0xbf: {  	s30 =	sld [smem:$0x0];
	_ =	sdelay $0x2  }
0xc0: {  	s31 =	sshll.u32 s1, $0xD;
	s1 =	sshrl.u32 s1, $0x2  }
0xc1: {  	s3 =	sand.u32 $0x4000, s31;
	s1 =	sadd.s32 s1, s30  }
0xc2: {  	s0 =	sor.u32 s3, s0;
	s1 =	sshll.u32 s1, $0x11  }
0xc3: {  	s0 =	sor.u32 s1, s0  }
0xc4: {  	s0 =	sadd.s32 $0x8F2B, s0  }
0xc5: {  	[sflag:s0] =	ssyncadd.remote.s32 $0x1  }
0xc6: {  	_ =	sfence.sel $0xFFFF  }
0xc7: {  	[dreg:$0x0] =	wrdreg $0xFFFFFFFF;
	(pc) =	sbr.abs _section_cstart, $3  }
0xc8: {  	[dreg:$0x1] =	wrdreg $0xFFFFFFFF  }
0xc9: {  	_ =	task.clear_ibuf [dreg:s7], $0x2FFFF;
	_ =	strace $0x9FFFFFFF  }
0xca: {  	(tm) =	ssettm $0x7FFFFFFF  }
0xcb: {  	_ =	shalt  }
tec
execute0_lowered:
.L_overlay_start_1:
0x0: {  	(tag) =	ssettag $0x1  }
0x1: {  	s0 =	rddreg [dreg:$0x0]  }
0x2: {  	s2 =	rddreg [dreg:$0x2]  }
0x3: {  	s1 =	srdreg.scid;
	s16 =	stileid.u32  }
0x4: {  	s5 =	simm.s32 $0x0;
	s30 =	simm.s32 $0x189D8;
	s4 =	smul.u32 $0x280, s16  }
0x5: {  	s1 =	sand.u32 $0x1, s1;
	[smem:$0x7FF] =	sst s5;
	s31 =	smul.u32 $0x70, s16  }
0x6: {  	s6 =	sadd.s32 $0x58C00, s0;
	s8 =	sadd.s32 $0xB400, s0;
	s9 =	smul.u32 $0x2710, s1  }
0x7: {  	s3 =	rddreg [dreg:$0x3];
	_ =	strace $0x80000047;
	s10 =	smul.u32 $0x138800, s1  }
0x8: {  	s14 =	ssub.s32 $0x2, s1;
	s1 =	smul.u32 $0x2A000, s1;
	s4 =	smin.u32 s4, $0x2490  }
0x9: {  	s15 =	sshrl.u32 s14, $0x1;
	s7 =	sshrl.u32 s9, $0x3;
	s12 =	sshll.u32 s4, $0x7  }
0xa: {  	s13 =	sadd.s32 s9, s4;
	s29 =	sor.u32 $0x60, s4;
	s20 =	sadd.s32 $0xC0, s4  }
0xb: {  	s23 =	sadd.s32 $0x120, s4;
	s25 =	sadd.s32 $0x180, s4;
	s11 =	sadd.s32 s7, s0  }
0xc: {  	s7 =	sadd.s32 $0x200, s0;
	s10 =	sadd.s32 s10, s12;
	s13 =	sshrl.u32 s13, $0x3  }
0xd: {  	s19 =	sshll.u32 s29, $0x7;
	s17 =	sadd.s32 s12, s2;
	s21 =	sadd.s32 s29, s3  }
0xe: {  	s22 =	sshll.u32 s20, $0x7;
	s29 =	sadd.s32 s23, s3;
	[dreg:$0x9] =	wrdreg s21  }
0xf: {  	s24 =	sshll.u32 s23, $0x7;
	s28 =	sshll.u32 s25, $0x7;
	[dreg:$0xd] =	wrdreg s29  }
0x10: {  	s10 =	sshrl.u32 s10, $0x3;
	s18 =	sadd.s32 $0xA6E00, s11;
	[dreg:$0x7] =	wrdreg s17  }
0x11: {  	s11 =	sadd.s32 $0xAA00, s11;
	s12 =	sadd.s32 s22, s2;
	[dreg:$0x5] =	wrdreg s18  }
0x12: {  	s26 =	sadd.s32 s24, s2;
	s10 =	sadd.s32 s10, s0;
	[dreg:$0x6] =	wrdreg s11  }
0x13: {  	s0 =	sadd.s32 s13, s0;
	s13 =	ssub.s32 s14, s15;
	[dreg:$0xa] =	wrdreg s12  }
0x14: {  	s11 =	sadd.s32 s19, s2;
	[dreg:$0xc] =	wrdreg s26;
	s14 =	sadd.s32 s25, s3  }
0x15: {  	s15 =	sadd.s32 $0x1E0, s4;
	s18 =	sadd.s32 s4, s3;
	[dreg:$0x8] =	wrdreg s11  }
0x16: {  	s4 =	sadd.s32 $0x240, s4;
	s11 =	sadd.s32 s20, s3;
	[dreg:$0xf] =	wrdreg s14  }
0x17: {  	s20 =	smul.u32 $0x2A00, s16;
	s19 =	sshll.u32 s15, $0x7;
	[dreg:$0x10] =	wrdreg s18  }
0x18: {  	s21 =	sshll.u32 s4, $0x7;
	s4 =	sadd.s32 s4, s3;
	[dreg:$0xb] =	wrdreg s11  }
0x19: {  	s10 =	sadd.s32 $0xA7800, s10;
	s0 =	sadd.s32 $0x10800, s0;
	[dreg:$0x14] =	wrdreg s4  }
0x1a: {  	s26 =	smax.u32 s13, $0x1;
	s13 =	simm.s32 $0x7;
	[dreg:$0x17] =	wrdreg s10  }
0x1b: {  	s14 =	simm.s32 $0x16208;
	s16 =	simm.s32 $0x18A38;
	[dreg:$0x18] =	wrdreg s0  }
0x1c: {  	s11 =	sadd.s32 s28, s2;
	s12 =	sadd.s32 s19, s2;
	[dreg:$0x19] =	wrdreg s26  }
0x1d: {  	s10 =	sor.u32 $0x1, s31;
	s19 =	simm.s32 $0x1BA98;
	s26 =	simm.s32 $0x1BC18  }
0x1e: {  	s0 =	simm.s32 $0x2;
	s4 =	simm.s32 $0x1BB58;
	[dreg:$0xe] =	wrdreg s11  }
0x1f: {  	[dreg:$0x11] =	wrdreg s12;
	s23 =	sadd.s32 s20, s1;
	s11 =	sadd.s32 s15, s3  }
0x20: {  	s1 =	sadd.s32 s21, s2;
	s25 =	sshrl.u32 s20, $0x3;
	[dreg:$0x12] =	wrdreg s11  }
0x21: {  	[dreg:$0x13] =	wrdreg s1;
	s22 =	sshrl.u32 s23, $0x3;
	s1 =	sadd.s32 s8, s25  }
0x22: {  	s12 =	simm.s32 $0x13AF8;
	s24 =	sadd.s32 s7, s22;
	[dreg:$0x16] =	wrdreg s1  }
0x23: {  	s25 =	simm.s32 $0x1;
	s29 =	sadd.s32 $0xC, s1;
	[dreg:$0x15] =	wrdreg s24  }
0x24: {  	s11 =	simm.s32 $0x0;
	s28 =	sadd.s32 $0xC, s24;
	[dreg:$0x1b] =	wrdreg s29  }
0x25: {  	v1 =	vimm.f32 $0.0e+00;
	v0 =	vmov s9;
	s1 =	simm.s32 $0x1BBB8;
	s24 =	simm.s32 $0x60;
	[dreg:$0x1a] =	wrdreg s28  }
.LBB2_1:
0x26: {  	[dreg:$0x1c] =	wrdreg s11  }
0x27: {  	s9 =	rddreg [dreg:$0x5]  }
0x28: {  	[tilespmem:s12], [sflag:$0x7] =	stream.linear.gather [hbm4b:s9+s5], $0x2710, $0x38;
	[tilespmem:$0x1EC28] =	vst v63  }
0x29: {  	_ =	swait.ge [sflag:s13], $0x2710  }
0x2a: {  	[sflag:s13] =	ssyncset.done $0x0  }
0x2b: {  	s22 =	rddreg [dreg:$0x6];
	[sflag:s13] =	ssyncadd.s32 $0xFFFFD8F0  }
0x2c: {  	[tilespmem:s14], [sflag:$0x7] =	stream.linear.gather [hbm4b:s22+s5], $0x2710, $0x38;
	[tilespmem:$0x1EC28] =	vst v63  }
0x2d: {  	_ =	swait.ge [sflag:s13], $0x2710  }
0x2e: {  	[sflag:s13] =	ssyncset.done $0x0  }
0x2f: {  	[sflag:s13] =	ssyncadd.s32 $0xFFFFD8F0  }
0x30: {  	s29 =	simm.s32 $0x1EC18;
	s28 =	rddreg [dreg:$0x1]  }
0x31: {  	[tilespmem:s29], [sflag:$0x7] =	stream.linear.gather [hbm4b:s28+s5], $0x10, $0x38;
	[tilespmem:$0x1EC28] =	vst v63  }
0x32: {  	_ =	swait.ge [sflag:s13], $0x10  }
0x33: {  	[sflag:s13] =	ssyncset.done $0x0  }
0x34: {  	s9 =	simm.s32 $0x18B98;
	[sflag:s13] =	ssyncadd.s32 $0xFFFFFFF0  }
0x35: {  	[tilespmem:s9+$0xFFFFFF00] =	vst v1  }
0x36: {  	[tilespmem:s9+$0xF0] =	vst v1  }
0x37: {  	[tilespmem:s9+$0xE0] =	vst v1  }
0x38: {  	[tilespmem:s9+$0xD0] =	vst v1  }
0x39: {  	[tilespmem:s9+$0xC0] =	vst v1  }
0x3a: {  	[tilespmem:s9+$0xB0] =	vst v1  }
0x3b: {  	[tilespmem:s9+$0xA0] =	vst v1  }
0x3c: {  	[tilespmem:s9+$0x90] =	vst v1  }
0x3d: {  	[tilespmem:s9+$0x80] =	vst v1  }
0x3e: {  	[tilespmem:s9+$0x70] =	vst v1  }
0x3f: {  	[tilespmem:s9+$0x60] =	vst v1  }
0x40: {  	[tilespmem:s9+$0x50] =	vst v1  }
0x41: {  	[tilespmem:s9+$0x40] =	vst v1  }
0x42: {  	[tilespmem:s9+$0x30] =	vst v1  }
0x43: {  	[tilespmem:s9+$0x20] =	vst v1  }
0x44: {  	[tilespmem:s9+$0x10] =	vst v1  }
0x45: {  	[tilespmem:s9+$0x0] =	vst v1  }
0x46: {  	[tilespmem:s9+$0xFFFFFFF0] =	vst v1  }
0x47: {  	[tilespmem:s9+$0xFFFFFFE0] =	vst v1  }
0x48: {  	[tilespmem:s9+$0xFFFFFFD0] =	vst v1  }
0x49: {  	[tilespmem:s9+$0xFFFFFFC0] =	vst v1  }
0x4a: {  	[tilespmem:s9+$0xFFFFFFB0] =	vst v1  }
0x4b: {  	[tilespmem:s9+$0xFFFFFFA0] =	vst v1  }
0x4c: {  	[tilespmem:s9+$0xFFFFFF90] =	vst v1  }
0x4d: {  	[tilespmem:s9+$0xFFFFFF80] =	vst v1  }
0x4e: {  	[tilespmem:s9+$0xFFFFFF70] =	vst v1  }
0x4f: {  	[tilespmem:s9+$0xFFFFFF60] =	vst v1  }
0x50: {  	[tilespmem:s9+$0xFFFFFF50] =	vst v1  }
0x51: {  	[tilespmem:s9+$0xFFFFFF40] =	vst v1  }
0x52: {  	[tilespmem:s9+$0xFFFFFF30] =	vst v1  }
0x53: {  	s11 =	simm.s32 $0x0;
	[tilespmem:s9+$0xFFFFFF20] =	vst v1  }
.LBB2_2:
0x54: {  	s11 =	sadd.s32 $0x4, s11;
	[tilespmem:s9+$0xFFFFFF10] =	vst v1;
	s9 =	sadd.s32 $0x200, s9  }
0x55: {  	[tilespmem:s9+$0xFFFFFF00] =	vst v1;
	p0 =	slt.u32 s11, $0x5C  }
0x56: {  	[tilespmem:s9+$0xF0] =	vst v1  }
0x57: {  	[tilespmem:s9+$0xE0] =	vst v1  }
0x58: {  	[tilespmem:s9+$0xD0] =	vst v1  }
0x59: {  	[tilespmem:s9+$0xC0] =	vst v1  }
0x5a: {  	[tilespmem:s9+$0xB0] =	vst v1  }
0x5b: {  	[tilespmem:s9+$0xA0] =	vst v1  }
0x5c: {  	[tilespmem:s9+$0x90] =	vst v1  }
0x5d: {  	[tilespmem:s9+$0x80] =	vst v1  }
0x5e: {  	[tilespmem:s9+$0x70] =	vst v1  }
0x5f: {  	[tilespmem:s9+$0x60] =	vst v1  }
0x60: {  	[tilespmem:s9+$0x50] =	vst v1  }
0x61: {  	[tilespmem:s9+$0x40] =	vst v1  }
0x62: {  	[tilespmem:s9+$0x30] =	vst v1  }
0x63: {  	[tilespmem:s9+$0x20] =	vst v1  }
0x64: {  	[tilespmem:s9+$0x10] =	vst v1  }
0x65: {  	[tilespmem:s9+$0x0] =	vst v1  }
0x66: {  	[tilespmem:s9+$0xFFFFFFF0] =	vst v1  }
0x67: {  	[tilespmem:s9+$0xFFFFFFE0] =	vst v1  }
0x68: {  	[tilespmem:s9+$0xFFFFFFD0] =	vst v1  }
0x69: {  	[tilespmem:s9+$0xFFFFFFC0] =	vst v1  }
0x6a: {  	[tilespmem:s9+$0xFFFFFFB0] =	vst v1  }
0x6b: {  	[tilespmem:s9+$0xFFFFFFA0] =	vst v1  }
0x6c: {  	[tilespmem:s9+$0xFFFFFF90] =	vst v1  }
0x6d: {  	[tilespmem:s9+$0xFFFFFF80] =	vst v1  }
0x6e: {  	[tilespmem:s9+$0xFFFFFF70] =	vst v1  }
.Ltmp0:
0x6f: {  	[tilespmem:s9+$0xFFFFFF60] =	vst v1;
	(pc) =	sbr.rel @p0 .LBB2_2-.Ltmp0, $4  }
0x70: {  	[tilespmem:s9+$0xFFFFFF50] =	vst v1  }
0x71: {  	[tilespmem:s9+$0xFFFFFF40] =	vst v1  }
0x72: {  	[tilespmem:s9+$0xFFFFFF30] =	vst v1  }
0x73: {  	[tilespmem:s9+$0xFFFFFF20] =	vst v1  }
0x74: {  	[tilespmem:s9+$0xFFFFFF10] =	vst v1  }
0x75: {  	[tilespmem:$0x18A38] =	vst v1  }
0x76: {  	[tilespmem:$0x18A48] =	vst v1  }
0x77: {  	[tilespmem:$0x18A58] =	vst v1  }
0x78: {  	[tilespmem:$0x18A68] =	vst v1  }
0x79: {  	[tilespmem:$0x18A78] =	vst v1  }
0x7a: {  	s21 =	simm.s32 $0x18A98;
	[tilespmem:$0x18A88] =	vst v1  }
0x7b: {  	[spmem:s17] =	stream.linear.scatter [tilespmem:s21], [sflag:$0x7], $0x3000, $0x38;
	[tilespmem:$0x1EC28] =	vst v63  }
0x7c: {  	_ =	swait.ge [sflag:s13], $0x3000  }
0x7d: {  	[sflag:s13] =	ssyncset.done $0x0  }
0x7e: {  	[sflag:s13] =	ssyncadd.s32 $0xFFFFD000  }
0x7f: {  	[spmem:s18] =	stream.linear.scatter [tilespmem:s16], [sflag:$0x7], $0x60, $0x38;
	[tilespmem:$0x1EC28] =	vst v63  }
0x80: {  	_ =	swait.ge [sflag:s13], $0x60  }
0x81: {  	[sflag:s13] =	ssyncset.done $0x0  }
0x82: {  	s29 =	rddreg [dreg:$0x8];
	[sflag:s13] =	ssyncadd.s32 $0xFFFFFFA0  }
0x83: {  	[spmem:s29] =	stream.linear.scatter [tilespmem:s21], [sflag:$0x7], $0x3000, $0x38;
	[tilespmem:$0x1EC28] =	vst v63  }
0x84: {  	_ =	swait.ge [sflag:s13], $0x3000  }
0x85: {  	[sflag:s13] =	ssyncset.done $0x0  }
0x86: {  	s11 =	rddreg [dreg:$0x9];
	[sflag:s13] =	ssyncadd.s32 $0xFFFFD000  }
0x87: {  	[spmem:s11] =	stream.linear.scatter [tilespmem:s16], [sflag:$0x7], $0x60, $0x38;
	[tilespmem:$0x1EC28] =	vst v63  }
0x88: {  	_ =	swait.ge [sflag:s13], $0x60  }
0x89: {  	[sflag:s13] =	ssyncset.done $0x0  }
0x8a: {  	s15 =	rddreg [dreg:$0xa];
	[sflag:s13] =	ssyncadd.s32 $0xFFFFFFA0  }
0x8b: {  	[spmem:s15] =	stream.linear.scatter [tilespmem:s21], [sflag:$0x7], $0x3000, $0x38;
	[tilespmem:$0x1EC28] =	vst v63  }
0x8c: {  	_ =	swait.ge [sflag:s13], $0x3000  }
0x8d: {  	[sflag:s13] =	ssyncset.done $0x0  }
0x8e: {  	s17 =	rddreg [dreg:$0xb];
	[sflag:s13] =	ssyncadd.s32 $0xFFFFD000  }
0x8f: {  	[spmem:s17] =	stream.linear.scatter [tilespmem:s16], [sflag:$0x7], $0x60, $0x38;
	[tilespmem:$0x1EC28] =	vst v63  }
0x90: {  	_ =	swait.ge [sflag:s13], $0x60  }
0x91: {  	[sflag:s13] =	ssyncset.done $0x0  }
0x92: {  	s18 =	rddreg [dreg:$0xc];
	[sflag:s13] =	ssyncadd.s32 $0xFFFFFFA0  }
0x93: {  	[spmem:s18] =	stream.linear.scatter [tilespmem:s21], [sflag:$0x7], $0x3000, $0x38;
	[tilespmem:$0x1EC28] =	vst v63  }
0x94: {  	_ =	swait.ge [sflag:s13], $0x3000  }
0x95: {  	[sflag:s13] =	ssyncset.done $0x0  }
0x96: {  	s22 =	rddreg [dreg:$0xd];
	[sflag:s13] =	ssyncadd.s32 $0xFFFFD000  }
0x97: {  	[spmem:s22] =	stream.linear.scatter [tilespmem:s16], [sflag:$0x7], $0x60, $0x38;
	[tilespmem:$0x1EC28] =	vst v63  }
0x98: {  	_ =	swait.ge [sflag:s13], $0x60  }
0x99: {  	[sflag:s13] =	ssyncset.done $0x0  }
0x9a: {  	s29 =	rddreg [dreg:$0xe];
	[sflag:s13] =	ssyncadd.s32 $0xFFFFFFA0  }
0x9b: {  	[spmem:s29] =	stream.linear.scatter [tilespmem:s21], [sflag:$0x7], $0x3000, $0x38;
	[tilespmem:$0x1EC28] =	vst v63  }
0x9c: {  	_ =	swait.ge [sflag:s13], $0x3000  }
0x9d: {  	[sflag:s13] =	ssyncset.done $0x0  }
0x9e: {  	s11 =	rddreg [dreg:$0xf];
	[sflag:s13] =	ssyncadd.s32 $0xFFFFD000  }
0x9f: {  	[spmem:s11] =	stream.linear.scatter [tilespmem:s16], [sflag:$0x7], $0x60, $0x38;
	[tilespmem:$0x1EC28] =	vst v63  }
0xa0: {  	_ =	swait.ge [sflag:s13], $0x60  }
0xa1: {  	[sflag:s13] =	ssyncset.done $0x0  }
0xa2: {  	s15 =	rddreg [dreg:$0x11];
	[sflag:s13] =	ssyncadd.s32 $0xFFFFFFA0  }
0xa3: {  	[spmem:s15] =	stream.linear.scatter [tilespmem:s21], [sflag:$0x7], $0x3000, $0x38;
	[tilespmem:$0x1EC28] =	vst v63  }
0xa4: {  	_ =	swait.ge [sflag:s13], $0x3000  }
0xa5: {  	[sflag:s13] =	ssyncset.done $0x0  }
0xa6: {  	s17 =	rddreg [dreg:$0x12];
	[sflag:s13] =	ssyncadd.s32 $0xFFFFD000  }
0xa7: {  	[spmem:s17] =	stream.linear.scatter [tilespmem:s16], [sflag:$0x7], $0x60, $0x38;
	[tilespmem:$0x1EC28] =	vst v63  }
0xa8: {  	_ =	swait.ge [sflag:s13], $0x60  }
0xa9: {  	[sflag:s13] =	ssyncset.done $0x0  }
0xaa: {  	s18 =	rddreg [dreg:$0x13];
	[sflag:s13] =	ssyncadd.s32 $0xFFFFFFA0  }
0xab: {  	[spmem:s18] =	stream.linear.scatter [tilespmem:s21], [sflag:$0x7], $0x2000, $0x38;
	[tilespmem:$0x1EC28] =	vst v63  }
0xac: {  	_ =	swait.ge [sflag:s13], $0x2000  }
0xad: {  	[sflag:s13] =	ssyncset.done $0x0  }
0xae: {  	s22 =	rddreg [dreg:$0x14];
	[sflag:s13] =	ssyncadd.s32 $0xFFFFE000  }
0xaf: {  	[spmem:s22] =	stream.linear.scatter [tilespmem:s16], [sflag:$0x7], $0x40, $0x38;
	[tilespmem:$0x1EC28] =	vst v63  }
0xb0: {  	_ =	swait.ge [sflag:s13], $0x40  }
0xb1: {  	[sflag:s13] =	ssyncset.done $0x0  }
0xb2: {  	[sflag:s13] =	ssyncadd.s32 $0xFFFFFFC0  }
0xb3: {  	[bflag:$0x0] =	sbarrier.arrive $0xFFFF  }
0xb4: {  	s9 =	simm.s32 $0x0;
	s17 =	simm.s32 $0x18918;
	s11 =	rddreg [dreg:$0x15]  }
0xb5: {  	v2 =	vld [tilespmem:$0x1EC18];
	[tilespmem:s17], [sflag:$0x7] =	stream.linear.gather [hbm4b:s11+s9], $0x60, $0x38  }
0xb6: {  	_ =	swait.ge [sflag:s13], $0x60  }
0xb7: {  	[sflag:s13] =	ssyncset.done $0x0  }
0xb8: {  	s15 =	simm.s32 $0x18978;
	s29 =	rddreg [dreg:$0x16];
	[sflag:s13] =	ssyncadd.s32 $0xFFFFFFA0  }
0xb9: {  	[tilespmem:s15], [sflag:$0x7] =	stream.linear.gather [hbm4b:s29+s9], $0x60, $0x38;
	[tilespmem:$0x1EC28] =	vst v63  }
0xba: {  	_ =	swait.ge [sflag:s13], $0x60  }
0xbb: {  	[sflag:s13] =	ssyncset.done $0x0  }
0xbc: {  	s18 =	rddreg [dreg:$0x1a];
	[sflag:s13] =	ssyncadd.s32 $0xFFFFFFA0  }
0xbd: {  	[tilespmem:s19], [sflag:$0x7] =	stream.linear.gather [hbm4b:s18+s9], $0x60, $0x38;
	[tilespmem:$0x1EC28] =	vst v63  }
0xbe: {  	_ =	swait.ge [sflag:s13], $0x60  }
0xbf: {  	[sflag:s13] =	ssyncset.done $0x0  }
0xc0: {  	s29 =	simm.s32 $0x1BAF8;
	s22 =	rddreg [dreg:$0x1b];
	[sflag:s13] =	ssyncadd.s32 $0xFFFFFFA0  }
0xc1: {  	[tilespmem:s29], [sflag:$0x7] =	stream.linear.gather [hbm4b:s22+s9], $0x60, $0x38;
	[tilespmem:$0x1EC28] =	vst v63  }
0xc2: {  	_ =	swait.ge [sflag:s13], $0x60  }
0xc3: {  	[sflag:s13] =	ssyncset.done $0x0  }
0xc4: {  	s28 =	simm.s32 $0x0;
	s15 =	simm.s32 $0x18A98;
	[sflag:s13] =	ssyncadd.s32 $0xFFFFFFA0  }
0xc5: {  	[tilespmem:s21], [sflag:$0x1] =	stream.indirect.gather [hbm4b:s6+s24], $0x80, s17, s24, $0xb8;
	[tilespmem:$0x1EC28] =	vst v63  }
.LBB2_4:
0xc6: {  	v3 =	vld [tilespmem:$0x18918];
	_ =	sdelay $0x2  }
0xc7: {  	v5 =	vld [tilespmem:$0x18978];
	_ =	sdelay $0x1  }
0xc8: {  	v4 =	vsub.s32 v3, v0  }
0xc9: {  	v3 =	vand.u32 $0x7, v3;
	v4 =	vand.u32 $0xFFFFFFF8, v4  }
0xca: {  	v3 =	vor.u32 v3, v4;
	_ =	sdelay $0x3  }
0xcb: {  	v4 =	vld.idx.msk [tilespmem:v5+s14+$0x0], $0xffff  }
0xcc: {  	v3 =	vld.idx.msk [tilespmem:v3+s12+$0x0], $0xffff;
	_ =	sdelay $0x4  }
0xcd: {  	v3 =	vadd.f32 v4, v3;
	v4 =	vadd.f32 v4, v2;
	_ =	sdelay $0x1  }
0xce: {  	v6 =	vmul.f32 $2.000000030e-01, v3;
	v7 =	vmul.f32 $2.000000030e-01, v4;
	_ =	sdelay $0x1  }
0xcf: {  	v3 =	vmax.f32 v3, v6;
	v4 =	vmax.f32 v4, v7  }
0xd0: {  	v3 =	vsub.f32 v3, v4;
	_ =	sdelay $0x1  }
0xd1: {  	v3 =	vmul.f32 $1.442695020e+00, v3;
	_ =	sdelay $0x1  }
0xd2: {  	(erf) = vpow2.f32 v3;
	v3 =	vld [tilespmem:$0x18928];
	_ =	sdelay $0x4  }
0xd3: {  	s29 =	sshll.u32 s28, $0x1;
	v6 =	vld [tilespmem:$0x18988];
	v4 =	vsub.s32 v3, v0  }
0xd4: {  	s11 =	sadd.s32 s31, s29;
	v3 =	vand.u32 $0x7, v3;
	v4 =	vand.u32 $0xFFFFFFF8, v4  }
0xd5: {  	s11 =	smul.u32 $0x60, s11;
	v3 =	vor.u32 v3, v4;
	_ =	sdelay $0x1  }
0xd6: {  	p0 =	slt.u32 s11, $0x29810;
	v4 =	vpop (erf)  }
0xd7: {  	[tilespmem:$0x189D8] =	vst v5;
	v4 =	vpsel !p0, $0x0, v4  }
0xd8: {  	[tilespmem:$0x18A38] =	vst v4  }
0xd9: {  	v3 =	vld.idx.msk [tilespmem:v3+s12+$0x0], $0xffff  }
0xda: {  	v4 =	vld.idx.msk [tilespmem:v6+s14+$0x0], $0xffff;
	_ =	sdelay $0x4  }
0xdb: {  	v3 =	vadd.f32 v4, v3;
	v4 =	vadd.f32 v4, v2;
	_ =	sdelay $0x1  }
0xdc: {  	v5 =	vmul.f32 $2.000000030e-01, v3;
	v7 =	vmul.f32 $2.000000030e-01, v4;
	_ =	sdelay $0x1  }
0xdd: {  	v3 =	vmax.f32 v3, v5;
	v4 =	vmax.f32 v4, v7  }
0xde: {  	v3 =	vsub.f32 v3, v4;
	_ =	sdelay $0x1  }
0xdf: {  	v3 =	vmul.f32 $1.442695020e+00, v3;
	_ =	sdelay $0x1  }
0xe0: {  	(erf) = vpow2.f32 v3;
	v3 =	vld [tilespmem:$0x18938];
	_ =	sdelay $0x4  }
0xe1: {  	v5 =	vld [tilespmem:$0x18998];
	v4 =	vsub.s32 v3, v0  }
0xe2: {  	v3 =	vand.u32 $0x7, v3;
	v4 =	vand.u32 $0xFFFFFFF8, v4  }
0xe3: {  	v3 =	vor.u32 v3, v4  }
0xe4: {  	s18 =	sor.u32 $0x10, s11  }
0xe5: {  	p2 =	slt.u32 s18, $0x29810;
	v4 =	vpop (erf)  }
0xe6: {  	[tilespmem:$0x189E8] =	vst v6;
	v4 =	vpsel !p2, $0x0, v4  }
0xe7: {  	[tilespmem:$0x18A48] =	vst v4  }
0xe8: {  	v3 =	vld.idx.msk [tilespmem:v3+s12+$0x0], $0xffff  }
0xe9: {  	v4 =	vld.idx.msk [tilespmem:v5+s14+$0x0], $0xffff;
	_ =	sdelay $0x4  }
0xea: {  	v3 =	vadd.f32 v4, v3;
	v4 =	vadd.f32 v4, v2;
	_ =	sdelay $0x1  }
0xeb: {  	v6 =	vmul.f32 $2.000000030e-01, v3;
	v7 =	vmul.f32 $2.000000030e-01, v4;
	_ =	sdelay $0x1  }
0xec: {  	v3 =	vmax.f32 v3, v6;
	v4 =	vmax.f32 v4, v7  }
0xed: {  	v3 =	vsub.f32 v3, v4;
	_ =	sdelay $0x1  }
0xee: {  	v3 =	vmul.f32 $1.442695020e+00, v3;
	_ =	sdelay $0x1  }
0xef: {  	(erf) = vpow2.f32 v3;
	v3 =	vld [tilespmem:$0x18948];
	_ =	sdelay $0x4  }
0xf0: {  	v6 =	vld [tilespmem:$0x189A8];
	v4 =	vsub.s32 v3, v0  }
0xf1: {  	v3 =	vand.u32 $0x7, v3;
	v4 =	vand.u32 $0xFFFFFFF8, v4  }
0xf2: {  	v3 =	vor.u32 v3, v4  }
0xf3: {  	s22 =	sor.u32 $0x20, s11  }
0xf4: {  	p3 =	slt.u32 s22, $0x29810;
	v4 =	vpop (erf)  }
0xf5: {  	[tilespmem:$0x189F8] =	vst v5;
	v4 =	vpsel !p3, $0x0, v4  }
0xf6: {  	[tilespmem:$0x18A58] =	vst v4  }
0xf7: {  	v3 =	vld.idx.msk [tilespmem:v3+s12+$0x0], $0xffff  }
0xf8: {  	v4 =	vld.idx.msk [tilespmem:v6+s14+$0x0], $0xffff;
	_ =	sdelay $0x4  }
0xf9: {  	v3 =	vadd.f32 v4, v3;
	v4 =	vadd.f32 v4, v2;
	_ =	sdelay $0x1  }
0xfa: {  	v5 =	vmul.f32 $2.000000030e-01, v3;
	v7 =	vmul.f32 $2.000000030e-01, v4;
	_ =	sdelay $0x1  }
0xfb: {  	v3 =	vmax.f32 v3, v5;
	v4 =	vmax.f32 v4, v7  }
0xfc: {  	v3 =	vsub.f32 v3, v4;
	_ =	sdelay $0x1  }
0xfd: {  	v3 =	vmul.f32 $1.442695020e+00, v3;
	_ =	sdelay $0x1  }
0xfe: {  	(erf) = vpow2.f32 v3;
	v3 =	vld [tilespmem:$0x18958];
	_ =	sdelay $0x4  }
0xff: {  	v5 =	vld [tilespmem:$0x189B8];
	v4 =	vsub.s32 v3, v0  }
0x100: {  	v3 =	vand.u32 $0x7, v3;
	v4 =	vand.u32 $0xFFFFFFF8, v4  }
0x101: {  	v3 =	vor.u32 v3, v4  }
0x102: {  	s17 =	sor.u32 $0x30, s11  }
0x103: {  	p4 =	slt.u32 s17, $0x29810;
	v4 =	vpop (erf)  }
0x104: {  	[tilespmem:$0x18A08] =	vst v6;
	v4 =	vpsel !p4, $0x0, v4  }
0x105: {  	[tilespmem:$0x18A68] =	vst v4  }
0x106: {  	v3 =	vld.idx.msk [tilespmem:v3+s12+$0x0], $0xffff  }
0x107: {  	v4 =	vld.idx.msk [tilespmem:v5+s14+$0x0], $0xffff;
	_ =	sdelay $0x4  }
0x108: {  	v3 =	vadd.f32 v4, v3;
	v4 =	vadd.f32 v4, v2;
	_ =	sdelay $0x1  }
0x109: {  	v6 =	vmul.f32 $2.000000030e-01, v3;
	v7 =	vmul.f32 $2.000000030e-01, v4;
	_ =	sdelay $0x1  }
0x10a: {  	v3 =	vmax.f32 v3, v6;
	v4 =	vmax.f32 v4, v7  }
0x10b: {  	v3 =	vsub.f32 v3, v4;
	_ =	sdelay $0x1  }
0x10c: {  	v3 =	vmul.f32 $1.442695020e+00, v3;
	_ =	sdelay $0x1  }
0x10d: {  	(erf) = vpow2.f32 v3;
	v3 =	vld [tilespmem:$0x18968];
	_ =	sdelay $0x4  }
0x10e: {  	v6 =	vld [tilespmem:$0x189C8];
	v4 =	vsub.s32 v3, v0  }
0x10f: {  	v3 =	vand.u32 $0x7, v3;
	v4 =	vand.u32 $0xFFFFFFF8, v4  }
0x110: {  	v3 =	vor.u32 v3, v4  }
0x111: {  	s21 =	sadd.s32 $0x40, s11  }
0x112: {  	p5 =	slt.u32 s21, $0x29810;
	v4 =	vpop (erf)  }
0x113: {  	[tilespmem:$0x18A18] =	vst v5;
	v4 =	vpsel !p5, $0x0, v4  }
0x114: {  	[tilespmem:$0x18A78] =	vst v4  }
0x115: {  	v3 =	vld.idx.msk [tilespmem:v3+s12+$0x0], $0xffff  }
0x116: {  	v4 =	vld.idx.msk [tilespmem:v6+s14+$0x0], $0xffff;
	_ =	sdelay $0x4  }
0x117: {  	v3 =	vadd.f32 v4, v3;
	v4 =	vadd.f32 v4, v2;
	_ =	sdelay $0x1  }
0x118: {  	v5 =	vmul.f32 $2.000000030e-01, v3;
	v7 =	vmul.f32 $2.000000030e-01, v4;
	_ =	sdelay $0x1  }
0x119: {  	v3 =	vmax.f32 v3, v5;
	v4 =	vmax.f32 v4, v7  }
0x11a: {  	v3 =	vsub.f32 v3, v4;
	_ =	sdelay $0x1  }
0x11b: {  	v3 =	vmul.f32 $1.442695020e+00, v3;
	_ =	sdelay $0x1  }
0x11c: {  	(erf) = vpow2.f32 v3;
	_ =	sdelay $0x7  }
0x11d: {  	s11 =	sadd.s32 $0x50, s11;
	s22 =	smin.u32 s29, $0x6D  }
0x11e: {  	p6 =	slt.u32 s11, $0x29810;
	s11 =	smul.u32 $0x60, s22;
	v3 =	vpop (erf)  }
0x11f: {  	[tilespmem:$0x18A28] =	vst v6;
	v3 =	vpsel !p6, $0x0, v3  }
0x120: {  	s11 =	sadd.s32 $0xC0, s11;
	[tilespmem:$0x18A88] =	vst v3  }
0x121: {  	s17 =	sadd.s32 s23, s11;
	s11 =	sadd.s32 s20, s11;
	_ =	swait.ge [sflag:s25], $0x3000  }
0x122: {  	s18 =	sshrl.u32 s17, $0x3;
	s17 =	simm.s32 $0x18918;
	[sflag:s25] =	ssyncset.done $0x0  }
0x123: {  	s11 =	sshrl.u32 s11, $0x3;
	s18 =	sadd.s32 s7, s18;
	[sflag:s25] =	ssyncadd.s32 $0xFFFFD000  }
0x124: {  	[tilespmem:s17], [sflag:$0x3] =	stream.linear.gather [hbm4b:s18+s5], $0x60, $0x38;
	[tilespmem:$0x1EC28] =	vst v63  }
0x125: {  	s11 =	sadd.s32 s8, s11;
	p0 =	seq.s32 s28, $0x0;
	s18 =	simm.s32 $0x18978  }
0x126: {  	[tilespmem:s18], [sflag:$0x3] =	stream.linear.gather [hbm4b:s11+s5], $0x60, $0x38;
	[tilespmem:$0x1EC28] =	vst v63  }
0x127: {  	s11 =	simm.s32 @!p0 $0x6  }
0x128: {  	_ =	swait.ge @!p0 [sflag:s11], $0x3000  }
0x129: {  	[sflag:s11] =	ssyncset.done @!p0 $0x0  }
0x12a: {  	[sflag:s11] =	ssyncadd.s32 @!p0 $0xFFFFD000  }
0x12b: {  	_ =	swait.ge @!p0 [sflag:s11], $0x60  }
0x12c: {  	[sflag:s11] =	ssyncset.done @!p0 $0x0  }
0x12d: {  	s21 =	simm.s32 $0x2;
	v3 =	vmov s9;
	[sflag:s11] =	ssyncadd.s32 @!p0 $0xFFFFFFA0;
	s11 =	simm.s32 @!p0 $0x4  }
0x12e: {  	v4 =	vmov s21;
	v3 =	vand.u32 $0xFFFFFFFC, v3;
	_ =	swait.ge @!p0 [sflag:s11], $0x60  }
0x12f: {  	v4 =	vand.u32 $0xFFFFFFFE, v4;
	v3 =	vbroadcast v3, $0x0;
	[sflag:s11] =	ssyncset.done @!p0 $0x0  }
0x130: {  	v4 =	vbroadcast v4, $0x0;
	[sflag:s11] =	ssyncadd.s32 @!p0 $0xFFFFFFA0  }
0x131: {  	_ =	swait.ge @!p0 [sflag:s11], $0x60  }
0x132: {  	[sflag:s11] =	ssyncset.done @!p0 $0x0  }
0x133: {  	[sflag:s11] =	ssyncadd.s32 @!p0 $0xFFFFFFA0  }
0x134: {  	[tilespmem:s26], [sflag:$0x2] =	stream.indirect.gather [hbm4b:s6+s24], $0x80, s19, s24, $0xb8;
	[tilespmem:$0x1EC28] =	vst v63  }
0x135: {  	v3 =	vld.idx.msk [tilespmem:v3+s16+$0x0], $0xffff  }
0x136: {  	s22 =	simm.s32 $0x1;
	s11 =	simm.s32 $0x18B98;
	v4 =	vld.idx.msk [tilespmem:v4+s16+$0x0], $0xffff  }
0x137: {  	v5 =	vmov s22;
	v6 =	vld [tilespmem:s11+$0x70]  }
0x138: {  	v5 =	vand.u32 $0xFFFFFFFD, v5;
	v7 =	vld [tilespmem:s11+$0xFFFFFF00]  }
0x139: {  	v5 =	vbroadcast v5, $0x0;
	v8 =	vld [tilespmem:s11+$0xFFFFFF10]  }
0x13a: {  	v9 =	vld [tilespmem:s11+$0xFFFFFF20]  }
0x13b: {  	v10 =	vld [tilespmem:s11+$0xFFFFFF30]  }
0x13c: {  	v11 =	vld [tilespmem:s11+$0xFFFFFF40]  }
0x13d: {  	v12 =	vld [tilespmem:s11+$0xFFFFFF50]  }
0x13e: {  	v13 =	vld [tilespmem:s11+$0xFFFFFF60];
	v7 =	vmul.f32 v7, v3  }
0x13f: {  	v5 =	vld.idx.msk [tilespmem:v5+s16+$0x0], $0xffff;
	v6 =	vmul.f32 v6, v4  }
0x140: {  	v15 =	vld [tilespmem:s11+$0x40];
	[tilespmem:s11+$0xFFFFFF00] =	vst v7;
	v7 =	vmul.f32 v8, v3  }
0x141: {  	v8 =	vld [tilespmem:s11+$0xFFFFFF70];
	[tilespmem:s11+$0x70] =	vst v6;
	v6 =	vmul.f32 v9, v3  }
0x142: {  	v9 =	vld [tilespmem:s11+$0xFFFFFF80];
	[tilespmem:s11+$0xFFFFFF10] =	vst v7;
	v7 =	vmul.f32 v10, v3  }
0x143: {  	v10 =	vld [tilespmem:s11+$0xFFFFFF90];
	[tilespmem:s11+$0xFFFFFF20] =	vst v6;
	v6 =	vmul.f32 v11, v3  }
0x144: {  	v11 =	vld [tilespmem:s11+$0xFFFFFFA0];
	[tilespmem:s11+$0xFFFFFF30] =	vst v7;
	v7 =	vmul.f32 v12, v3  }
0x145: {  	v12 =	vld [tilespmem:s11+$0xFFFFFFB0];
	[tilespmem:s11+$0xFFFFFF40] =	vst v6;
	v6 =	vmul.f32 v13, v3  }
0x146: {  	v13 =	vld [tilespmem:s11+$0xFFFFFFC0];
	v8 =	vmul.f32 v8, v3;
	[tilespmem:s11+$0xFFFFFF50] =	vst v7  }
0x147: {  	v7 =	vmul.f32 v9, v5;
	v9 =	vld [tilespmem:s11+$0xFFFFFFD0];
	[tilespmem:s11+$0xFFFFFF60] =	vst v6  }
0x148: {  	s17 =	simm.s32 $0x3;
	v6 =	vld [tilespmem:s11+$0xFFFFFFE0];
	v10 =	vmul.f32 v10, v5;
	[tilespmem:s11+$0xFFFFFF70] =	vst v8  }
0x149: {  	v14 =	vmov s17;
	v8 =	vld [tilespmem:s11+$0xFFFFFFF0];
	[tilespmem:s11+$0xFFFFFF80] =	vst v7;
	v7 =	vmul.f32 v11, v5  }
0x14a: {  	v11 =	vld [tilespmem:s11+$0x0];
	[tilespmem:s11+$0xFFFFFF90] =	vst v10;
	v10 =	vmul.f32 v12, v5  }
0x14b: {  	v12 =	vld [tilespmem:s11+$0x10];
	[tilespmem:s11+$0xFFFFFFA0] =	vst v7;
	v7 =	vmul.f32 v13, v5  }
0x14c: {  	[tilespmem:s11+$0xFFFFFFB0] =	vst v10;
	v9 =	vmul.f32 v9, v5;
	v10 =	vld [tilespmem:s11+$0x20]  }
0x14d: {  	v13 =	vld [tilespmem:s11+$0x30];
	v6 =	vmul.f32 v6, v5;
	[tilespmem:s11+$0xFFFFFFC0] =	vst v7  }
0x14e: {  	v3 =	vld.idx.msk [tilespmem:v14+s16+$0x0], $0xffff;
	v5 =	vmul.f32 v8, v5;
	[tilespmem:s11+$0xFFFFFFD0] =	vst v9  }
0x14f: {  	[tilespmem:s11+$0xFFFFFFE0] =	vst v6;
	v7 =	vmul.f32 v11, v4;
	v6 =	vld [tilespmem:s11+$0x50]  }
0x150: {  	s21 =	simm.s32 $0x4;
	[tilespmem:s11+$0xFFFFFFF0] =	vst v5;
	v8 =	vmul.f32 v12, v4;
	v5 =	vld [tilespmem:s11+$0x60]  }
0x151: {  	s22 =	simm.s32 $0x7;
	v9 =	vmov s21;
	[tilespmem:s11+$0x0] =	vst v7;
	v11 =	vmul.f32 v10, v4;
	v10 =	vld [tilespmem:s11+$0x80]  }
0x152: {  	s21 =	simm.s32 $0x5;
	v14 =	vand.u32 $0xFFFFFFFC, v9;
	v9 =	vld [tilespmem:s11+$0x90];
	v7 =	vmov s22;
	v12 =	vmul.f32 v13, v4;
	[tilespmem:s11+$0x10] =	vst v8  }
0x153: {  	s18 =	simm.s32 $0x8;
	s22 =	simm.s32 $0x6;
	v13 =	vmul.f32 v15, v4;
	v8 =	vbroadcast v14, $0x0;
	v14 =	vmov s21;
	s21 =	simm.s32 $0x18B98;
	[tilespmem:s11+$0x20] =	vst v11;
	v11 =	vld [tilespmem:s11+$0xA0]  }
.LBB2_5:
0x154: {  	p0 =	slt.u32 s18, $0x5C;
	v14 =	vand.u32 $0xFFFFFFFD, v14;
	v15 =	vmov s22;
	[tilespmem:s11+$0x30] =	vst v12;
	v6 =	vmul.f32 v6, v4;
	v12 =	vld [tilespmem:s11+$0xB0]  }
0x155: {  	v14 =	vbroadcast v14, $0x0;
	v15 =	vand.u32 $0xFFFFFFFE, v15;
	[tilespmem:s11+$0x40] =	vst v13;
	v4 =	vmul.f32 v5, v4;
	v5 =	vld [tilespmem:s11+$0xC0]  }
0x156: {  	v13 =	vbroadcast v15, $0x0;
	[tilespmem:s11+$0x50] =	vst v6;
	v6 =	vmul.f32 v10, v3;
	v10 =	vld [tilespmem:s11+$0xD0]  }
0x157: {  	[tilespmem:s11+$0x60] =	vst v4;
	v4 =	vmul.f32 v9, v3;
	v9 =	vld [tilespmem:s11+$0xE0]  }
0x158: {  	[tilespmem:s11+$0x80] =	vst v6;
	v6 =	vmul.f32 v11, v3;
	v11 =	vld [tilespmem:s11+$0xF0]  }
0x159: {  	v7 =	vld.idx.msk [tilespmem:v7+s16+$0x0], $0xffff;
	[tilespmem:s11+$0x90] =	vst v4;
	v4 =	vmul.f32 v12, v3  }
0x15a: {  	v8 =	vld.idx.msk [tilespmem:v8+s16+$0x0], $0xffff;
	[tilespmem:s11+$0xA0] =	vst v6;
	v5 =	vmul.f32 v5, v3  }
0x15b: {  	v6 =	vld.idx.msk [tilespmem:v14+s16+$0x0], $0xffff;
	[tilespmem:s11+$0xB0] =	vst v4;
	v10 =	vmul.f32 v10, v3  }
0x15c: {  	s11 =	sadd.s32 $0x200, s11;
	v4 =	vld.idx.msk [tilespmem:v13+s16+$0x0], $0xffff;
	[tilespmem:s21+$0xC0] =	vst v5;
	v5 =	vmul.f32 v9, v3  }
0x15d: {  	v9 =	vld [tilespmem:s11+$0x70];
	[tilespmem:s21+$0xD0] =	vst v10;
	v11 =	vmul.f32 v11, v3  }
0x15e: {  	v10 =	vld [tilespmem:s11+$0xFFFFFF00];
	[tilespmem:s21+$0xE0] =	vst v5  }
0x15f: {  	v3 =	vmov v7;
	v5 =	vld [tilespmem:s11+$0xFFFFFF10];
	[tilespmem:s21+$0xF0] =	vst v11;
	s21 =	smov.u32 s11  }
0x160: {  	v7 =	vld [tilespmem:s11+$0xFFFFFF20]  }
0x161: {  	v11 =	vld [tilespmem:s11+$0xFFFFFF30]  }
0x162: {  	v12 =	vld [tilespmem:s11+$0xFFFFFF40];
	v9 =	vmul.f32 v9, v4  }
0x163: {  	v10 =	vmul.f32 v10, v8;
	v13 =	vld [tilespmem:s11+$0xFFFFFF50]  }
0x164: {  	v5 =	vmul.f32 v5, v8;
	v14 =	vld [tilespmem:s11+$0xFFFFFF60];
	[tilespmem:s11+$0x70] =	vst v9  }
0x165: {  	[tilespmem:s11+$0xFFFFFF00] =	vst v10;
	v7 =	vmul.f32 v7, v8;
	v9 =	vld [tilespmem:s11+$0xFFFFFF70]  }
0x166: {  	[tilespmem:s11+$0xFFFFFF10] =	vst v5;
	v5 =	vmul.f32 v11, v8;
	v10 =	vld [tilespmem:s11+$0xFFFFFF80]  }
0x167: {  	[tilespmem:s11+$0xFFFFFF20] =	vst v7;
	v7 =	vmul.f32 v12, v8;
	v11 =	vld [tilespmem:s11+$0xFFFFFF90]  }
0x168: {  	[tilespmem:s11+$0xFFFFFF30] =	vst v5;
	v5 =	vmul.f32 v13, v8;
	v12 =	vld [tilespmem:s11+$0xFFFFFFA0]  }
0x169: {  	[tilespmem:s11+$0xFFFFFF40] =	vst v7;
	v7 =	vmul.f32 v14, v8;
	v13 =	vld [tilespmem:s11+$0xFFFFFFB0]  }
0x16a: {  	[tilespmem:s11+$0xFFFFFF50] =	vst v5;
	v5 =	vmul.f32 v9, v8;
	v8 =	vld [tilespmem:s11+$0xFFFFFFC0]  }
0x16b: {  	[tilespmem:s11+$0xFFFFFF60] =	vst v7;
	v7 =	vmul.f32 v10, v6;
	v9 =	vld [tilespmem:s11+$0xFFFFFFD0]  }
0x16c: {  	[tilespmem:s11+$0xFFFFFF70] =	vst v5;
	v5 =	vmul.f32 v11, v6;
	v10 =	vld [tilespmem:s11+$0xFFFFFFE0]  }
0x16d: {  	[tilespmem:s11+$0xFFFFFF80] =	vst v7;
	v7 =	vmul.f32 v12, v6;
	v11 =	vld [tilespmem:s11+$0xFFFFFFF0]  }
0x16e: {  	[tilespmem:s11+$0xFFFFFF90] =	vst v5;
	v5 =	vmul.f32 v13, v6;
	v12 =	vld [tilespmem:s11+$0x0]  }
0x16f: {  	[tilespmem:s11+$0xFFFFFFA0] =	vst v7;
	v7 =	vmul.f32 v8, v6;
	v8 =	vld [tilespmem:s11+$0x10]  }
0x170: {  	[tilespmem:s11+$0xFFFFFFB0] =	vst v5;
	v5 =	vmul.f32 v9, v6;
	v9 =	vld [tilespmem:s11+$0x20]  }
0x171: {  	[tilespmem:s11+$0xFFFFFFC0] =	vst v7;
	v7 =	vmul.f32 v10, v6;
	v13 =	vld [tilespmem:s11+$0x30]  }
0x172: {  	[tilespmem:s11+$0xFFFFFFD0] =	vst v5;
	v5 =	vmul.f32 v11, v6;
	v11 =	vld [tilespmem:s11+$0x40]  }
.Ltmp1:
0x173: {  	[tilespmem:s11+$0xFFFFFFE0] =	vst v7;
	v7 =	vmul.f32 v12, v4;
	v6 =	vld [tilespmem:s11+$0x50];
	(pc) =	sbr.rel @p0 .LBB2_5-.Ltmp1, $4  }
0x174: {  	[tilespmem:s11+$0xFFFFFFF0] =	vst v5;
	v8 =	vmul.f32 v8, v4;
	v5 =	vld [tilespmem:s11+$0x60]  }
0x175: {  	s22 =	sadd.s32 $0x3, s18;
	v12 =	vmov s18;
	[tilespmem:s11+$0x0] =	vst v7;
	v15 =	vmul.f32 v9, v4;
	v10 =	vld [tilespmem:s11+$0x80]  }
0x176: {  	s17 =	sadd.s32 $0x1, s18;
	v14 =	vand.u32 $0xFFFFFFFC, v12;
	v7 =	vmov s22;
	[tilespmem:s11+$0x10] =	vst v8;
	v12 =	vmul.f32 v13, v4;
	v9 =	vld [tilespmem:s11+$0x90]  }
0x177: {  	s22 =	sadd.s32 $0x2, s18;
	s18 =	sadd.s32 $0x4, s18;
	v8 =	vbroadcast v14, $0x0;
	v14 =	vmov s17;
	[tilespmem:s11+$0x20] =	vst v15;
	v13 =	vmul.f32 v11, v4;
	v11 =	vld [tilespmem:s11+$0xA0]  }
0x178: {  	v15 =	vld [tilespmem:s11+$0xB0]  }
0x179: {  	v17 =	vld [tilespmem:s11+$0xC0]  }
0x17a: {  	v16 =	vmov s22;
	v18 =	vld [tilespmem:s11+$0xD0]  }
0x17b: {  	v19 =	vld [tilespmem:s11+$0xE0];
	[tilespmem:s11+$0x30] =	vst v12;
	v6 =	vmul.f32 v6, v4;
	v16 =	vand.u32 $0xFFFFFFFE, v16  }
0x17c: {  	v14 =	vand.u32 $0xFFFFFFFD, v14;
	v7 =	vld.idx.msk [tilespmem:v7+s16+$0x0], $0xffff;
	[tilespmem:s11+$0x40] =	vst v13;
	v4 =	vmul.f32 v5, v4;
	v16 =	vbroadcast v16, $0x0  }
0x17d: {  	s18 =	sadd.s32 $0x200, s11;
	v14 =	vbroadcast v14, $0x0;
	v5 =	vld.idx.msk [tilespmem:v8+s16+$0x0], $0xffff;
	v10 =	vmul.f32 v10, v3;
	[tilespmem:s11+$0x50] =	vst v6  }
0x17e: {  	v12 =	vld [tilespmem:s18+$0xFFFFFF00];
	v6 =	vmul.f32 v9, v3;
	[tilespmem:s11+$0x60] =	vst v4  }
0x17f: {  	[tilespmem:s11+$0x80] =	vst v10;
	v10 =	vld [tilespmem:s11+$0xF0];
	v4 =	vmul.f32 v11, v3  }
0x180: {  	v13 =	vld [tilespmem:s18+$0xFFFFFF10];
	[tilespmem:s11+$0x90] =	vst v6;
	v6 =	vmul.f32 v15, v3  }
0x181: {  	v11 =	vld [tilespmem:s18+$0x70];
	[tilespmem:s11+$0xA0] =	vst v4;
	v4 =	vmul.f32 v17, v3  }
0x182: {  	[tilespmem:s11+$0xB0] =	vst v6;
	v6 =	vmul.f32 v18, v3;
	v9 =	vld.idx.msk [tilespmem:v16+s16+$0x0], $0xffff  }
0x183: {  	v8 =	vld.idx.msk [tilespmem:v14+s16+$0x0], $0xffff;
	[tilespmem:s21+$0xC0] =	vst v4;
	v4 =	vmul.f32 v19, v3  }
0x184: {  	v14 =	vld [tilespmem:s18+$0xFFFFFF20];
	[tilespmem:s21+$0xD0] =	vst v6;
	v3 =	vmul.f32 v10, v3  }
0x185: {  	v6 =	vld [tilespmem:s18+$0xFFFFFF30];
	[tilespmem:s21+$0xE0] =	vst v4  }
0x186: {  	v4 =	vld [tilespmem:s18+$0xFFFFFF40];
	[tilespmem:s21+$0xF0] =	vst v3;
	v3 =	vmul.f32 v12, v5  }
0x187: {  	v10 =	vmul.f32 v11, v9;
	v11 =	vld [tilespmem:s18+$0xFFFFFF50]  }
0x188: {  	v12 =	vmul.f32 v13, v5;
	v13 =	vld [tilespmem:s18+$0xFFFFFF60];
	[tilespmem:s18+$0xFFFFFF00] =	vst v3  }
0x189: {  	v3 =	vmul.f32 v14, v5;
	[tilespmem:s18+$0x70] =	vst v10;
	v10 =	vld [tilespmem:s18+$0xFFFFFF70]  }
0x18a: {  	[tilespmem:s18+$0xFFFFFF10] =	vst v12;
	v12 =	vld [tilespmem:s18+$0xFFFFFF80];
	v6 =	vmul.f32 v6, v5  }
0x18b: {  	[tilespmem:s18+$0xFFFFFF20] =	vst v3;
	v3 =	vmul.f32 v4, v5;
	v4 =	vld [tilespmem:s18+$0xFFFFFF90]  }
0x18c: {  	[tilespmem:s18+$0xFFFFFF30] =	vst v6;
	v6 =	vmul.f32 v11, v5;
	v11 =	vld [tilespmem:s18+$0xFFFFFFA0]  }
0x18d: {  	[tilespmem:s18+$0xFFFFFF40] =	vst v3;
	v3 =	vmul.f32 v13, v5;
	v13 =	vld [tilespmem:s18+$0xFFFFFFB0]  }
0x18e: {  	[tilespmem:s18+$0xFFFFFF50] =	vst v6;
	v5 =	vmul.f32 v10, v5;
	v6 =	vld [tilespmem:s18+$0xFFFFFFC0]  }
0x18f: {  	[tilespmem:s18+$0xFFFFFF60] =	vst v3;
	v3 =	vmul.f32 v12, v8;
	v10 =	vld [tilespmem:s18+$0xFFFFFFD0]  }
0x190: {  	v4 =	vmul.f32 v4, v8;
	[tilespmem:s18+$0xFFFFFF70] =	vst v5;
	v5 =	vld [tilespmem:s18+$0xFFFFFFE0]  }
0x191: {  	[tilespmem:s18+$0xFFFFFF80] =	vst v3;
	v3 =	vmul.f32 v11, v8;
	v11 =	vld [tilespmem:s18+$0xFFFFFFF0]  }
0x192: {  	v12 =	vld [tilespmem:s18+$0x0];
	[tilespmem:s18+$0xFFFFFF90] =	vst v4;
	v4 =	vmul.f32 v13, v8  }
0x193: {  	[tilespmem:s18+$0xFFFFFFA0] =	vst v3;
	v3 =	vmul.f32 v6, v8;
	v6 =	vld [tilespmem:s18+$0x10]  }
0x194: {  	[tilespmem:s18+$0xFFFFFFB0] =	vst v4;
	v4 =	vmul.f32 v10, v8;
	v10 =	vld [tilespmem:s18+$0x20]  }
0x195: {  	[tilespmem:s18+$0xFFFFFFC0] =	vst v3;
	v3 =	vmul.f32 v5, v8;
	v5 =	vld [tilespmem:s18+$0x30]  }
0x196: {  	[tilespmem:s18+$0xFFFFFFD0] =	vst v4;
	v4 =	vmul.f32 v11, v8;
	v8 =	vld [tilespmem:s18+$0x40]  }
0x197: {  	v11 =	vld [tilespmem:s18+$0x50];
	[tilespmem:s18+$0xFFFFFFE0] =	vst v3;
	v3 =	vmul.f32 v12, v9  }
0x198: {  	[tilespmem:s18+$0xFFFFFFF0] =	vst v4;
	v4 =	vmul.f32 v6, v9;
	v6 =	vld [tilespmem:s18+$0x60]  }
0x199: {  	[tilespmem:s18+$0x0] =	vst v3;
	v3 =	vmul.f32 v10, v9;
	v10 =	vld [tilespmem:s18+$0x80]  }
0x19a: {  	[tilespmem:s18+$0x10] =	vst v4;
	v4 =	vmul.f32 v5, v9;
	v5 =	vld [tilespmem:s18+$0x90]  }
0x19b: {  	[tilespmem:s18+$0x20] =	vst v3;
	v3 =	vmul.f32 v8, v9;
	v8 =	vld [tilespmem:s18+$0xA0]  }
0x19c: {  	[tilespmem:s18+$0x30] =	vst v4;
	v4 =	vmul.f32 v11, v9;
	v11 =	vld [tilespmem:s18+$0xB0]  }
0x19d: {  	[tilespmem:s18+$0x40] =	vst v3;
	v3 =	vmul.f32 v6, v9;
	v6 =	vld [tilespmem:s18+$0xC0]  }
0x19e: {  	v9 =	vld [tilespmem:s18+$0xD0];
	[tilespmem:s18+$0x50] =	vst v4;
	v4 =	vmul.f32 v10, v7  }
0x19f: {  	[tilespmem:s18+$0x60] =	vst v3;
	v3 =	vmul.f32 v5, v7;
	v5 =	vld [tilespmem:s18+$0xE0]  }
0x1a0: {  	[tilespmem:s18+$0x80] =	vst v4;
	v4 =	vmul.f32 v8, v7;
	v8 =	vld [tilespmem:s18+$0xF0]  }
0x1a1: {  	[tilespmem:s18+$0x90] =	vst v3;
	v3 =	vmul.f32 v11, v7  }
0x1a2: {  	[tilespmem:s18+$0xA0] =	vst v4;
	v4 =	vmul.f32 v6, v7  }
0x1a3: {  	[tilespmem:s18+$0xB0] =	vst v3;
	v3 =	vmul.f32 v9, v7  }
0x1a4: {  	[tilespmem:s18+$0xC0] =	vst v4;
	v4 =	vmul.f32 v5, v7  }
0x1a5: {  	[tilespmem:s18+$0xD0] =	vst v3;
	v3 =	vmul.f32 v8, v7  }
0x1a6: {  	[tilespmem:s18+$0xE0] =	vst v4  }
0x1a7: {  	[tilespmem:s18+$0xF0] =	vst v3  }
0x1a8: {  	[spmem:s2] =	stream.indirect.scatter.add.f32 [tilespmem:s15], [sflag:$0x5], $0x80, s30, s24, $0xb8;
	[tilespmem:$0x1EC28] =	vst v63  }
0x1a9: {  	_ = 	snop  }
0x1aa: {  	[spmem:s3] =	stream.indirect.scatter.add.f32 [tilespmem:s16], [sflag:$0x5], $0x1, s30, s24, $0xb8;
	[tilespmem:$0x1EC28] =	vst v63  }
0x1ab: {  	v3 =	vld [tilespmem:$0x1BA98];
	_ =	sdelay $0x2  }
0x1ac: {  	v5 =	vld [tilespmem:$0x1BAF8];
	_ =	sdelay $0x1  }
0x1ad: {  	v4 =	vsub.s32 v3, v0  }
0x1ae: {  	v3 =	vand.u32 $0x7, v3;
	v4 =	vand.u32 $0xFFFFFFF8, v4  }
0x1af: {  	v3 =	vor.u32 v3, v4;
	_ =	sdelay $0x3  }
0x1b0: {  	v4 =	vld.idx.msk [tilespmem:v5+s14+$0x0], $0xffff  }
0x1b1: {  	v3 =	vld.idx.msk [tilespmem:v3+s12+$0x0], $0xffff;
	_ =	sdelay $0x4  }
0x1b2: {  	v3 =	vadd.f32 v4, v3;
	v4 =	vadd.f32 v4, v2;
	_ =	sdelay $0x1  }
0x1b3: {  	v6 =	vmul.f32 $2.000000030e-01, v3;
	v7 =	vmul.f32 $2.000000030e-01, v4;
	_ =	sdelay $0x1  }
0x1b4: {  	v3 =	vmax.f32 v3, v6;
	v4 =	vmax.f32 v4, v7  }
0x1b5: {  	v3 =	vsub.f32 v3, v4;
	_ =	sdelay $0x1  }
0x1b6: {  	v3 =	vmul.f32 $1.442695020e+00, v3;
	_ =	sdelay $0x1  }
0x1b7: {  	(erf) = vpow2.f32 v3;
	v3 =	vld [tilespmem:$0x1BAA8];
	_ =	sdelay $0x4  }
0x1b8: {  	v6 =	vld [tilespmem:$0x1BB08];
	v4 =	vsub.s32 v3, v0  }
0x1b9: {  	s21 =	sadd.s32 s29, s10;
	v3 =	vand.u32 $0x7, v3;
	v4 =	vand.u32 $0xFFFFFFF8, v4  }
0x1ba: {  	s11 =	smul.u32 $0x60, s21;
	v3 =	vor.u32 v3, v4;
	_ =	sdelay $0x1  }
0x1bb: {  	p0 =	slt.u32 s11, $0x29810;
	v4 =	vpop (erf)  }
0x1bc: {  	[tilespmem:$0x1BB58] =	vst v5;
	v4 =	vpsel !p0, $0x0, v4  }
0x1bd: {  	[tilespmem:$0x1BBB8] =	vst v4  }
0x1be: {  	v3 =	vld.idx.msk [tilespmem:v3+s12+$0x0], $0xffff  }
0x1bf: {  	v4 =	vld.idx.msk [tilespmem:v6+s14+$0x0], $0xffff;
	_ =	sdelay $0x4  }
0x1c0: {  	v3 =	vadd.f32 v4, v3;
	v4 =	vadd.f32 v4, v2;
	_ =	sdelay $0x1  }
0x1c1: {  	v5 =	vmul.f32 $2.000000030e-01, v3;
	v7 =	vmul.f32 $2.000000030e-01, v4;
	_ =	sdelay $0x1  }
0x1c2: {  	v3 =	vmax.f32 v3, v5;
	v4 =	vmax.f32 v4, v7  }
0x1c3: {  	v3 =	vsub.f32 v3, v4;
	_ =	sdelay $0x1  }
0x1c4: {  	v3 =	vmul.f32 $1.442695020e+00, v3;
	_ =	sdelay $0x1  }
0x1c5: {  	(erf) = vpow2.f32 v3;
	v3 =	vld [tilespmem:$0x1BAB8];
	_ =	sdelay $0x4  }
0x1c6: {  	v5 =	vld [tilespmem:$0x1BB18];
	v4 =	vsub.s32 v3, v0  }
0x1c7: {  	v3 =	vand.u32 $0x7, v3;
	v4 =	vand.u32 $0xFFFFFFF8, v4  }
0x1c8: {  	v3 =	vor.u32 v3, v4  }
0x1c9: {  	s17 =	sor.u32 $0x10, s11  }
0x1ca: {  	p2 =	slt.u32 s17, $0x29810;
	v4 =	vpop (erf)  }
0x1cb: {  	[tilespmem:$0x1BB68] =	vst v6;
	v4 =	vpsel !p2, $0x0, v4  }
0x1cc: {  	[tilespmem:$0x1BBC8] =	vst v4  }
0x1cd: {  	v3 =	vld.idx.msk [tilespmem:v3+s12+$0x0], $0xffff  }
0x1ce: {  	v4 =	vld.idx.msk [tilespmem:v5+s14+$0x0], $0xffff;
	_ =	sdelay $0x4  }
0x1cf: {  	v3 =	vadd.f32 v4, v3;
	v4 =	vadd.f32 v4, v2;
	_ =	sdelay $0x1  }
0x1d0: {  	v6 =	vmul.f32 $2.000000030e-01, v3;
	v7 =	vmul.f32 $2.000000030e-01, v4;
	_ =	sdelay $0x1  }
0x1d1: {  	v3 =	vmax.f32 v3, v6;
	v4 =	vmax.f32 v4, v7  }
0x1d2: {  	v3 =	vsub.f32 v3, v4;
	_ =	sdelay $0x1  }
0x1d3: {  	v3 =	vmul.f32 $1.442695020e+00, v3;
	_ =	sdelay $0x1  }
0x1d4: {  	(erf) = vpow2.f32 v3;
	v3 =	vld [tilespmem:$0x1BAC8];
	_ =	sdelay $0x4  }
0x1d5: {  	v6 =	vld [tilespmem:$0x1BB28];
	v4 =	vsub.s32 v3, v0  }
0x1d6: {  	v3 =	vand.u32 $0x7, v3;
	v4 =	vand.u32 $0xFFFFFFF8, v4  }
0x1d7: {  	v3 =	vor.u32 v3, v4  }
0x1d8: {  	s22 =	sadd.s32 $0x20, s11  }
0x1d9: {  	p3 =	slt.u32 s22, $0x29810;
	v4 =	vpop (erf)  }
0x1da: {  	[tilespmem:$0x1BB78] =	vst v5;
	v4 =	vpsel !p3, $0x0, v4  }
0x1db: {  	[tilespmem:$0x1BBD8] =	vst v4  }
0x1dc: {  	v3 =	vld.idx.msk [tilespmem:v3+s12+$0x0], $0xffff  }
0x1dd: {  	v4 =	vld.idx.msk [tilespmem:v6+s14+$0x0], $0xffff;
	_ =	sdelay $0x4  }
0x1de: {  	v3 =	vadd.f32 v4, v3;
	v4 =	vadd.f32 v4, v2;
	_ =	sdelay $0x1  }
0x1df: {  	v5 =	vmul.f32 $2.000000030e-01, v3;
	v7 =	vmul.f32 $2.000000030e-01, v4;
	_ =	sdelay $0x1  }
0x1e0: {  	v3 =	vmax.f32 v3, v5;
	v4 =	vmax.f32 v4, v7  }
0x1e1: {  	v3 =	vsub.f32 v3, v4;
	_ =	sdelay $0x1  }
0x1e2: {  	v3 =	vmul.f32 $1.442695020e+00, v3;
	_ =	sdelay $0x1  }
0x1e3: {  	(erf) = vpow2.f32 v3;
	v3 =	vld [tilespmem:$0x1BAD8];
	_ =	sdelay $0x4  }
0x1e4: {  	v5 =	vld [tilespmem:$0x1BB38];
	v4 =	vsub.s32 v3, v0  }
0x1e5: {  	v3 =	vand.u32 $0x7, v3;
	v4 =	vand.u32 $0xFFFFFFF8, v4  }
0x1e6: {  	v3 =	vor.u32 v3, v4  }
0x1e7: {  	s18 =	sadd.s32 $0x30, s11  }
0x1e8: {  	p4 =	slt.u32 s18, $0x29810;
	v4 =	vpop (erf)  }
0x1e9: {  	[tilespmem:$0x1BB88] =	vst v6;
	v4 =	vpsel !p4, $0x0, v4  }
0x1ea: {  	[tilespmem:$0x1BBE8] =	vst v4  }
0x1eb: {  	v3 =	vld.idx.msk [tilespmem:v3+s12+$0x0], $0xffff  }
0x1ec: {  	v4 =	vld.idx.msk [tilespmem:v5+s14+$0x0], $0xffff;
	_ =	sdelay $0x4  }
0x1ed: {  	v3 =	vadd.f32 v4, v3;
	v4 =	vadd.f32 v4, v2;
	_ =	sdelay $0x1  }
0x1ee: {  	v6 =	vmul.f32 $2.000000030e-01, v3;
	v7 =	vmul.f32 $2.000000030e-01, v4;
	_ =	sdelay $0x1  }
0x1ef: {  	v3 =	vmax.f32 v3, v6;
	v4 =	vmax.f32 v4, v7  }
0x1f0: {  	v3 =	vsub.f32 v3, v4;
	_ =	sdelay $0x1  }
0x1f1: {  	v3 =	vmul.f32 $1.442695020e+00, v3;
	_ =	sdelay $0x1  }
0x1f2: {  	(erf) = vpow2.f32 v3;
	v3 =	vld [tilespmem:$0x1BAE8];
	_ =	sdelay $0x4  }
0x1f3: {  	v6 =	vld [tilespmem:$0x1BB48];
	v4 =	vsub.s32 v3, v0  }
0x1f4: {  	v3 =	vand.u32 $0x7, v3;
	v4 =	vand.u32 $0xFFFFFFF8, v4  }
0x1f5: {  	v3 =	vor.u32 v3, v4  }
0x1f6: {  	s21 =	sadd.s32 $0x40, s11  }
0x1f7: {  	p5 =	slt.u32 s21, $0x29810;
	v4 =	vpop (erf)  }
0x1f8: {  	[tilespmem:$0x1BB98] =	vst v5;
	v4 =	vpsel !p5, $0x0, v4  }
0x1f9: {  	[tilespmem:$0x1BBF8] =	vst v4  }
0x1fa: {  	v3 =	vld.idx.msk [tilespmem:v3+s12+$0x0], $0xffff  }
0x1fb: {  	v4 =	vld.idx.msk [tilespmem:v6+s14+$0x0], $0xffff;
	_ =	sdelay $0x4  }
0x1fc: {  	v3 =	vadd.f32 v4, v3;
	v4 =	vadd.f32 v4, v2;
	_ =	sdelay $0x1  }
0x1fd: {  	v5 =	vmul.f32 $2.000000030e-01, v3;
	v7 =	vmul.f32 $2.000000030e-01, v4;
	_ =	sdelay $0x1  }
0x1fe: {  	v3 =	vmax.f32 v3, v5;
	v4 =	vmax.f32 v4, v7  }
0x1ff: {  	v3 =	vsub.f32 v3, v4;
	_ =	sdelay $0x1  }
0x200: {  	v3 =	vmul.f32 $1.442695020e+00, v3;
	_ =	sdelay $0x1  }
0x201: {  	(erf) = vpow2.f32 v3;
	_ =	sdelay $0x7  }
0x202: {  	s22 =	smin.u32 s29, $0x6C;
	s11 =	sadd.s32 $0x50, s11  }
0x203: {  	p6 =	slt.u32 s11, $0x29810;
	s11 =	smul.u32 $0x60, s22;
	v3 =	vpop (erf)  }
0x204: {  	[tilespmem:$0x1BBA8] =	vst v6;
	v3 =	vpsel !p6, $0x0, v3  }
0x205: {  	s11 =	sadd.s32 $0x120, s11;
	[tilespmem:$0x1BC08] =	vst v3  }
0x206: {  	s29 =	sadd.s32 s23, s11;
	_ =	swait.ge [sflag:s0], $0x3000  }
0x207: {  	s11 =	sadd.s32 s20, s11;
	s17 =	sshrl.u32 s29, $0x3;
	[sflag:s0] =	ssyncset.done $0x0  }
0x208: {  	s11 =	sshrl.u32 s11, $0x3;
	s17 =	sadd.s32 s7, s17;
	[sflag:s0] =	ssyncadd.s32 $0xFFFFD000  }
0x209: {  	[tilespmem:s19], [sflag:$0x4] =	stream.linear.gather [hbm4b:s17+s5], $0x60, $0x38;
	[tilespmem:$0x1EC28] =	vst v63  }
0x20a: {  	s18 =	simm.s32 $0x1BAF8;
	s11 =	sadd.s32 s8, s11;
	p0 =	seq.s32 s28, $0x37  }
0x20b: {  	[tilespmem:s18], [sflag:$0x4] =	stream.linear.gather [hbm4b:s11+s5], $0x60, $0x38;
	[tilespmem:$0x1EC28] =	vst v63  }
0x20c: {  	s11 =	simm.s32 @!p0 $0x5  }
0x20d: {  	_ =	swait.ge @!p0 [sflag:s11], $0x3000  }
0x20e: {  	[sflag:s11] =	ssyncset.done @!p0 $0x0  }
0x20f: {  	[sflag:s11] =	ssyncadd.s32 @!p0 $0xFFFFD000  }
0x210: {  	_ =	swait.ge @!p0 [sflag:s11], $0x60  }
0x211: {  	s21 =	simm.s32 $0x0;
	[sflag:s11] =	ssyncset.done @!p0 $0x0  }
0x212: {  	s22 =	simm.s32 $0x2;
	v3 =	vmov s21;
	[sflag:s11] =	ssyncadd.s32 @!p0 $0xFFFFFFA0;
	s11 =	simm.s32 @!p0 $0x3  }
0x213: {  	v4 =	vmov s22;
	v3 =	vand.u32 $0xFFFFFFFC, v3;
	_ =	swait.ge @!p0 [sflag:s11], $0x60  }
0x214: {  	v4 =	vand.u32 $0xFFFFFFFE, v4;
	v3 =	vbroadcast v3, $0x0;
	[sflag:s11] =	ssyncset.done @!p0 $0x0  }
0x215: {  	v4 =	vbroadcast v4, $0x0;
	[sflag:s11] =	ssyncadd.s32 @!p0 $0xFFFFFFA0  }
0x216: {  	_ =	swait.ge @!p0 [sflag:s11], $0x60  }
0x217: {  	s17 =	simm.s32 @!p0 $0x18918;
	[sflag:s11] =	ssyncset.done @!p0 $0x0  }
0x218: {  	s18 =	simm.s32 @!p0 $0x18A98;
	[sflag:s11] =	ssyncadd.s32 @!p0 $0xFFFFFFA0;
	s11 =	simm.s32 @!p0 $0x60  }
0x219: {  	[tilespmem:s18], [sflag:$0x1] =	stream.indirect.gather @!p0 [hbm4b:s6+s11], $0x80, s17, s11, $0xb8;
	[tilespmem:$0x1EC28] =	vst v63  }
0x21a: {  	v3 =	vld.idx.msk [tilespmem:v3+s1+$0x0], $0xffff  }
0x21b: {  	s29 =	simm.s32 $0x1;
	s11 =	simm.s32 $0x1BD18;
	v4 =	vld.idx.msk [tilespmem:v4+s1+$0x0], $0xffff  }
0x21c: {  	v5 =	vmov s29;
	v6 =	vld [tilespmem:s11+$0x70]  }
0x21d: {  	v5 =	vand.u32 $0xFFFFFFFD, v5;
	v7 =	vld [tilespmem:s11+$0xFFFFFF00]  }
0x21e: {  	v5 =	vbroadcast v5, $0x0;
	v8 =	vld [tilespmem:s11+$0xFFFFFF10]  }
0x21f: {  	v9 =	vld [tilespmem:s11+$0xFFFFFF20]  }
0x220: {  	v10 =	vld [tilespmem:s11+$0xFFFFFF30]  }
0x221: {  	v11 =	vld [tilespmem:s11+$0xFFFFFF40]  }
0x222: {  	v12 =	vld [tilespmem:s11+$0xFFFFFF50]  }
0x223: {  	v13 =	vld [tilespmem:s11+$0xFFFFFF60];
	v7 =	vmul.f32 v7, v3  }
0x224: {  	v5 =	vld.idx.msk [tilespmem:v5+s1+$0x0], $0xffff;
	v6 =	vmul.f32 v6, v4  }
0x225: {  	v15 =	vld [tilespmem:s11+$0x40];
	[tilespmem:s11+$0xFFFFFF00] =	vst v7;
	v7 =	vmul.f32 v8, v3  }
0x226: {  	v8 =	vld [tilespmem:s11+$0xFFFFFF70];
	[tilespmem:s11+$0x70] =	vst v6;
	v6 =	vmul.f32 v9, v3  }
0x227: {  	v9 =	vld [tilespmem:s11+$0xFFFFFF80];
	[tilespmem:s11+$0xFFFFFF10] =	vst v7;
	v7 =	vmul.f32 v10, v3  }
0x228: {  	v10 =	vld [tilespmem:s11+$0xFFFFFF90];
	[tilespmem:s11+$0xFFFFFF20] =	vst v6;
	v6 =	vmul.f32 v11, v3  }
0x229: {  	v11 =	vld [tilespmem:s11+$0xFFFFFFA0];
	[tilespmem:s11+$0xFFFFFF30] =	vst v7;
	v7 =	vmul.f32 v12, v3  }
0x22a: {  	v12 =	vld [tilespmem:s11+$0xFFFFFFB0];
	[tilespmem:s11+$0xFFFFFF40] =	vst v6;
	v6 =	vmul.f32 v13, v3  }
0x22b: {  	v13 =	vld [tilespmem:s11+$0xFFFFFFC0];
	v8 =	vmul.f32 v8, v3;
	[tilespmem:s11+$0xFFFFFF50] =	vst v7  }
0x22c: {  	v7 =	vmul.f32 v9, v5;
	v9 =	vld [tilespmem:s11+$0xFFFFFFD0];
	[tilespmem:s11+$0xFFFFFF60] =	vst v6  }
0x22d: {  	s18 =	simm.s32 $0x3;
	v6 =	vld [tilespmem:s11+$0xFFFFFFE0];
	v10 =	vmul.f32 v10, v5;
	[tilespmem:s11+$0xFFFFFF70] =	vst v8  }
0x22e: {  	v14 =	vmov s18;
	v8 =	vld [tilespmem:s11+$0xFFFFFFF0];
	[tilespmem:s11+$0xFFFFFF80] =	vst v7;
	v7 =	vmul.f32 v11, v5  }
0x22f: {  	v11 =	vld [tilespmem:s11+$0x0];
	[tilespmem:s11+$0xFFFFFF90] =	vst v10;
	v10 =	vmul.f32 v12, v5  }
0x230: {  	v12 =	vld [tilespmem:s11+$0x10];
	[tilespmem:s11+$0xFFFFFFA0] =	vst v7;
	v7 =	vmul.f32 v13, v5  }
0x231: {  	[tilespmem:s11+$0xFFFFFFB0] =	vst v10;
	v9 =	vmul.f32 v9, v5;
	v10 =	vld [tilespmem:s11+$0x20]  }
0x232: {  	v13 =	vld [tilespmem:s11+$0x30];
	v6 =	vmul.f32 v6, v5;
	[tilespmem:s11+$0xFFFFFFC0] =	vst v7  }
0x233: {  	v3 =	vld.idx.msk [tilespmem:v14+s1+$0x0], $0xffff;
	v5 =	vmul.f32 v8, v5;
	[tilespmem:s11+$0xFFFFFFD0] =	vst v9  }
0x234: {  	[tilespmem:s11+$0xFFFFFFE0] =	vst v6;
	v7 =	vmul.f32 v11, v4;
	v6 =	vld [tilespmem:s11+$0x50]  }
0x235: {  	s21 =	simm.s32 $0x4;
	[tilespmem:s11+$0xFFFFFFF0] =	vst v5;
	v8 =	vmul.f32 v12, v4;
	v5 =	vld [tilespmem:s11+$0x60]  }
0x236: {  	s22 =	simm.s32 $0x7;
	v9 =	vmov s21;
	[tilespmem:s11+$0x0] =	vst v7;
	v11 =	vmul.f32 v10, v4;
	v10 =	vld [tilespmem:s11+$0x80]  }
0x237: {  	s29 =	simm.s32 $0x5;
	v14 =	vand.u32 $0xFFFFFFFC, v9;
	v9 =	vld [tilespmem:s11+$0x90];
	v7 =	vmov s22;
	v12 =	vmul.f32 v13, v4;
	[tilespmem:s11+$0x10] =	vst v8  }
0x238: {  	s18 =	simm.s32 $0x8;
	s21 =	simm.s32 $0x1BD18;
	s22 =	simm.s32 $0x6;
	v13 =	vmul.f32 v15, v4;
	v8 =	vbroadcast v14, $0x0;
	v14 =	vmov s29;
	[tilespmem:s11+$0x20] =	vst v11;
	v11 =	vld [tilespmem:s11+$0xA0]  }
.LBB2_7:
0x239: {  	p0 =	slt.u32 s18, $0x5C;
	v14 =	vand.u32 $0xFFFFFFFD, v14;
	v15 =	vmov s22;
	[tilespmem:s11+$0x30] =	vst v12;
	v6 =	vmul.f32 v6, v4;
	v12 =	vld [tilespmem:s11+$0xB0]  }
0x23a: {  	v14 =	vbroadcast v14, $0x0;
	v15 =	vand.u32 $0xFFFFFFFE, v15;
	[tilespmem:s11+$0x40] =	vst v13;
	v4 =	vmul.f32 v5, v4;
	v5 =	vld [tilespmem:s11+$0xC0]  }
0x23b: {  	v13 =	vbroadcast v15, $0x0;
	[tilespmem:s11+$0x50] =	vst v6;
	v6 =	vmul.f32 v10, v3;
	v10 =	vld [tilespmem:s11+$0xD0]  }
0x23c: {  	[tilespmem:s11+$0x60] =	vst v4;
	v4 =	vmul.f32 v9, v3;
	v9 =	vld [tilespmem:s11+$0xE0]  }
0x23d: {  	[tilespmem:s11+$0x80] =	vst v6;
	v6 =	vmul.f32 v11, v3;
	v11 =	vld [tilespmem:s11+$0xF0]  }
0x23e: {  	v7 =	vld.idx.msk [tilespmem:v7+s1+$0x0], $0xffff;
	[tilespmem:s11+$0x90] =	vst v4;
	v4 =	vmul.f32 v12, v3  }
0x23f: {  	v8 =	vld.idx.msk [tilespmem:v8+s1+$0x0], $0xffff;
	[tilespmem:s11+$0xA0] =	vst v6;
	v5 =	vmul.f32 v5, v3  }
0x240: {  	v6 =	vld.idx.msk [tilespmem:v14+s1+$0x0], $0xffff;
	[tilespmem:s11+$0xB0] =	vst v4;
	v10 =	vmul.f32 v10, v3  }
0x241: {  	s11 =	sadd.s32 $0x200, s11;
	v4 =	vld.idx.msk [tilespmem:v13+s1+$0x0], $0xffff;
	[tilespmem:s21+$0xC0] =	vst v5;
	v5 =	vmul.f32 v9, v3  }
0x242: {  	v9 =	vld [tilespmem:s11+$0x70];
	[tilespmem:s21+$0xD0] =	vst v10;
	v11 =	vmul.f32 v11, v3  }
0x243: {  	v10 =	vld [tilespmem:s11+$0xFFFFFF00];
	[tilespmem:s21+$0xE0] =	vst v5  }
0x244: {  	v3 =	vmov v7;
	v5 =	vld [tilespmem:s11+$0xFFFFFF10];
	[tilespmem:s21+$0xF0] =	vst v11;
	s21 =	smov.u32 s11  }
0x245: {  	v7 =	vld [tilespmem:s11+$0xFFFFFF20]  }
0x246: {  	v11 =	vld [tilespmem:s11+$0xFFFFFF30]  }
0x247: {  	v12 =	vld [tilespmem:s11+$0xFFFFFF40];
	v9 =	vmul.f32 v9, v4  }
0x248: {  	v10 =	vmul.f32 v10, v8;
	v13 =	vld [tilespmem:s11+$0xFFFFFF50]  }
0x249: {  	v5 =	vmul.f32 v5, v8;
	v14 =	vld [tilespmem:s11+$0xFFFFFF60];
	[tilespmem:s11+$0x70] =	vst v9  }
0x24a: {  	[tilespmem:s11+$0xFFFFFF00] =	vst v10;
	v7 =	vmul.f32 v7, v8;
	v9 =	vld [tilespmem:s11+$0xFFFFFF70]  }
0x24b: {  	[tilespmem:s11+$0xFFFFFF10] =	vst v5;
	v5 =	vmul.f32 v11, v8;
	v10 =	vld [tilespmem:s11+$0xFFFFFF80]  }
0x24c: {  	[tilespmem:s11+$0xFFFFFF20] =	vst v7;
	v7 =	vmul.f32 v12, v8;
	v11 =	vld [tilespmem:s11+$0xFFFFFF90]  }
0x24d: {  	[tilespmem:s11+$0xFFFFFF30] =	vst v5;
	v5 =	vmul.f32 v13, v8;
	v12 =	vld [tilespmem:s11+$0xFFFFFFA0]  }
0x24e: {  	[tilespmem:s11+$0xFFFFFF40] =	vst v7;
	v7 =	vmul.f32 v14, v8;
	v13 =	vld [tilespmem:s11+$0xFFFFFFB0]  }
0x24f: {  	[tilespmem:s11+$0xFFFFFF50] =	vst v5;
	v5 =	vmul.f32 v9, v8;
	v8 =	vld [tilespmem:s11+$0xFFFFFFC0]  }
0x250: {  	[tilespmem:s11+$0xFFFFFF60] =	vst v7;
	v7 =	vmul.f32 v10, v6;
	v9 =	vld [tilespmem:s11+$0xFFFFFFD0]  }
0x251: {  	[tilespmem:s11+$0xFFFFFF70] =	vst v5;
	v5 =	vmul.f32 v11, v6;
	v10 =	vld [tilespmem:s11+$0xFFFFFFE0]  }
0x252: {  	[tilespmem:s11+$0xFFFFFF80] =	vst v7;
	v7 =	vmul.f32 v12, v6;
	v11 =	vld [tilespmem:s11+$0xFFFFFFF0]  }
0x253: {  	[tilespmem:s11+$0xFFFFFF90] =	vst v5;
	v5 =	vmul.f32 v13, v6;
	v12 =	vld [tilespmem:s11+$0x0]  }
0x254: {  	[tilespmem:s11+$0xFFFFFFA0] =	vst v7;
	v7 =	vmul.f32 v8, v6;
	v8 =	vld [tilespmem:s11+$0x10]  }
0x255: {  	[tilespmem:s11+$0xFFFFFFB0] =	vst v5;
	v5 =	vmul.f32 v9, v6;
	v9 =	vld [tilespmem:s11+$0x20]  }
0x256: {  	[tilespmem:s11+$0xFFFFFFC0] =	vst v7;
	v7 =	vmul.f32 v10, v6;
	v13 =	vld [tilespmem:s11+$0x30]  }
0x257: {  	[tilespmem:s11+$0xFFFFFFD0] =	vst v5;
	v5 =	vmul.f32 v11, v6;
	v11 =	vld [tilespmem:s11+$0x40]  }
.Ltmp2:
0x258: {  	[tilespmem:s11+$0xFFFFFFE0] =	vst v7;
	v7 =	vmul.f32 v12, v4;
	v6 =	vld [tilespmem:s11+$0x50];
	(pc) =	sbr.rel @p0 .LBB2_7-.Ltmp2, $4  }
0x259: {  	[tilespmem:s11+$0xFFFFFFF0] =	vst v5;
	v8 =	vmul.f32 v8, v4;
	v5 =	vld [tilespmem:s11+$0x60]  }
0x25a: {  	s17 =	sadd.s32 $0x3, s18;
	v12 =	vmov s18;
	[tilespmem:s11+$0x0] =	vst v7;
	v15 =	vmul.f32 v9, v4;
	v10 =	vld [tilespmem:s11+$0x80]  }
0x25b: {  	s22 =	sadd.s32 $0x1, s18;
	v14 =	vand.u32 $0xFFFFFFFC, v12;
	v7 =	vmov s17;
	[tilespmem:s11+$0x10] =	vst v8;
	v12 =	vmul.f32 v13, v4;
	v9 =	vld [tilespmem:s11+$0x90]  }
0x25c: {  	v8 =	vbroadcast v14, $0x0;
	v14 =	vmov s22;
	s22 =	sadd.s32 $0x2, s18;
	s18 =	sadd.s32 $0x4, s18;
	[tilespmem:s11+$0x20] =	vst v15;
	v13 =	vmul.f32 v11, v4;
	v11 =	vld [tilespmem:s11+$0xA0]  }
0x25d: {  	v15 =	vld [tilespmem:s11+$0xB0]  }
0x25e: {  	v16 =	vmov s22;
	v17 =	vld [tilespmem:s11+$0xC0]  }
0x25f: {  	v18 =	vld [tilespmem:s11+$0xD0];
	v16 =	vand.u32 $0xFFFFFFFE, v16  }
0x260: {  	v19 =	vld [tilespmem:s11+$0xE0];
	v16 =	vbroadcast v16, $0x0  }
0x261: {  	v55 =	vld [tilespmem:s11+$0xF0];
	[tilespmem:s11+$0x30] =	vst v12;
	v6 =	vmul.f32 v6, v4  }
0x262: {  	v7 =	vld.idx.msk [tilespmem:v7+s1+$0x0], $0xffff;
	[tilespmem:s11+$0x40] =	vst v13;
	v56 =	vmul.f32 v5, v4  }
0x263: {  	s18 =	sadd.s32 $0x200, s11;
	v57 =	vld.idx.msk [tilespmem:v8+s1+$0x0], $0xffff;
	v10 =	vmul.f32 v10, v3;
	[tilespmem:s11+$0x50] =	vst v6  }
0x264: {  	v20 =	vld [tilespmem:s18+$0xFFFFFF10];
	v58 =	vmul.f32 v9, v3;
	[tilespmem:s11+$0x60] =	vst v56  }
0x265: {  	v23 =	vld [tilespmem:s18+$0xFFFFFF30];
	[tilespmem:s11+$0x80] =	vst v10;
	v60 =	vmul.f32 v11, v3  }
0x266: {  	[tilespmem:s11+$0x90] =	vst v58;
	v62 =	vmul.f32 v15, v3;
	v61 =	vld.idx.msk [tilespmem:v16+s1+$0x0], $0xffff  }
0x267: {  	v18 =	vmul.f32 v18, v3;
	[tilespmem:s11+$0xA0] =	vst v60;
	v16 =	vmul.f32 v17, v3;
	v17 =	vld [tilespmem:s18+$0xFFFFFF00]  }
0x268: {  	v14 =	vand.u32 $0xFFFFFFFD, v14;
	v26 =	vld [tilespmem:s18+$0xFFFFFF50];
	v21 =	vmul.f32 v19, v3;
	[tilespmem:s11+$0xB0] =	vst v62  }
0x269: {  	v14 =	vbroadcast v14, $0x0;
	v22 =	vld [tilespmem:s18+$0xFFFFFF20];
	v27 =	vmul.f32 v20, v57;
	[tilespmem:s21+$0xD0] =	vst v18  }
0x26a: {  	v29 =	vld [tilespmem:s18+$0xFFFFFF70];
	v3 =	vmul.f32 v55, v3;
	[tilespmem:s21+$0xE0] =	vst v21  }
0x26b: {  	v24 =	vld [tilespmem:s18+$0xFFFFFF40];
	v6 =	vmul.f32 v23, v57;
	[tilespmem:s18+$0xFFFFFF10] =	vst v27  }
0x26c: {  	v53 =	vld [tilespmem:s18+$0xA0];
	[tilespmem:s21+$0xF0] =	vst v3;
	v3 =	vmul.f32 v17, v57  }
0x26d: {  	v28 =	vld [tilespmem:s18+$0xFFFFFF60];
	v32 =	vmul.f32 v26, v57;
	[tilespmem:s18+$0xFFFFFF30] =	vst v6  }
0x26e: {  	v30 =	vld [tilespmem:s18+$0xFFFFFF80];
	[tilespmem:s18+$0xFFFFFF00] =	vst v3;
	v3 =	vmul.f32 v22, v57  }
0x26f: {  	v5 =	vmul.f32 v29, v57;
	v59 =	vld.idx.msk [tilespmem:v14+s1+$0x0], $0xffff;
	[tilespmem:s18+$0xFFFFFF50] =	vst v32  }
0x270: {  	v56 =	vld [tilespmem:s18+$0xC0];
	[tilespmem:s18+$0xFFFFFF20] =	vst v3;
	v3 =	vmul.f32 v24, v57  }
0x271: {  	v33 =	vld [tilespmem:s18+$0xFFFFFFA0];
	v60 =	vmul.f32 v53, v7;
	[tilespmem:s18+$0xFFFFFF70] =	vst v5  }
0x272: {  	v31 =	vld [tilespmem:s18+$0xFFFFFF90];
	[tilespmem:s18+$0xFFFFFF40] =	vst v3;
	v3 =	vmul.f32 v28, v57  }
0x273: {  	v35 =	vld [tilespmem:s18+$0xFFFFFFC0];
	[tilespmem:s18+$0xA0] =	vst v60  }
0x274: {  	v34 =	vld [tilespmem:s18+$0xFFFFFFB0];
	[tilespmem:s18+$0xFFFFFF60] =	vst v3;
	v3 =	vmul.f32 v30, v59  }
0x275: {  	v37 =	vld [tilespmem:s18+$0xFFFFFFE0];
	v62 =	vmul.f32 v56, v7;
	[tilespmem:s21+$0xC0] =	vst v16  }
0x276: {  	v36 =	vld [tilespmem:s18+$0xFFFFFFD0];
	[tilespmem:s18+$0xFFFFFF80] =	vst v3;
	v3 =	vmul.f32 v33, v59  }
0x277: {  	v40 =	vld [tilespmem:s18+$0x0];
	[tilespmem:s18+$0xC0] =	vst v62;
	v4 =	vmul.f32 v31, v59  }
0x278: {  	v38 =	vld [tilespmem:s18+$0xFFFFFFF0];
	[tilespmem:s18+$0xFFFFFFA0] =	vst v3;
	v3 =	vmul.f32 v35, v59  }
0x279: {  	v43 =	vld [tilespmem:s18+$0x20];
	v39 =	vmul.f32 v34, v59;
	[tilespmem:s18+$0xFFFFFF90] =	vst v4  }
0x27a: {  	v63 =	vld [tilespmem:s18+$0x70];
	[tilespmem:s18+$0xFFFFFFC0] =	vst v3;
	v3 =	vmul.f32 v37, v59  }
0x27b: {  	v46 =	vld [tilespmem:s18+$0x40];
	v42 =	vmul.f32 v36, v59;
	[tilespmem:s18+$0xFFFFFFB0] =	vst v39  }
0x27c: {  	v41 =	vld [tilespmem:s18+$0x10];
	[tilespmem:s18+$0xFFFFFFE0] =	vst v3;
	v3 =	vmul.f32 v40, v61  }
0x27d: {  	v49 =	vld [tilespmem:s18+$0x60];
	v45 =	vmul.f32 v38, v59;
	[tilespmem:s18+$0xFFFFFFD0] =	vst v42  }
0x27e: {  	v44 =	vld [tilespmem:s18+$0x30];
	[tilespmem:s18+$0x0] =	vst v3;
	v3 =	vmul.f32 v43, v61  }
0x27f: {  	v52 =	vld [tilespmem:s18+$0x90];
	v25 =	vmul.f32 v63, v61;
	[tilespmem:s18+$0xFFFFFFF0] =	vst v45  }
0x280: {  	v47 =	vld [tilespmem:s18+$0x50];
	[tilespmem:s18+$0x20] =	vst v3;
	v3 =	vmul.f32 v46, v61  }
0x281: {  	v55 =	vld [tilespmem:s18+$0xB0];
	v48 =	vmul.f32 v41, v61;
	[tilespmem:s18+$0x70] =	vst v25  }
0x282: {  	v50 =	vld [tilespmem:s18+$0x80];
	[tilespmem:s18+$0x40] =	vst v3;
	v3 =	vmul.f32 v49, v61  }
0x283: {  	v58 =	vld [tilespmem:s18+$0xD0];
	v51 =	vmul.f32 v44, v61;
	[tilespmem:s18+$0x10] =	vst v48  }
0x284: {  	v59 =	vld [tilespmem:s18+$0xE0];
	[tilespmem:s18+$0x60] =	vst v3;
	v3 =	vmul.f32 v52, v7  }
0x285: {  	v54 =	vmul.f32 v47, v61;
	[tilespmem:s18+$0x30] =	vst v51;
	v61 =	vld [tilespmem:s18+$0xF0]  }
0x286: {  	[tilespmem:s18+$0x90] =	vst v3;
	v3 =	vmul.f32 v55, v7  }
0x287: {  	[tilespmem:s18+$0x50] =	vst v54;
	v57 =	vmul.f32 v50, v7  }
0x288: {  	[tilespmem:s18+$0xB0] =	vst v3;
	v3 =	vmul.f32 v58, v7  }
0x289: {  	s28 =	sadd.s32 $0x1, s28;
	[tilespmem:s18+$0x80] =	vst v57;
	v63 =	vmul.f32 v59, v7  }
0x28a: {  	p0 =	sne.s32 s28, $0x38;
	[tilespmem:s18+$0xD0] =	vst v3;
	v3 =	vmul.f32 v61, v7  }
.Ltmp3:
0x28b: {  	[tilespmem:s18+$0xE0] =	vst v63;
	(pc) =	sbr.rel @p0 .LBB2_4-.Ltmp3, $4  }
0x28c: {  	[tilespmem:s18+$0xF0] =	vst v3  }
0x28d: {  	[spmem:s2] =	stream.indirect.scatter.add.f32 [tilespmem:s26], [sflag:$0x6], $0x80, s4, s24, $0xb8;
	[tilespmem:$0x1EC28] =	vst v63  }
0x28e: {  	_ = 	snop  }
0x28f: {  	[spmem:s3] =	stream.indirect.scatter.add.f32 [tilespmem:s1], [sflag:$0x6], $0x1, s4, s24, $0xb8;
	[tilespmem:$0x1EC28] =	vst v63  }
0x290: {  	s9 =	simm.s32 $0x5  }
0x291: {  	_ =	swait.ge [sflag:s9], $0x3000  }
0x292: {  	[sflag:s9] =	ssyncset.done $0x0  }
0x293: {  	[sflag:s9] =	ssyncadd.s32 $0xFFFFD000  }
0x294: {  	_ =	swait.ge [sflag:s9], $0x60  }
0x295: {  	[sflag:s9] =	ssyncset.done $0x0  }
0x296: {  	s15 =	simm.s32 $0x6;
	[sflag:s9] =	ssyncadd.s32 $0xFFFFFFA0  }
0x297: {  	_ =	swait.ge [sflag:s15], $0x3000  }
0x298: {  	[sflag:s15] =	ssyncset.done $0x0  }
0x299: {  	[sflag:s15] =	ssyncadd.s32 $0xFFFFD000  }
0x29a: {  	_ =	swait.ge [sflag:s15], $0x60  }
0x29b: {  	[sflag:s15] =	ssyncset.done $0x0  }
0x29c: {  	s17 =	simm.s32 $0x3;
	[sflag:s15] =	ssyncadd.s32 $0xFFFFFFA0  }
0x29d: {  	_ =	swait.ge [sflag:s17], $0x60  }
0x29e: {  	[sflag:s17] =	ssyncset.done $0x0  }
0x29f: {  	[sflag:s17] =	ssyncadd.s32 $0xFFFFFFA0  }
0x2a0: {  	_ =	swait.ge [sflag:s17], $0x60  }
0x2a1: {  	[sflag:s17] =	ssyncset.done $0x0  }
0x2a2: {  	s18 =	simm.s32 $0x4;
	[sflag:s17] =	ssyncadd.s32 $0xFFFFFFA0  }
0x2a3: {  	_ =	swait.ge [sflag:s18], $0x60  }
0x2a4: {  	[sflag:s18] =	ssyncset.done $0x0  }
0x2a5: {  	[sflag:s18] =	ssyncadd.s32 $0xFFFFFFA0  }
0x2a6: {  	_ =	swait.ge [sflag:s18], $0x60  }
0x2a7: {  	[sflag:s18] =	ssyncset.done $0x0  }
0x2a8: {  	[sflag:s18] =	ssyncadd.s32 $0xFFFFFFA0  }
0x2a9: {  	s21 =	stileid.u32;
	[bflag:$0x0] =	sbarrier.arrive $0xFFFF  }
0x2aa: {  	s9 =	sshll.u32 s21, $0x6;
	s17 =	rddreg [dreg:$0x7]  }
0x2ab: {  	s9 =	sor.u32 $0x1C07, s9;
	s18 =	rddreg [dreg:$0x17];
	s11 =	sshrl.u32 s17, $0x3  }
0x2ac: {  	[hbm:s18], [sflag:s9] =	dma.local [spmem:s11], $0x2800  }
0x2ad: {  	_ =	swait.ge [sflag:s13], $0x2800  }
0x2ae: {  	[sflag:s13] =	ssyncset.done $0x0;
	s18 =	rddreg [dreg:$0x10]  }
0x2af: {  	s21 =	rddreg [dreg:$0x18];
	[sflag:s13] =	ssyncadd.s32 $0xFFFFD800;
	s22 =	sshrl.u32 s18, $0x3  }
0x2b0: {  	[hbm:s21], [sflag:s9] =	dma.local [spmem:s22], $0x50  }
0x2b1: {  	_ =	swait.ge [sflag:s13], $0x50  }
0x2b2: {  	s28 =	rddreg [dreg:$0x1c]  }
0x2b3: {  	s29 =	rddreg [dreg:$0x19];
	s11 =	sadd.s32 $0x1, s28  }
0x2b4: {  	p0 =	sne.s32 s11, s29  }
.Ltmp4:
0x2b5: {  	_ = 	snop;
	(pc) =	sbr.rel @p0 .LBB2_1-.Ltmp4, $3  }
0x2b6: {  	_ =	sdelay $0x1  }
0x2b7: {  	[sflag:s13] =	ssyncset.done $0x0  }
0x2b8: {  	[sflag:s13] =	ssyncadd.s32 $0xFFFFFFB0  }
0x2b9: {  	_ =	sfence.sel $0x180000  }
0x2ba: {  	[bflag:$0x0] =	sbarrier.arrive $0xFFFF  }
0x2bb: {  	_ =	strace $0x90000047  }
0x2bc: {  	s0 =	stileid.u32;
	[bflag:$0x2] =	sbarrier.arrive $0xFFFF  }
0x2bd: {  	p0 =	sne.s32 s0, $0x0;
	s0 =	rddreg [dreg:$0x4]  }
0x2be: {  	s0 =	sadd.s32 @!p0 $0x100000, s0  }
0x2bf: {  	[sflag:s0] =	ssyncadd.tile.s32 @!p0 $0x1;
	_ =	shalt  }
.Lfunc_end2:
_tile_overlayer_lowered:
.L_overlay_start_2:
0x2c0: {  	(tag) =	ssettag $0x2  }
0x2c1: {  	s0 =	rddreg [dreg:$0x0];
	s2 =	stileid.u32  }
0x2c2: {  	s1 =	rddreg [dreg:$0x1];
	p0 =	sne.s32 s2, $0x0  }
0x2c3: {  	s3 =	rddreg [dreg:$0x2];
	[bflag:$0x3] =	sbarrier.arrive $0xFFFF;
	s2 =	simm.s32 @!p0 $0x1C07  }
0x2c4: {  	[timem:s3], [sflag:s2] =	dma.local @!p0 [hbm:s0], s1  }
0x2c5: {  	s0 =	simm.s32 @!p0 $0x7  }
0x2c6: {  	_ =	swait.ge @!p0 [sflag:s0], s1  }
0x2c7: {  	s1 =	ssub.s32 @!p0 $0x0, s1;
	[sflag:s0] =	ssyncset.done @!p0 $0x0  }
0x2c8: {  	[sflag:s0] =	ssyncadd.s32 @!p0 s1  }
0x2c9: {  	[bflag:$0x3] =	sbarrier.arrive $0xFFFF  }
0x2ca: {  	_ =	shalt  }

</sc_bundles>
